<compile_context>
chip_gen: v7x
topology: tpu7x:2x2x1
jax: 0.10.2.dev20260603
libtpu: 0.0.44.dev20260713+nightly
codegen_flags: <defaults>
</compile_context>

<pallas_src>
import jax
import jax.numpy as jnp
from jax.experimental import pallas as pl
from jax.experimental.pallas import tpu as pltpu
from jax.experimental.pallas import tpu_sc as plsc

E = 64
TOP_K = 8
D_MODEL = 1024
D_FF = 512
N_GROUP = 8
TOPK_GROUP = 4
T = 2048
GS = E // N_GROUP
M = T * TOP_K
TM = 512
NT = M // TM
NV = NT + E - 1


def _routing_kernel(x_ref, gw_ref, pos_ref, wk_ref, counts_ref):
    x = x_ref[...]
    gw = gw_ref[...]
    logits = jax.lax.dot_general(x, gw, (((1,), (1,)), ((), ())),
                                 preferred_element_type=jnp.float32)
    m = jnp.max(logits, axis=1, keepdims=True)
    ex = jnp.exp(logits - m)
    scores = ex / jnp.sum(ex, axis=1, keepdims=True)

    lane = jax.lax.broadcasted_iota(jnp.int32, (T, E), 1)
    group_of_lane = lane // GS

    G = jnp.zeros((T, E), jnp.float32)
    gmaxes = []
    for g in range(N_GROUP):
        gm = jnp.max(jnp.where(group_of_lane == g, scores, -jnp.inf), axis=1,
                     keepdims=True)
        gmaxes.append(gm)
        G = jnp.where(group_of_lane == g, gm, G)

    rank = jnp.zeros((T, E), jnp.int32)
    for g in range(N_GROUP):
        gm = gmaxes[g]
        rank = rank + jnp.where(gm > G, 1, 0) \
                    + jnp.where((gm == G) & (g < group_of_lane), 1, 0)
    ms = jnp.where(rank < TOPK_GROUP, scores, 0.0)

    work = ms
    denom = jnp.zeros((T, 1), jnp.float32)
    picks = []
    mxs = []
    for _ in range(TOP_K):
        mx = jnp.max(work, axis=1, keepdims=True)
        pick_lane = jnp.min(jnp.where(work == mx, lane, E), axis=1,
                            keepdims=True)
        pick = lane == pick_lane
        picks.append(pick)
        mxs.append(mx)
        denom = denom + mx
        work = jnp.where(pick, -1.0, work)

    chosen = picks[0]
    for p in picks[1:]:
        chosen = chosen | p
    c32 = chosen.astype(jnp.int32)

    inc = c32
    s = 1
    while s < T:
        shifted = jnp.concatenate(
            [jnp.zeros((s, E), jnp.int32), inc[: T - s, :]], axis=0)
        inc = inc + shifted
        s *= 2
    col_excl = inc - c32

    counts = jnp.sum(c32, axis=0, keepdims=True)
    counts_ref[...] = counts

    off = counts
    s = 1
    while s < E:
        off_sh = jnp.concatenate(
            [jnp.zeros((1, s), jnp.int32), off[:, : E - s]], axis=1)
        off = off + off_sh
        s *= 2
    offsets = off - counts

    posmat = offsets + col_excl

    inv_denom = 1.0 / (denom + 1e-20)
    pos_cols = []
    wk_cols = []
    for k in range(TOP_K):
        pos_cols.append(jnp.sum(jnp.where(picks[k], posmat, 0), axis=1,
                                keepdims=True))
        wk_cols.append(mxs[k] * inv_denom)
    pos_ref[...] = jnp.concatenate(pos_cols, axis=1)
    wk_ref[...] = jnp.concatenate(wk_cols, axis=1)


def _gmm_kernel(vt_ref, ve_ref, lo_ref, hi_ref, fr_ref,
                xs_ref, w1_ref, w3_ref, w2_ref, ys_ref):
    v = pl.program_id(0)
    lo = lo_ref[v]
    hi = hi_ref[v]
    row0 = vt_ref[v] * TM
    rows = row0 + jax.lax.broadcasted_iota(jnp.int32, (TM, 1), 0)
    mask = (rows >= lo) & (rows < hi)

    x = xs_ref[...].astype(jnp.bfloat16)
    w1e = w1_ref[0].astype(jnp.bfloat16)
    w3e = w3_ref[0].astype(jnp.bfloat16)
    w2e = w2_ref[0].astype(jnp.bfloat16)
    h1 = jax.lax.dot_general(x, w1e, (((1,), (1,)), ((), ())),
                             preferred_element_type=jnp.float32)
    h3 = jax.lax.dot_general(x, w3e, (((1,), (1,)), ((), ())),
                             preferred_element_type=jnp.float32)
    h = ((h1 * jax.nn.sigmoid(h1)) * h3).astype(jnp.bfloat16)
    y = jax.lax.dot_general(h, w2e, (((1,), (1,)), ((), ())),
                            preferred_element_type=jnp.float32)
    contrib = jnp.where(mask, y, 0.0)

    @pl.when(fr_ref[v] == 1)
    def _():
        ys_ref[...] = contrib

    @pl.when(fr_ref[v] == 0)
    def _():
        ys_ref[...] = ys_ref[...] + contrib


TOKW = 128
SCW = 128
GW = 128
QTR = D_MODEL // 4


def _sc_mesh():
    return plsc.VectorSubcoreMesh(core_axis_name="core",
                                  subcore_axis_name="subcore")


def _scatter_tok(tokw, posflat):
    @pl.kernel(out_type=jax.ShapeDtypeStruct((M, TOKW), jnp.int32),
               mesh=_sc_mesh(), scratch_types=[])
    def k(tok_hbm, pos_hbm, o_hbm):
        def body(x_vmem, i_vmem):
            pltpu.sync_copy(x_vmem, o_hbm.at[i_vmem.at[0]])

        pltpu.emit_pipeline(
            body,
            grid=(M // SCW,),
            in_specs=[
                pl.BlockSpec((SCW, TOKW), lambda i: (i, 0)),
                pl.BlockSpec((1, SCW), lambda i: (0, i)),
            ],
            out_specs=[],
            core_axis_name=("core", "subcore"),
            dimension_semantics=(pltpu.PARALLEL,),
        )(tok_hbm, pos_hbm)

    return k(tokw, posflat)


def _sc_row_gather(src, idx):
    src4 = src.reshape(-1, QTR)
    idx4 = (4 * idx[:, None] + jnp.arange(4, dtype=jnp.int32)).reshape(
        1, 4 * M)
    n4 = 4 * M

    @pl.kernel(out_type=jax.ShapeDtypeStruct((n4, QTR), jnp.float32),
               mesh=_sc_mesh(), scratch_types=[])
    def k(src_hbm, i_hbm, o_hbm):
        def body(i_vmem, o_vmem):
            pltpu.sync_copy(src_hbm.at[i_vmem.at[0]], o_vmem)

        pltpu.emit_pipeline(
            body,
            grid=(n4 // GW,),
            in_specs=[pl.BlockSpec((1, GW), lambda i: (0, i))],
            out_specs=[pl.BlockSpec((GW, QTR), lambda i: (i, 0))],
            core_axis_name=("core", "subcore"),
            dimension_semantics=(pltpu.PARALLEL,),
        )(i_hbm, o_hbm)

    return k(src4, idx4).reshape(M, D_MODEL)


def _combine_kernel(yg_ref, wk_ref, o_ref):
    acc = jnp.zeros((o_ref.shape[0], D_MODEL), jnp.float32)
    for k in range(TOP_K):
        acc = acc + (wk_ref[:, k:k + 1]
                     * yg_ref[:, k * D_MODEL:(k + 1) * D_MODEL])
    o_ref[...] = acc


def kernel(hidden_states, layer_idx, gate_w, w1, w3, w2):
    del layer_idx
    i32 = jnp.int32

    pos, wk, counts2d = pl.pallas_call(
        _routing_kernel,
        out_shape=(
            jax.ShapeDtypeStruct((T, TOP_K), i32),
            jax.ShapeDtypeStruct((T, TOP_K), jnp.float32),
            jax.ShapeDtypeStruct((1, E), i32),
        ),
    )(hidden_states, gate_w)

    counts = counts2d[0]
    offsets = jnp.concatenate(
        [jnp.zeros((1,), i32), jnp.cumsum(counts, dtype=i32)])
    f_e = offsets[:E] // TM
    l_e = jnp.maximum(offsets[1:] - 1, 0) // TM
    nv_e = jnp.where(counts > 0, l_e - f_e + 1, 0)
    n_vis = jnp.sum(nv_e)
    start_vis = jnp.cumsum(nv_e) - nv_e
    vidx = jnp.arange(NV, dtype=i32)
    valid = vidx < n_vis
    ve = jnp.where(valid, jnp.repeat(jnp.arange(E, dtype=i32), nv_e,
                                     total_repeat_length=NV), E - 1)
    vt = jnp.where(valid, f_e[ve] + (vidx - start_vis[ve]), NT - 1)
    vt = jnp.clip(vt, 0, NT - 1).astype(i32)
    lo = jnp.where(valid, offsets[ve], 0).astype(i32)
    hi = jnp.where(valid, offsets[ve + 1], 0).astype(i32)
    fr = (jnp.concatenate([jnp.ones((1,), jnp.bool_), vt[1:] != vt[:-1]])
          & valid).astype(i32)

    posflat = pos.reshape(1, M)

    tok8w = jnp.broadcast_to(
        jnp.repeat(jnp.arange(T, dtype=i32), TOP_K)[:, None], (M, TOKW))
    sorted_tokw = _scatter_tok(tok8w, posflat)
    sorted_tok = sorted_tokw[:, 0]
    xs = _sc_row_gather(hidden_states, sorted_tok)

    ys = pl.pallas_call(
        _gmm_kernel,
        grid_spec=pltpu.PrefetchScalarGridSpec(
            num_scalar_prefetch=5,
            grid=(NV,),
            in_specs=[
                pl.BlockSpec((TM, D_MODEL),
                             lambda v, vt, ve, lo, hi, fr: (vt[v], 0)),
                pl.BlockSpec((1, D_FF, D_MODEL),
                             lambda v, vt, ve, lo, hi, fr: (ve[v], 0, 0)),
                pl.BlockSpec((1, D_FF, D_MODEL),
                             lambda v, vt, ve, lo, hi, fr: (ve[v], 0, 0)),
                pl.BlockSpec((1, D_MODEL, D_FF),
                             lambda v, vt, ve, lo, hi, fr: (ve[v], 0, 0)),
            ],
            out_specs=pl.BlockSpec((TM, D_MODEL),
                                   lambda v, vt, ve, lo, hi, fr: (vt[v], 0)),
        ),
        out_shape=jax.ShapeDtypeStruct((M, D_MODEL), jnp.float32),
    )(vt, ve, lo, hi, fr, xs, w1, w3, w2)

    yg = _sc_row_gather(ys, posflat[0])

    out = pl.pallas_call(
        _combine_kernel,
        grid=(8,),
        in_specs=[
            pl.BlockSpec((T // 8, TOP_K * D_MODEL), lambda i: (i, 0)),
            pl.BlockSpec((T // 8, TOP_K), lambda i: (i, 0)),
        ],
        out_specs=pl.BlockSpec((T // 8, D_MODEL), lambda i: (i, 0)),
        out_shape=jax.ShapeDtypeStruct((T, D_MODEL), jnp.float32),
    )(yg.reshape(T, TOP_K * D_MODEL), wk)
    return out

# --- scband reference (transcript-rebuilt; emitter-appended) ---
"""Pipeline reference for scband-deepseek-mo-e-65420941852890 (READ-ONLY COPY).

The authoritative reference and input builder live on the scoring server;
editing this copy changes nothing except your own understanding.
"""

import jax, jax.numpy as jnp
import numpy as np

E = 64
TOP_K = 8
D_MODEL = 1024
D_FF = 512
N_GROUP = 8
TOPK_GROUP = 4
T = 2048


def setup_inputs(seed: int = 0):
    key = jax.random.key(seed)
    ks = jax.random.split(key, 5)
    hidden_states = jax.random.normal(ks[0], (T, D_MODEL), dtype=jnp.float32)
    gate_w = jax.random.normal(ks[1], (E, D_MODEL), dtype=jnp.float32) * 0.05
    w1 = jax.random.normal(ks[2], (E, D_FF, D_MODEL), dtype=jnp.float32) * 0.05
    w3 = jax.random.normal(ks[3], (E, D_FF, D_MODEL), dtype=jnp.float32) * 0.05
    w2 = jax.random.normal(ks[4], (E, D_MODEL, D_FF), dtype=jnp.float32) * 0.05
    return {"hidden_states": hidden_states, "layer_idx": 1, "gate_w": gate_w, "w1": w1, "w3": w3, "w2": w2}


def _grouped_topk(scores):
    # DeepSeek grouped top-k routing (softmax path, correction_bias=None)
    n_tok = scores.shape[0]
    group_scores = scores.reshape(n_tok, N_GROUP, E // N_GROUP).max(axis=-1)
    _, group_idx = jax.lax.top_k(group_scores, TOPK_GROUP)
    group_mask = jnp.zeros((n_tok, N_GROUP), dtype=jnp.float32).at[jnp.arange(n_tok)[:, None], group_idx].set(1.0)
    score_mask = jnp.repeat(group_mask, E // N_GROUP, axis=1)
    masked_scores = jnp.where(score_mask > 0, scores, 0.0)
    topk_w, topk_ids = jax.lax.top_k(masked_scores, TOP_K)
    # renormalize (norm_topk_prob=True)
    topk_w = topk_w / (jnp.sum(topk_w, axis=-1, keepdims=True) + 1e-20)
    return topk_w, topk_ids


def reference(hidden_states, layer_idx, gate_w, w1, w3, w2):
    # MoEGate: logits = F.linear(hidden_states, weight)
    logits = hidden_states @ gate_w.T
    scores = jax.nn.softmax(logits, axis=-1)
    topk_w, topk_ids = _grouped_topk(scores)
    # EPMoE expert compute: per-expert SwiGLU MLP, weighted scatter-add combine
    def expert_step(out, expert):
        e, w1e, w3e, w2e = expert
        weight_e = jnp.sum(jnp.where(topk_ids == e, topk_w, 0.0), axis=-1)
        ye = (jax.nn.silu(hidden_states @ w1e.T) * (hidden_states @ w3e.T)) @ w2e.T
        return out + weight_e[:, None] * ye, None

    out0 = jnp.zeros_like(hidden_states)
    out, _ = jax.lax.scan(expert_step, out0, (jnp.arange(E, dtype=jnp.int32), w1, w3, w2))
    return out

if __name__ == "__main__":
    import jax
    _d = setup_inputs()
    print(jax.jit(kernel)(*tuple(_d.values())))

</pallas_src>

<mosaic_0001>
#map = affine_map<(d0, d1) -> (0, 0)>
module attributes {stable_mosaic.version = 14 : i64} {
  func.func @k(%arg0: i32, %arg1: i32, %arg2: memref<16384x128xi32, #tpu.memory_space<hbm>>, %arg3: memref<1x16384xi32, #tpu.memory_space<hbm>>, %arg4: memref<16384x128xi32, #tpu.memory_space<hbm>>) attributes {dimension_semantics = [#tpu.dimension_semantics<core_parallel>, #tpu.dimension_semantics<subcore_parallel>], iteration_bounds = array<i64: 2, 16>, scalar_prefetch = 0 : i64, scratch_operands = 0 : i64, tpu.core_type = #tpu.core_type<sc_vector_subcore>, window_params = [{transform_indices = #map}, {transform_indices = #map}, {transform_indices = #map}]} {
    %mul3A = arith.constant 1 : i32
    %mul3A_0 = arith.muli %arg1, %mul3A : i32
    %add3A = arith.constant 0 : i32
    %add3A_1 = arith.addi %add3A, %mul3A_0 : i32
    %mul3A_2 = arith.constant 16 : i32
    %mul3A_3 = arith.muli %arg0, %mul3A_2 : i32
    %add3A_4 = arith.addi %add3A_1, %mul3A_3 : i32
    %mul3A_5 = arith.constant 4 : i32
    %mul3A_6 = arith.muli %add3A_4, %mul3A_5 : i32
    "tpu.region"() ({
      %run_scoped3A = memref.alloca() : memref<2x128x128xi32, #tpu.memory_space<vmem>>
      %run_scoped3A_7 = tpu.sem_alloc : memref<2x!tpu.dma_semaphore, #tpu.memory_space<semaphore_mem>>
      %run_scoped3A_8 = memref.alloca() : memref<2x1x128xi32, #tpu.memory_space<vmem>>
      %run_scoped3A_9 = tpu.sem_alloc : memref<2x!tpu.dma_semaphore, #tpu.memory_space<semaphore_mem>>
      %add3A_10 = arith.constant 0 : i32
      %add3A_11 = arith.addi %add3A_10, %mul3A_6 : i32
      %select_n3A = arith.constant true
      %select_n3A_12 = arith.constant 0 : i32
      %select_n3A_13 = arith.constant -1 : i32
      %select_n3A_14 = arith.select %select_n3A, %select_n3A_13, %select_n3A_12 : i32
      %eq3A = arith.constant -1 : i32
      %eq3A_15 = arith.cmpi eq, %select_n3A_14, %eq3A : i32
      %select_n3A_16 = arith.constant 3 : i32
      %select_n3A_17 = arith.select %eq3A_15, %select_n3A_16, %select_n3A_14 : i32
      %add3A_18 = arith.addi %select_n3A_17, %mul3A_6 : i32
      %select_n3A_19 = arith.constant true
      %select_n3A_20 = arith.constant 0 : i32
      %select_n3A_21 = arith.constant 1 : i32
      %select_n3A_22 = arith.select %select_n3A_19, %select_n3A_21, %select_n3A_20 : i32
      %eq3A_23 = arith.constant 4 : i32
      %eq3A_24 = arith.cmpi eq, %select_n3A_22, %eq3A_23 : i32
      %select_n3A_25 = arith.constant 0 : i32
      %select_n3A_26 = arith.select %eq3A_24, %select_n3A_25, %select_n3A_22 : i32
      %add3A_27 = arith.addi %select_n3A_26, %mul3A_6 : i32
      %add3A_28 = arith.constant 1 : i32
      %add3A_29 = arith.addi %select_n3A_26, %add3A_28 : i32
      %select_n3A_30 = arith.constant true
      %select_n3A_31 = arith.select %select_n3A_30, %add3A_29, %select_n3A_26 : i32
      %eq3A_32 = arith.constant 4 : i32
      %eq3A_33 = arith.cmpi eq, %select_n3A_31, %eq3A_32 : i32
      %select_n3A_34 = arith.constant 0 : i32
      %select_n3A_35 = arith.select %eq3A_33, %select_n3A_34, %select_n3A_31 : i32
      %add3A_36 = arith.addi %select_n3A_35, %mul3A_6 : i32
      "tpu.trace_start"() <{level = 10 : i32, message = "ep_initialize_0"}> : () -> ()
      %rem3A = arith.constant 0 : i32
      %rem3A_37 = arith.constant 2 : i32
      %rem3A_38 = arith.remui %rem3A, %rem3A_37 : i32
      %mul3A_39 = arith.constant 128 : i32
      %mul3A_40 = arith.muli %mul3A_39, %add3A_11 : i32
      %dma_start3A = arith.constant 0 : i32
      %dma_start3A_41 = arith.constant 0 : i32
      %dma_start3A_42 = tpu.memref_slice %run_scoped3A[%rem3A_38, %dma_start3A, %dma_start3A_41] : memref<2x128x128xi32, #tpu.memory_space<vmem>> -> memref<1x128x128xi32, #tpu.memory_space<vmem>>
      %dma_start3A_43 = tpu.memref_squeeze %dma_start3A_42 : memref<1x128x128xi32, #tpu.memory_space<vmem>> -> memref<128x128xi32, #tpu.memory_space<vmem>>
      %dma_start3A_44 = arith.constant 0 : i32
      %dma_start3A_45 = tpu.memref_slice %arg2[%mul3A_40, %dma_start3A_44] : memref<16384x128xi32, #tpu.memory_space<hbm>> -> memref<128x128xi32, #tpu.memory_space<hbm>>
      %dma_start3A_46 = tpu.memref_slice %run_scoped3A_7[%rem3A_38] : memref<2x!tpu.dma_semaphore, #tpu.memory_space<semaphore_mem>> -> memref<1x!tpu.dma_semaphore, #tpu.memory_space<semaphore_mem>>
      %dma_start3A_47 = tpu.memref_squeeze %dma_start3A_46 : memref<1x!tpu.dma_semaphore, #tpu.memory_space<semaphore_mem>> -> memref<!tpu.dma_semaphore, #tpu.memory_space<semaphore_mem>>
      %dma_start3A_48 = arith.constant 0 : i32
      %dma_start3A_49 = arith.constant 0 : i32
      %dma_start3A_50 = tpu.memref_slice %run_scoped3A[%rem3A_38, %dma_start3A_48, %dma_start3A_49] : memref<2x128x128xi32, #tpu.memory_space<vmem>> -> memref<1x128x128xi32, #tpu.memory_space<vmem>>
      %dma_start3A_51 = tpu.memref_squeeze %dma_start3A_50 : memref<1x128x128xi32, #tpu.memory_space<vmem>> -> memref<128x128xi32, #tpu.memory_space<vmem>>
      %dma_start3A_52 = arith.constant 0 : i32
      %dma_start3A_53 = tpu.memref_slice %arg2[%mul3A_40, %dma_start3A_52] : memref<16384x128xi32, #tpu.memory_space<hbm>> -> memref<128x128xi32, #tpu.memory_space<hbm>>
      tpu.enqueue_dma source(%dma_start3A_53 : memref<128x128xi32, #tpu.memory_space<hbm>>) target(%dma_start3A_51 : memref<128x128xi32, #tpu.memory_space<vmem>>) target_semaphore(%dma_start3A_47 : memref<!tpu.dma_semaphore, #tpu.memory_space<semaphore_mem>>)
      %add3A_54 = arith.constant 0 : i32
      %add3A_55 = arith.constant 1 : i32
      %add3A_56 = arith.addi %add3A_54, %add3A_55 : i32
      %select_n3A_57 = arith.constant true
      %select_n3A_58 = arith.constant 0 : i32
      %select_n3A_59 = arith.select %select_n3A_57, %add3A_56, %select_n3A_58 : i32
      %rem3A_60 = arith.constant 0 : i32
      %rem3A_61 = arith.constant 2 : i32
      %rem3A_62 = arith.remui %rem3A_60, %rem3A_61 : i32
      %mul3A_63 = arith.constant 128 : i32
      %mul3A_64 = arith.muli %mul3A_63, %add3A_11 : i32
      %dma_start3A_65 = arith.constant 0 : i32
      %dma_start3A_66 = arith.constant 0 : i32
      %dma_start3A_67 = tpu.memref_slice %run_scoped3A_8[%rem3A_62, %dma_start3A_65, %dma_start3A_66] : memref<2x1x128xi32, #tpu.memory_space<vmem>> -> memref<1x1x128xi32, #tpu.memory_space<vmem>>
      %dma_start3A_68 = tpu.memref_squeeze %dma_start3A_67 : memref<1x1x128xi32, #tpu.memory_space<vmem>> -> memref<1x128xi32, #tpu.memory_space<vmem>>
      %dma_start3A_69 = arith.constant 0 : i32
      %dma_start3A_70 = tpu.memref_slice %arg3[%dma_start3A_69, %mul3A_64] : memref<1x16384xi32, #tpu.memory_space<hbm>> -> memref<1x128xi32, #tpu.memory_space<hbm>>
      %dma_start3A_71 = tpu.memref_slice %run_scoped3A_9[%rem3A_62] : memref<2x!tpu.dma_semaphore, #tpu.memory_space<semaphore_mem>> -> memref<1x!tpu.dma_semaphore, #tpu.memory_space<semaphore_mem>>
      %dma_start3A_72 = tpu.memref_squeeze %dma_start3A_71 : memref<1x!tpu.dma_semaphore, #tpu.memory_space<semaphore_mem>> -> memref<!tpu.dma_semaphore, #tpu.memory_space<semaphore_mem>>
      %dma_start3A_73 = arith.constant 0 : i32
      %dma_start3A_74 = arith.constant 0 : i32
      %dma_start3A_75 = tpu.memref_slice %run_scoped3A_8[%rem3A_62, %dma_start3A_73, %dma_start3A_74] : memref<2x1x128xi32, #tpu.memory_space<vmem>> -> memref<1x1x128xi32, #tpu.memory_space<vmem>>
      %dma_start3A_76 = tpu.memref_squeeze %dma_start3A_75 : memref<1x1x128xi32, #tpu.memory_space<vmem>> -> memref<1x128xi32, #tpu.memory_space<vmem>>
      %dma_start3A_77 = arith.constant 0 : i32
      %dma_start3A_78 = tpu.memref_slice %arg3[%dma_start3A_77, %mul3A_64] : memref<1x16384xi32, #tpu.memory_space<hbm>> -> memref<1x128xi32, #tpu.memory_space<hbm>>
      tpu.enqueue_dma source(%dma_start3A_78 : memref<1x128xi32, #tpu.memory_space<hbm>>) target(%dma_start3A_76 : memref<1x128xi32, #tpu.memory_space<vmem>>) target_semaphore(%dma_start3A_72 : memref<!tpu.dma_semaphore, #tpu.memory_space<semaphore_mem>>)
      %add3A_79 = arith.constant 0 : i32
      %add3A_80 = arith.constant 1 : i32
      %add3A_81 = arith.addi %add3A_79, %add3A_80 : i32
      %select_n3A_82 = arith.constant true
      %select_n3A_83 = arith.constant 0 : i32
      %select_n3A_84 = arith.select %select_n3A_82, %add3A_81, %select_n3A_83 : i32
      "tpu.trace_stop"() : () -> ()
      %scan3A = arith.constant 0 : i32
      %scan3A_85 = arith.constant 0 : i32
      %scan3A_86 = arith.constant 0 : i32
      %scan3A_87 = arith.constant 0 : i32
      %scan3A_88 = arith.constant 4 : i32
      %scan3A_89 = arith.addi %scan3A_87, %scan3A_88 : i32
      %scan3A_90 = arith.constant 1 : i32
      %scan3A_91:5 = scf.for %scan3A_128 = %scan3A_87 to %scan3A_89 step %scan3A_90 iter_args(%scan3A_129 = %select_n3A_59, %scan3A_130 = %scan3A, %scan3A_131 = %select_n3A_84, %scan3A_132 = %scan3A_85, %scan3A_133 = %scan3A_86) -> (i32, i32, i32, i32, i32)  : i32 {
        %eq3A_134 = arith.constant 0 : i32
        %eq3A_135 = arith.cmpi eq, %scan3A_128, %eq3A_134 : i32
        %eq3A_136 = arith.constant 3 : i32
        %eq3A_137 = arith.cmpi eq, %scan3A_128, %eq3A_136 : i32
        %add3A_138 = arith.addi %scan3A_133, %mul3A_6 : i32
        %sub3A_139 = arith.constant 1 : i32
        %sub3A_140 = arith.subi %scan3A_133, %sub3A_139 : i32
        %select_n3A_141 = arith.constant true
        %select_n3A_142 = arith.select %select_n3A_141, %sub3A_140, %scan3A_133 : i32
        %eq3A_143 = arith.constant -1 : i32
        %eq3A_144 = arith.cmpi eq, %select_n3A_142, %eq3A_143 : i32
        %select_n3A_145 = arith.constant 3 : i32
        %select_n3A_146 = arith.select %eq3A_144, %select_n3A_145, %select_n3A_142 : i32
        %add3A_147 = arith.addi %select_n3A_146, %mul3A_6 : i32
        %add3A_148 = arith.constant 1 : i32
        %add3A_149 = arith.addi %scan3A_133, %add3A_148 : i32
        %select_n3A_150 = arith.constant true
        %select_n3A_151 = arith.select %select_n3A_150, %add3A_149, %scan3A_133 : i32
        %eq3A_152 = arith.constant 4 : i32
        %eq3A_153 = arith.cmpi eq, %select_n3A_151, %eq3A_152 : i32
        %select_n3A_154 = arith.constant 0 : i32
        %select_n3A_155 = arith.select %eq3A_153, %select_n3A_154, %select_n3A_151 : i32
        %add3A_156 = arith.addi %select_n3A_155, %mul3A_6 : i32
        %add3A_157 = arith.constant 1 : i32
        %add3A_158 = arith.addi %select_n3A_155, %add3A_157 : i32
        %select_n3A_159 = arith.constant true
        %select_n3A_160 = arith.select %select_n3A_159, %add3A_158, %select_n3A_155 : i32
        %eq3A_161 = arith.constant 4 : i32
        %eq3A_162 = arith.cmpi eq, %select_n3A_160, %eq3A_161 : i32
        %select_n3A_163 = arith.constant 0 : i32
        %select_n3A_164 = arith.select %eq3A_162, %select_n3A_163, %select_n3A_160 : i32
        %add3A_165 = arith.addi %select_n3A_164, %mul3A_6 : i32
        %ne3A = arith.cmpi ne, %add3A_138, %add3A_156 : i32
        %or3A = arith.constant false
        %or3A_166 = arith.ori %or3A, %ne3A : i1
        %or3A_167 = arith.constant false
        %or3A_168 = arith.ori %or3A_166, %or3A_167 : i1
        %ge3A = arith.constant 3 : i32
        %ge3A_169 = arith.cmpi sge, %scan3A_128, %ge3A : i32
        %not3A = arith.constant true
        %not3A_170 = arith.xori %ge3A_169, %not3A : i1
        %and3A = arith.andi %or3A_168, %not3A_170 : i1
        %convert_element_type3A = arith.extui %and3A : i1 to i32
        %cond3A = arith.constant 0 : i32
        %cond3A_171 = arith.cmpi ne, %convert_element_type3A, %cond3A : i32
        scf.if %cond3A_171 {
          "tpu.trace_start"() <{level = 10 : i32, message = "ep_copy_in"}> : () -> ()
          %rem3A_282 = arith.constant 2 : i32
          %rem3A_283 = arith.remui %scan3A_129, %rem3A_282 : i32
          %mul3A_284 = arith.constant 128 : i32
          %mul3A_285 = arith.muli %mul3A_284, %add3A_156 : i32
          %dma_start3A_286 = arith.constant 0 : i32
          %dma_start3A_287 = arith.constant 0 : i32
          %dma_start3A_288 = tpu.memref_slice %run_scoped3A[%rem3A_283, %dma_start3A_286, %dma_start3A_287] : memref<2x128x128xi32, #tpu.memory_space<vmem>> -> memref<1x128x128xi32, #tpu.memory_space<vmem>>
          %dma_start3A_289 = tpu.memref_squeeze %dma_start3A_288 : memref<1x128x128xi32, #tpu.memory_space<vmem>> -> memref<128x128xi32, #tpu.memory_space<vmem>>
          %dma_start3A_290 = arith.constant 0 : i32
          %dma_start3A_291 = tpu.memref_slice %arg2[%mul3A_285, %dma_start3A_290] : memref<16384x128xi32, #tpu.memory_space<hbm>> -> memref<128x128xi32, #tpu.memory_space<hbm>>
          %dma_start3A_292 = tpu.memref_slice %run_scoped3A_7[%rem3A_283] : memref<2x!tpu.dma_semaphore, #tpu.memory_space<semaphore_mem>> -> memref<1x!tpu.dma_semaphore, #tpu.memory_space<semaphore_mem>>
          %dma_start3A_293 = tpu.memref_squeeze %dma_start3A_292 : memref<1x!tpu.dma_semaphore, #tpu.memory_space<semaphore_mem>> -> memref<!tpu.dma_semaphore, #tpu.memory_space<semaphore_mem>>
          %dma_start3A_294 = arith.constant 0 : i32
          %dma_start3A_295 = arith.constant 0 : i32
          %dma_start3A_296 = tpu.memref_slice %run_scoped3A[%rem3A_283, %dma_start3A_294, %dma_start3A_295] : memref<2x128x128xi32, #tpu.memory_space<vmem>> -> memref<1x128x128xi32, #tpu.memory_space<vmem>>
          %dma_start3A_297 = tpu.memref_squeeze %dma_start3A_296 : memref<1x128x128xi32, #tpu.memory_space<vmem>> -> memref<128x128xi32, #tpu.memory_space<vmem>>
          %dma_start3A_298 = arith.constant 0 : i32
          %dma_start3A_299 = tpu.memref_slice %arg2[%mul3A_285, %dma_start3A_298] : memref<16384x128xi32, #tpu.memory_space<hbm>> -> memref<128x128xi32, #tpu.memory_space<hbm>>
          tpu.enqueue_dma source(%dma_start3A_299 : memref<128x128xi32, #tpu.memory_space<hbm>>) target(%dma_start3A_297 : memref<128x128xi32, #tpu.memory_space<vmem>>) target_semaphore(%dma_start3A_293 : memref<!tpu.dma_semaphore, #tpu.memory_space<semaphore_mem>>)
          "tpu.trace_stop"() : () -> ()
        } else {
        }
        %and3A_172 = arith.constant true
        %and3A_173 = arith.andi %and3A, %and3A_172 : i1
        %add3A_174 = arith.constant 1 : i32
        %add3A_175 = arith.addi %scan3A_129, %add3A_174 : i32
        %select_n3A_176 = arith.select %and3A_173, %add3A_175, %scan3A_129 : i32
        %ne3A_177 = arith.cmpi ne, %add3A_138, %add3A_156 : i32
        %or3A_178 = arith.constant false
        %or3A_179 = arith.ori %or3A_178, %ne3A_177 : i1
        %ge3A_180 = arith.constant 3 : i32
        %ge3A_181 = arith.cmpi sge, %scan3A_128, %ge3A_180 : i32
        %not3A_182 = arith.constant true
        %not3A_183 = arith.xori %ge3A_181, %not3A_182 : i1
        %and3A_184 = arith.andi %or3A_179, %not3A_183 : i1
        %convert_element_type3A_185 = arith.extui %and3A_184 : i1 to i32
        %cond3A_186 = arith.constant 0 : i32
        %cond3A_187 = arith.cmpi ne, %convert_element_type3A_185, %cond3A_186 : i32
        scf.if %cond3A_187 {
          "tpu.trace_start"() <{level = 10 : i32, message = "ep_copy_in"}> : () -> ()
          %rem3A_282 = arith.constant 2 : i32
          %rem3A_283 = arith.remui %scan3A_131, %rem3A_282 : i32
          %mul3A_284 = arith.constant 128 : i32
          %mul3A_285 = arith.muli %mul3A_284, %add3A_156 : i32
          %dma_start3A_286 = arith.constant 0 : i32
          %dma_start3A_287 = arith.constant 0 : i32
          %dma_start3A_288 = tpu.memref_slice %run_scoped3A_8[%rem3A_283, %dma_start3A_286, %dma_start3A_287] : memref<2x1x128xi32, #tpu.memory_space<vmem>> -> memref<1x1x128xi32, #tpu.memory_space<vmem>>
          %dma_start3A_289 = tpu.memref_squeeze %dma_start3A_288 : memref<1x1x128xi32, #tpu.memory_space<vmem>> -> memref<1x128xi32, #tpu.memory_space<vmem>>
          %dma_start3A_290 = arith.constant 0 : i32
          %dma_start3A_291 = tpu.memref_slice %arg3[%dma_start3A_290, %mul3A_285] : memref<1x16384xi32, #tpu.memory_space<hbm>> -> memref<1x128xi32, #tpu.memory_space<hbm>>
          %dma_start3A_292 = tpu.memref_slice %run_scoped3A_9[%rem3A_283] : memref<2x!tpu.dma_semaphore, #tpu.memory_space<semaphore_mem>> -> memref<1x!tpu.dma_semaphore, #tpu.memory_space<semaphore_mem>>
          %dma_start3A_293 = tpu.memref_squeeze %dma_start3A_292 : memref<1x!tpu.dma_semaphore, #tpu.memory_space<semaphore_mem>> -> memref<!tpu.dma_semaphore, #tpu.memory_space<semaphore_mem>>
          %dma_start3A_294 = arith.constant 0 : i32
          %dma_start3A_295 = arith.constant 0 : i32
          %dma_start3A_296 = tpu.memref_slice %run_scoped3A_8[%rem3A_283, %dma_start3A_294, %dma_start3A_295] : memref<2x1x128xi32, #tpu.memory_space<vmem>> -> memref<1x1x128xi32, #tpu.memory_space<vmem>>
          %dma_start3A_297 = tpu.memref_squeeze %dma_start3A_296 : memref<1x1x128xi32, #tpu.memory_space<vmem>> -> memref<1x128xi32, #tpu.memory_space<vmem>>
          %dma_start3A_298 = arith.constant 0 : i32
          %dma_start3A_299 = tpu.memref_slice %arg3[%dma_start3A_298, %mul3A_285] : memref<1x16384xi32, #tpu.memory_space<hbm>> -> memref<1x128xi32, #tpu.memory_space<hbm>>
          tpu.enqueue_dma source(%dma_start3A_299 : memref<1x128xi32, #tpu.memory_space<hbm>>) target(%dma_start3A_297 : memref<1x128xi32, #tpu.memory_space<vmem>>) target_semaphore(%dma_start3A_293 : memref<!tpu.dma_semaphore, #tpu.memory_space<semaphore_mem>>)
          "tpu.trace_stop"() : () -> ()
        } else {
        }
        %and3A_188 = arith.constant true
        %and3A_189 = arith.andi %and3A_184, %and3A_188 : i1
        %add3A_190 = arith.constant 1 : i32
        %add3A_191 = arith.addi %scan3A_131, %add3A_190 : i32
        %select_n3A_192 = arith.select %and3A_189, %add3A_191, %scan3A_131 : i32
        %ne3A_193 = arith.cmpi ne, %add3A_138, %add3A_147 : i32
        %or3A_194 = arith.constant false
        %or3A_195 = arith.ori %or3A_194, %ne3A_193 : i1
        %or3A_196 = arith.constant false
        %or3A_197 = arith.ori %or3A_195, %or3A_196 : i1
        %or3A_198 = arith.ori %or3A_197, %eq3A_135 : i1
        %convert_element_type3A_199 = arith.extui %or3A_198 : i1 to i32
        %cond3A_200 = arith.constant 0 : i32
        %cond3A_201 = arith.cmpi ne, %convert_element_type3A_199, %cond3A_200 : i32
        scf.if %cond3A_201 {
          "tpu.trace_start"() <{level = 10 : i32, message = "ep_wait_in"}> : () -> ()
          %mul3A_282 = arith.constant 128 : i32
          %mul3A_283 = arith.muli %mul3A_282, %add3A_138 : i32
          %rem3A_284 = arith.constant 2 : i32
          %rem3A_285 = arith.remui %scan3A_130, %rem3A_284 : i32
          %dma_wait3A = arith.constant 0 : i32
          %dma_wait3A_286 = arith.constant 0 : i32
          %dma_wait3A_287 = tpu.memref_slice %run_scoped3A[%rem3A_285, %dma_wait3A, %dma_wait3A_286] : memref<2x128x128xi32, #tpu.memory_space<vmem>> -> memref<1x128x128xi32, #tpu.memory_space<vmem>>
          %dma_wait3A_288 = tpu.memref_squeeze %dma_wait3A_287 : memref<1x128x128xi32, #tpu.memory_space<vmem>> -> memref<128x128xi32, #tpu.memory_space<vmem>>
          %dma_wait3A_289 = arith.constant 0 : i32
          %dma_wait3A_290 = tpu.memref_slice %arg2[%mul3A_283, %dma_wait3A_289] : memref<16384x128xi32, #tpu.memory_space<hbm>> -> memref<128x128xi32, #tpu.memory_space<hbm>>
          %dma_wait3A_291 = tpu.memref_slice %run_scoped3A_7[%rem3A_285] : memref<2x!tpu.dma_semaphore, #tpu.memory_space<semaphore_mem>> -> memref<1x!tpu.dma_semaphore, #tpu.memory_space<semaphore_mem>>
          %dma_wait3A_292 = tpu.memref_squeeze %dma_wait3A_291 : memref<1x!tpu.dma_semaphore, #tpu.memory_space<semaphore_mem>> -> memref<!tpu.dma_semaphore, #tpu.memory_space<semaphore_mem>>
          %dma_wait3A_293 = arith.constant 0 : i32
          %dma_wait3A_294 = arith.constant 0 : i32
          %dma_wait3A_295 = tpu.memref_slice %run_scoped3A[%rem3A_285, %dma_wait3A_293, %dma_wait3A_294] : memref<2x128x128xi32, #tpu.memory_space<vmem>> -> memref<1x128x128xi32, #tpu.memory_space<vmem>>
          %dma_wait3A_296 = tpu.memref_squeeze %dma_wait3A_295 : memref<1x128x128xi32, #tpu.memory_space<vmem>> -> memref<128x128xi32, #tpu.memory_space<vmem>>
          %dma_wait3A_297 = arith.constant 0 : i32
          %dma_wait3A_298 = tpu.memref_slice %arg2[%mul3A_283, %dma_wait3A_297] : memref<16384x128xi32, #tpu.memory_space<hbm>> -> memref<128x128xi32, #tpu.memory_space<hbm>>
          tpu.wait_dma2 semaphore(%dma_wait3A_292 : memref<!tpu.dma_semaphore, #tpu.memory_space<semaphore_mem>>) src(%dma_wait3A_298 : memref<128x128xi32, #tpu.memory_space<hbm>>) dst(%dma_wait3A_296 : memref<128x128xi32, #tpu.memory_space<vmem>>)
          "tpu.trace_stop"() : () -> ()
        } else {
        }
        %ne3A_202 = arith.cmpi ne, %add3A_138, %add3A_147 : i32
        %or3A_203 = arith.constant false
        %or3A_204 = arith.ori %or3A_203, %ne3A_202 : i1
        %or3A_205 = arith.ori %or3A_204, %eq3A_135 : i1
        %convert_element_type3A_206 = arith.extui %or3A_205 : i1 to i32
        %cond3A_207 = arith.constant 0 : i32
        %cond3A_208 = arith.cmpi ne, %convert_element_type3A_206, %cond3A_207 : i32
        scf.if %cond3A_208 {
          "tpu.trace_start"() <{level = 10 : i32, message = "ep_wait_in"}> : () -> ()
          %mul3A_282 = arith.constant 128 : i32
          %mul3A_283 = arith.muli %mul3A_282, %add3A_138 : i32
          %rem3A_284 = arith.constant 2 : i32
          %rem3A_285 = arith.remui %scan3A_132, %rem3A_284 : i32
          %dma_wait3A = arith.constant 0 : i32
          %dma_wait3A_286 = arith.constant 0 : i32
          %dma_wait3A_287 = tpu.memref_slice %run_scoped3A_8[%rem3A_285, %dma_wait3A, %dma_wait3A_286] : memref<2x1x128xi32, #tpu.memory_space<vmem>> -> memref<1x1x128xi32, #tpu.memory_space<vmem>>
          %dma_wait3A_288 = tpu.memref_squeeze %dma_wait3A_287 : memref<1x1x128xi32, #tpu.memory_space<vmem>> -> memref<1x128xi32, #tpu.memory_space<vmem>>
          %dma_wait3A_289 = arith.constant 0 : i32
          %dma_wait3A_290 = tpu.memref_slice %arg3[%dma_wait3A_289, %mul3A_283] : memref<1x16384xi32, #tpu.memory_space<hbm>> -> memref<1x128xi32, #tpu.memory_space<hbm>>
          %dma_wait3A_291 = tpu.memref_slice %run_scoped3A_9[%rem3A_285] : memref<2x!tpu.dma_semaphore, #tpu.memory_space<semaphore_mem>> -> memref<1x!tpu.dma_semaphore, #tpu.memory_space<semaphore_mem>>
          %dma_wait3A_292 = tpu.memref_squeeze %dma_wait3A_291 : memref<1x!tpu.dma_semaphore, #tpu.memory_space<semaphore_mem>> -> memref<!tpu.dma_semaphore, #tpu.memory_space<semaphore_mem>>
          %dma_wait3A_293 = arith.constant 0 : i32
          %dma_wait3A_294 = arith.constant 0 : i32
          %dma_wait3A_295 = tpu.memref_slice %run_scoped3A_8[%rem3A_285, %dma_wait3A_293, %dma_wait3A_294] : memref<2x1x128xi32, #tpu.memory_space<vmem>> -> memref<1x1x128xi32, #tpu.memory_space<vmem>>
          %dma_wait3A_296 = tpu.memref_squeeze %dma_wait3A_295 : memref<1x1x128xi32, #tpu.memory_space<vmem>> -> memref<1x128xi32, #tpu.memory_space<vmem>>
          %dma_wait3A_297 = arith.constant 0 : i32
          %dma_wait3A_298 = tpu.memref_slice %arg3[%dma_wait3A_297, %mul3A_283] : memref<1x16384xi32, #tpu.memory_space<hbm>> -> memref<1x128xi32, #tpu.memory_space<hbm>>
          tpu.wait_dma2 semaphore(%dma_wait3A_292 : memref<!tpu.dma_semaphore, #tpu.memory_space<semaphore_mem>>) src(%dma_wait3A_298 : memref<1x128xi32, #tpu.memory_space<hbm>>) dst(%dma_wait3A_296 : memref<1x128xi32, #tpu.memory_space<vmem>>)
          "tpu.trace_stop"() : () -> ()
        } else {
        }
        %rem3A_209 = arith.constant 2 : i32
        %rem3A_210 = arith.remui %scan3A_130, %rem3A_209 : i32
        %rem3A_211 = arith.constant 2 : i32
        %rem3A_212 = arith.remui %scan3A_132, %rem3A_211 : i32
        %run_scoped3A_213 = arith.constant 0 : i32
        "tpu.trace_start"() <{level = 10 : i32, message = "ep_run_kernel"}> : () -> ()
        "tpu.region"() ({
          %run_scoped3A_282 = tpu.sem_alloc : memref<!tpu.dma_semaphore, #tpu.memory_space<semaphore_mem>>
          %dma_start3A_283 = arith.constant 0 : i32
          %dma_start3A_284 = arith.constant 0 : i32
          %dma_start3A_285 = tpu.memref_slice %run_scoped3A[%rem3A_210, %dma_start3A_283, %dma_start3A_284] : memref<2x128x128xi32, #tpu.memory_space<vmem>> -> memref<1x128x128xi32, #tpu.memory_space<vmem>>
          %dma_start3A_286 = tpu.memref_squeeze %dma_start3A_285 : memref<1x128x128xi32, #tpu.memory_space<vmem>> -> memref<128x128xi32, #tpu.memory_space<vmem>>
          %dma_start3A_287 = arith.constant 0 : i32
          %dma_start3A_288 = arith.constant 0 : i32
          %dma_start3A_289 = tpu.memref_slice %run_scoped3A_8[%rem3A_212, %dma_start3A_287, %dma_start3A_288] : memref<2x1x128xi32, #tpu.memory_space<vmem>> -> memref<1x1x128xi32, #tpu.memory_space<vmem>>
          %dma_start3A_290 = tpu.memref_squeeze %dma_start3A_289 : memref<1x1x128xi32, #tpu.memory_space<vmem>> -> memref<1x128xi32, #tpu.memory_space<vmem>>
          %dma_start3A_291 = arith.constant 0 : i32
          %dma_start3A_292 = tpu.memref_slice %dma_start3A_290[%run_scoped3A_213, %dma_start3A_291] : memref<1x128xi32, #tpu.memory_space<vmem>> -> memref<1x128xi32, #tpu.memory_space<vmem>>
          %dma_start3A_293 = tpu.memref_squeeze %dma_start3A_292 : memref<1x128xi32, #tpu.memory_space<vmem>> -> memref<128xi32, #tpu.memory_space<vmem>>
          %dma_start3A_294 = arith.constant 0 : i32
          %dma_start3A_295 = arith.constant 0 : i32
          %dma_start3A_296 = tpu.memref_slice %arg4[%dma_start3A_294, %dma_start3A_295] : memref<16384x128xi32, #tpu.memory_space<hbm>> -> memref<16384x128xi32, #tpu.memory_space<hbm>>
          tpu.enqueue_indirect_dma source(%dma_start3A_286 : memref<128x128xi32, #tpu.memory_space<vmem>>) target(%dma_start3A_296 : memref<16384x128xi32, #tpu.memory_space<hbm>>) offsets(%dma_start3A_293 : memref<128xi32, #tpu.memory_space<vmem>>) semaphore(%run_scoped3A_282 : memref<!tpu.dma_semaphore, #tpu.memory_space<semaphore_mem>>)
          %dma_wait3A = arith.constant 0 : i32
          %dma_wait3A_297 = arith.constant 0 : i32
          %dma_wait3A_298 = tpu.memref_slice %run_scoped3A[%rem3A_210, %dma_wait3A, %dma_wait3A_297] : memref<2x128x128xi32, #tpu.memory_space<vmem>> -> memref<1x128x128xi32, #tpu.memory_space<vmem>>
          %dma_wait3A_299 = tpu.memref_squeeze %dma_wait3A_298 : memref<1x128x128xi32, #tpu.memory_space<vmem>> -> memref<128x128xi32, #tpu.memory_space<vmem>>
          %dma_wait3A_300 = arith.constant 0 : i32
          %dma_wait3A_301 = arith.constant 0 : i32
          %dma_wait3A_302 = tpu.memref_slice %run_scoped3A_8[%rem3A_212, %dma_wait3A_300, %dma_wait3A_301] : memref<2x1x128xi32, #tpu.memory_space<vmem>> -> memref<1x1x128xi32, #tpu.memory_space<vmem>>
          %dma_wait3A_303 = tpu.memref_squeeze %dma_wait3A_302 : memref<1x1x128xi32, #tpu.memory_space<vmem>> -> memref<1x128xi32, #tpu.memory_space<vmem>>
          %dma_wait3A_304 = arith.constant 0 : i32
          %dma_wait3A_305 = tpu.memref_slice %dma_wait3A_303[%run_scoped3A_213, %dma_wait3A_304] : memref<1x128xi32, #tpu.memory_space<vmem>> -> memref<1x128xi32, #tpu.memory_space<vmem>>
          %dma_wait3A_306 = tpu.memref_squeeze %dma_wait3A_305 : memref<1x128xi32, #tpu.memory_space<vmem>> -> memref<128xi32, #tpu.memory_space<vmem>>
          %dma_wait3A_307 = arith.constant 0 : i32
          %dma_wait3A_308 = arith.constant 0 : i32
          %dma_wait3A_309 = tpu.memref_slice %arg4[%dma_wait3A_307, %dma_wait3A_308] : memref<16384x128xi32, #tpu.memory_space<hbm>> -> memref<16384x128xi32, #tpu.memory_space<hbm>>
          tpu.wait_indirect_dma semaphore(%run_scoped3A_282 : memref<!tpu.dma_semaphore, #tpu.memory_space<semaphore_mem>>) src(%dma_wait3A_299 : memref<128x128xi32, #tpu.memory_space<vmem>>) dst(%dma_wait3A_309 : memref<16384x128xi32, #tpu.memory_space<hbm>>)
          tpu.yield
        }) : () -> ()
        "tpu.trace_stop"() : () -> ()
        %ne3A_214 = arith.cmpi ne, %add3A_138, %add3A_156 : i32
        %or3A_215 = arith.constant false
        %or3A_216 = arith.ori %or3A_215, %ne3A_214 : i1
        %or3A_217 = arith.constant false
        %or3A_218 = arith.ori %or3A_216, %or3A_217 : i1
        %or3A_219 = arith.ori %or3A_218, %eq3A_137 : i1
        %convert_element_type3A_220 = arith.extui %or3A_219 : i1 to i32
        %cond3A_221 = arith.constant 0 : i32
        %cond3A_222 = arith.cmpi ne, %convert_element_type3A_220, %cond3A_221 : i32
        scf.if %cond3A_222 {
        } else {
        }
        %and3A_223 = arith.constant false
        %and3A_224 = arith.andi %or3A_219, %and3A_223 : i1
        %ne3A_225 = arith.cmpi ne, %add3A_138, %add3A_156 : i32
        %or3A_226 = arith.constant false
        %or3A_227 = arith.ori %or3A_226, %ne3A_225 : i1
        %or3A_228 = arith.ori %or3A_227, %eq3A_137 : i1
        %convert_element_type3A_229 = arith.extui %or3A_228 : i1 to i32
        %cond3A_230 = arith.constant 0 : i32
        %cond3A_231 = arith.cmpi ne, %convert_element_type3A_229, %cond3A_230 : i32
        scf.if %cond3A_231 {
        } else {
        }
        %and3A_232 = arith.constant false
        %and3A_233 = arith.andi %or3A_228, %and3A_232 : i1
        %ne3A_234 = arith.cmpi ne, %add3A_138, %add3A_147 : i32
        %or3A_235 = arith.constant false
        %or3A_236 = arith.ori %or3A_235, %ne3A_234 : i1
        %or3A_237 = arith.constant false
        %or3A_238 = arith.ori %or3A_236, %or3A_237 : i1
        %not3A_239 = arith.constant true
        %not3A_240 = arith.xori %eq3A_135, %not3A_239 : i1
        %and3A_241 = arith.andi %or3A_238, %not3A_240 : i1
        %convert_element_type3A_242 = arith.extui %and3A_241 : i1 to i32
        %cond3A_243 = arith.constant 0 : i32
        %cond3A_244 = arith.cmpi ne, %convert_element_type3A_242, %cond3A_243 : i32
        scf.if %cond3A_244 {
        } else {
        }
        %and3A_245 = arith.constant false
        %and3A_246 = arith.andi %and3A_241, %and3A_245 : i1
        %ne3A_247 = arith.cmpi ne, %add3A_138, %add3A_147 : i32
        %or3A_248 = arith.constant false
        %or3A_249 = arith.ori %or3A_248, %ne3A_247 : i1
        %not3A_250 = arith.constant true
        %not3A_251 = arith.xori %eq3A_135, %not3A_250 : i1
        %and3A_252 = arith.andi %or3A_249, %not3A_251 : i1
        %convert_element_type3A_253 = arith.extui %and3A_252 : i1 to i32
        %cond3A_254 = arith.constant 0 : i32
        %cond3A_255 = arith.cmpi ne, %convert_element_type3A_253, %cond3A_254 : i32
        scf.if %cond3A_255 {
        } else {
        }
        %and3A_256 = arith.constant false
        %and3A_257 = arith.andi %and3A_252, %and3A_256 : i1
        %ne3A_258 = arith.cmpi ne, %add3A_138, %add3A_156 : i32
        %or3A_259 = arith.constant false
        %or3A_260 = arith.ori %or3A_259, %ne3A_258 : i1
        %or3A_261 = arith.constant false
        %or3A_262 = arith.ori %or3A_260, %or3A_261 : i1
        %or3A_263 = arith.ori %or3A_262, %eq3A_137 : i1
        %add3A_264 = arith.constant 1 : i32
        %add3A_265 = arith.addi %scan3A_130, %add3A_264 : i32
        %select_n3A_266 = arith.select %or3A_263, %add3A_265, %scan3A_130 : i32
        %ne3A_267 = arith.cmpi ne, %add3A_138, %add3A_156 : i32
        %or3A_268 = arith.constant false
        %or3A_269 = arith.ori %or3A_268, %ne3A_267 : i1
        %or3A_270 = arith.ori %or3A_269, %eq3A_137 : i1
        %add3A_271 = arith.constant 1 : i32
        %add3A_272 = arith.addi %scan3A_132, %add3A_271 : i32
        %select_n3A_273 = arith.select %or3A_270, %add3A_272, %scan3A_132 : i32
        %add3A_274 = arith.constant 1 : i32
        %add3A_275 = arith.addi %scan3A_133, %add3A_274 : i32
        %select_n3A_276 = arith.constant true
        %select_n3A_277 = arith.select %select_n3A_276, %add3A_275, %scan3A_133 : i32
        %eq3A_278 = arith.constant 4 : i32
        %eq3A_279 = arith.cmpi eq, %select_n3A_277, %eq3A_278 : i32
        %select_n3A_280 = arith.constant 0 : i32
        %select_n3A_281 = arith.select %eq3A_279, %select_n3A_280, %select_n3A_277 : i32
        scf.yield %select_n3A_176, %select_n3A_266, %select_n3A_192, %select_n3A_273, %select_n3A_281 : i32, i32, i32, i32, i32
      }
      %scan3A_92 = arith.constant 4 : i32
      %sub3A = arith.constant 1 : i32
      %sub3A_93 = arith.subi %scan3A_91#4, %sub3A : i32
      %select_n3A_94 = arith.constant true
      %select_n3A_95 = arith.select %select_n3A_94, %sub3A_93, %scan3A_91#4 : i32
      %eq3A_96 = arith.constant -1 : i32
      %eq3A_97 = arith.cmpi eq, %select_n3A_95, %eq3A_96 : i32
      %select_n3A_98 = arith.constant 3 : i32
      %select_n3A_99 = arith.select %eq3A_97, %select_n3A_98, %select_n3A_95 : i32
      %add3A_100 = arith.addi %select_n3A_99, %mul3A_6 : i32
      %sub3A_101 = arith.constant 1 : i32
      %sub3A_102 = arith.subi %select_n3A_99, %sub3A_101 : i32
      %select_n3A_103 = arith.constant true
      %select_n3A_104 = arith.select %select_n3A_103, %sub3A_102, %select_n3A_99 : i32
      %eq3A_105 = arith.constant -1 : i32
      %eq3A_106 = arith.cmpi eq, %select_n3A_104, %eq3A_105 : i32
      %select_n3A_107 = arith.constant 3 : i32
      %select_n3A_108 = arith.select %eq3A_106, %select_n3A_107, %select_n3A_104 : i32
      %add3A_109 = arith.addi %select_n3A_108, %mul3A_6 : i32
      %add3A_110 = arith.constant 1 : i32
      %add3A_111 = arith.addi %select_n3A_99, %add3A_110 : i32
      %select_n3A_112 = arith.constant true
      %select_n3A_113 = arith.select %select_n3A_112, %add3A_111, %select_n3A_99 : i32
      %eq3A_114 = arith.constant 4 : i32
      %eq3A_115 = arith.cmpi eq, %select_n3A_113, %eq3A_114 : i32
      %select_n3A_116 = arith.constant 0 : i32
      %select_n3A_117 = arith.select %eq3A_115, %select_n3A_116, %select_n3A_113 : i32
      %add3A_118 = arith.addi %select_n3A_117, %mul3A_6 : i32
      %add3A_119 = arith.constant 1 : i32
      %add3A_120 = arith.addi %select_n3A_117, %add3A_119 : i32
      %select_n3A_121 = arith.constant true
      %select_n3A_122 = arith.select %select_n3A_121, %add3A_120, %select_n3A_117 : i32
      %eq3A_123 = arith.constant 4 : i32
      %eq3A_124 = arith.cmpi eq, %select_n3A_122, %eq3A_123 : i32
      %select_n3A_125 = arith.constant 0 : i32
      %select_n3A_126 = arith.select %eq3A_124, %select_n3A_125, %select_n3A_122 : i32
      %add3A_127 = arith.addi %select_n3A_126, %mul3A_6 : i32
      tpu.yield
    }) : () -> ()
    return
  }
}

#map = affine_map<(d0, d1) -> (0, 0)>
module attributes {stable_mosaic.version = 14 : i64} {
  func.func @k(%arg0: i32, %arg1: i32, %arg2: memref<8192x256xf32, #tpu.memory_space<hbm>>, %arg3: memref<1x65536xi32, #tpu.memory_space<hbm>>, %arg4: memref<65536x256xf32, #tpu.memory_space<hbm>>) attributes {dimension_semantics = [#tpu.dimension_semantics<core_parallel>, #tpu.dimension_semantics<subcore_parallel>], iteration_bounds = array<i64: 2, 16>, scalar_prefetch = 0 : i64, scratch_operands = 0 : i64, tpu.core_type = #tpu.core_type<sc_vector_subcore>, window_params = [{transform_indices = #map}, {transform_indices = #map}, {transform_indices = #map}]} {
    %mul3A = arith.constant 1 : i32
    %mul3A_0 = arith.muli %arg1, %mul3A : i32
    %add3A = arith.constant 0 : i32
    %add3A_1 = arith.addi %add3A, %mul3A_0 : i32
    %mul3A_2 = arith.constant 16 : i32
    %mul3A_3 = arith.muli %arg0, %mul3A_2 : i32
    %add3A_4 = arith.addi %add3A_1, %mul3A_3 : i32
    %mul3A_5 = arith.constant 16 : i32
    %mul3A_6 = arith.muli %add3A_4, %mul3A_5 : i32
    "tpu.region"() ({
      %run_scoped3A = memref.alloca() : memref<2x1x128xi32, #tpu.memory_space<vmem>>
      %run_scoped3A_7 = tpu.sem_alloc : memref<2x!tpu.dma_semaphore, #tpu.memory_space<semaphore_mem>>
      %run_scoped3A_8 = memref.alloca() : memref<2x128x256xf32, #tpu.memory_space<vmem>>
      %run_scoped3A_9 = tpu.sem_alloc : memref<2x!tpu.dma_semaphore, #tpu.memory_space<semaphore_mem>>
      %add3A_10 = arith.constant 0 : i32
      %add3A_11 = arith.addi %add3A_10, %mul3A_6 : i32
      %select_n3A = arith.constant true
      %select_n3A_12 = arith.constant 0 : i32
      %select_n3A_13 = arith.constant -1 : i32
      %select_n3A_14 = arith.select %select_n3A, %select_n3A_13, %select_n3A_12 : i32
      %eq3A = arith.constant -1 : i32
      %eq3A_15 = arith.cmpi eq, %select_n3A_14, %eq3A : i32
      %select_n3A_16 = arith.constant 15 : i32
      %select_n3A_17 = arith.select %eq3A_15, %select_n3A_16, %select_n3A_14 : i32
      %add3A_18 = arith.addi %select_n3A_17, %mul3A_6 : i32
      %select_n3A_19 = arith.constant true
      %select_n3A_20 = arith.constant 0 : i32
      %select_n3A_21 = arith.constant 1 : i32
      %select_n3A_22 = arith.select %select_n3A_19, %select_n3A_21, %select_n3A_20 : i32
      %eq3A_23 = arith.constant 16 : i32
      %eq3A_24 = arith.cmpi eq, %select_n3A_22, %eq3A_23 : i32
      %select_n3A_25 = arith.constant 0 : i32
      %select_n3A_26 = arith.select %eq3A_24, %select_n3A_25, %select_n3A_22 : i32
      %add3A_27 = arith.addi %select_n3A_26, %mul3A_6 : i32
      %add3A_28 = arith.constant 1 : i32
      %add3A_29 = arith.addi %select_n3A_26, %add3A_28 : i32
      %select_n3A_30 = arith.constant true
      %select_n3A_31 = arith.select %select_n3A_30, %add3A_29, %select_n3A_26 : i32
      %eq3A_32 = arith.constant 16 : i32
      %eq3A_33 = arith.cmpi eq, %select_n3A_31, %eq3A_32 : i32
      %select_n3A_34 = arith.constant 0 : i32
      %select_n3A_35 = arith.select %eq3A_33, %select_n3A_34, %select_n3A_31 : i32
      %add3A_36 = arith.addi %select_n3A_35, %mul3A_6 : i32
      "tpu.trace_start"() <{level = 10 : i32, message = "ep_initialize_0"}> : () -> ()
      %rem3A = arith.constant 0 : i32
      %rem3A_37 = arith.constant 2 : i32
      %rem3A_38 = arith.remui %rem3A, %rem3A_37 : i32
      %mul3A_39 = arith.constant 128 : i32
      %mul3A_40 = arith.muli %mul3A_39, %add3A_11 : i32
      %dma_start3A = arith.constant 0 : i32
      %dma_start3A_41 = arith.constant 0 : i32
      %dma_start3A_42 = tpu.memref_slice %run_scoped3A[%rem3A_38, %dma_start3A, %dma_start3A_41] : memref<2x1x128xi32, #tpu.memory_space<vmem>> -> memref<1x1x128xi32, #tpu.memory_space<vmem>>
      %dma_start3A_43 = tpu.memref_squeeze %dma_start3A_42 : memref<1x1x128xi32, #tpu.memory_space<vmem>> -> memref<1x128xi32, #tpu.memory_space<vmem>>
      %dma_start3A_44 = arith.constant 0 : i32
      %dma_start3A_45 = tpu.memref_slice %arg3[%dma_start3A_44, %mul3A_40] : memref<1x65536xi32, #tpu.memory_space<hbm>> -> memref<1x128xi32, #tpu.memory_space<hbm>>
      %dma_start3A_46 = tpu.memref_slice %run_scoped3A_7[%rem3A_38] : memref<2x!tpu.dma_semaphore, #tpu.memory_space<semaphore_mem>> -> memref<1x!tpu.dma_semaphore, #tpu.memory_space<semaphore_mem>>
      %dma_start3A_47 = tpu.memref_squeeze %dma_start3A_46 : memref<1x!tpu.dma_semaphore, #tpu.memory_space<semaphore_mem>> -> memref<!tpu.dma_semaphore, #tpu.memory_space<semaphore_mem>>
      %dma_start3A_48 = arith.constant 0 : i32
      %dma_start3A_49 = arith.constant 0 : i32
      %dma_start3A_50 = tpu.memref_slice %run_scoped3A[%rem3A_38, %dma_start3A_48, %dma_start3A_49] : memref<2x1x128xi32, #tpu.memory_space<vmem>> -> memref<1x1x128xi32, #tpu.memory_space<vmem>>
      %dma_start3A_51 = tpu.memref_squeeze %dma_start3A_50 : memref<1x1x128xi32, #tpu.memory_space<vmem>> -> memref<1x128xi32, #tpu.memory_space<vmem>>
      %dma_start3A_52 = arith.constant 0 : i32
      %dma_start3A_53 = tpu.memref_slice %arg3[%dma_start3A_52, %mul3A_40] : memref<1x65536xi32, #tpu.memory_space<hbm>> -> memref<1x128xi32, #tpu.memory_space<hbm>>
      tpu.enqueue_dma source(%dma_start3A_53 : memref<1x128xi32, #tpu.memory_space<hbm>>) target(%dma_start3A_51 : memref<1x128xi32, #tpu.memory_space<vmem>>) target_semaphore(%dma_start3A_47 : memref<!tpu.dma_semaphore, #tpu.memory_space<semaphore_mem>>)
      %add3A_54 = arith.constant 0 : i32
      %add3A_55 = arith.constant 1 : i32
      %add3A_56 = arith.addi %add3A_54, %add3A_55 : i32
      %select_n3A_57 = arith.constant true
      %select_n3A_58 = arith.constant 0 : i32
      %select_n3A_59 = arith.select %select_n3A_57, %add3A_56, %select_n3A_58 : i32
      "tpu.trace_stop"() : () -> ()
      %scan3A = arith.constant 0 : i32
      %scan3A_60 = arith.constant 0 : i32
      %scan3A_61 = arith.constant 0 : i32
      %scan3A_62 = arith.constant 0 : i32
      %scan3A_63 = arith.constant 0 : i32
      %scan3A_64 = arith.constant 16 : i32
      %scan3A_65 = arith.addi %scan3A_63, %scan3A_64 : i32
      %scan3A_66 = arith.constant 1 : i32
      %scan3A_67:5 = scf.for %scan3A_121 = %scan3A_63 to %scan3A_65 step %scan3A_66 iter_args(%scan3A_122 = %select_n3A_59, %scan3A_123 = %scan3A, %scan3A_124 = %scan3A_60, %scan3A_125 = %scan3A_61, %scan3A_126 = %scan3A_62) -> (i32, i32, i32, i32, i32)  : i32 {
        %eq3A_127 = arith.constant 0 : i32
        %eq3A_128 = arith.cmpi eq, %scan3A_121, %eq3A_127 : i32
        %eq3A_129 = arith.constant 15 : i32
        %eq3A_130 = arith.cmpi eq, %scan3A_121, %eq3A_129 : i32
        %add3A_131 = arith.addi %scan3A_126, %mul3A_6 : i32
        %sub3A_132 = arith.constant 1 : i32
        %sub3A_133 = arith.subi %scan3A_126, %sub3A_132 : i32
        %select_n3A_134 = arith.constant true
        %select_n3A_135 = arith.select %select_n3A_134, %sub3A_133, %scan3A_126 : i32
        %eq3A_136 = arith.constant -1 : i32
        %eq3A_137 = arith.cmpi eq, %select_n3A_135, %eq3A_136 : i32
        %select_n3A_138 = arith.constant 15 : i32
        %select_n3A_139 = arith.select %eq3A_137, %select_n3A_138, %select_n3A_135 : i32
        %add3A_140 = arith.addi %select_n3A_139, %mul3A_6 : i32
        %add3A_141 = arith.constant 1 : i32
        %add3A_142 = arith.addi %scan3A_126, %add3A_141 : i32
        %select_n3A_143 = arith.constant true
        %select_n3A_144 = arith.select %select_n3A_143, %add3A_142, %scan3A_126 : i32
        %eq3A_145 = arith.constant 16 : i32
        %eq3A_146 = arith.cmpi eq, %select_n3A_144, %eq3A_145 : i32
        %select_n3A_147 = arith.constant 0 : i32
        %select_n3A_148 = arith.select %eq3A_146, %select_n3A_147, %select_n3A_144 : i32
        %add3A_149 = arith.addi %select_n3A_148, %mul3A_6 : i32
        %add3A_150 = arith.constant 1 : i32
        %add3A_151 = arith.addi %select_n3A_148, %add3A_150 : i32
        %select_n3A_152 = arith.constant true
        %select_n3A_153 = arith.select %select_n3A_152, %add3A_151, %select_n3A_148 : i32
        %eq3A_154 = arith.constant 16 : i32
        %eq3A_155 = arith.cmpi eq, %select_n3A_153, %eq3A_154 : i32
        %select_n3A_156 = arith.constant 0 : i32
        %select_n3A_157 = arith.select %eq3A_155, %select_n3A_156, %select_n3A_153 : i32
        %add3A_158 = arith.addi %select_n3A_157, %mul3A_6 : i32
        %ne3A = arith.cmpi ne, %add3A_131, %add3A_149 : i32
        %or3A = arith.constant false
        %or3A_159 = arith.ori %or3A, %ne3A : i1
        %ge3A = arith.constant 15 : i32
        %ge3A_160 = arith.cmpi sge, %scan3A_121, %ge3A : i32
        %not3A = arith.constant true
        %not3A_161 = arith.xori %ge3A_160, %not3A : i1
        %and3A = arith.andi %or3A_159, %not3A_161 : i1
        %convert_element_type3A = arith.extui %and3A : i1 to i32
        %cond3A = arith.constant 0 : i32
        %cond3A_162 = arith.cmpi ne, %convert_element_type3A, %cond3A : i32
        scf.if %cond3A_162 {
          "tpu.trace_start"() <{level = 10 : i32, message = "ep_copy_in"}> : () -> ()
          %rem3A_264 = arith.constant 2 : i32
          %rem3A_265 = arith.remui %scan3A_122, %rem3A_264 : i32
          %mul3A_266 = arith.constant 128 : i32
          %mul3A_267 = arith.muli %mul3A_266, %add3A_149 : i32
          %dma_start3A_268 = arith.constant 0 : i32
          %dma_start3A_269 = arith.constant 0 : i32
          %dma_start3A_270 = tpu.memref_slice %run_scoped3A[%rem3A_265, %dma_start3A_268, %dma_start3A_269] : memref<2x1x128xi32, #tpu.memory_space<vmem>> -> memref<1x1x128xi32, #tpu.memory_space<vmem>>
          %dma_start3A_271 = tpu.memref_squeeze %dma_start3A_270 : memref<1x1x128xi32, #tpu.memory_space<vmem>> -> memref<1x128xi32, #tpu.memory_space<vmem>>
          %dma_start3A_272 = arith.constant 0 : i32
          %dma_start3A_273 = tpu.memref_slice %arg3[%dma_start3A_272, %mul3A_267] : memref<1x65536xi32, #tpu.memory_space<hbm>> -> memref<1x128xi32, #tpu.memory_space<hbm>>
          %dma_start3A_274 = tpu.memref_slice %run_scoped3A_7[%rem3A_265] : memref<2x!tpu.dma_semaphore, #tpu.memory_space<semaphore_mem>> -> memref<1x!tpu.dma_semaphore, #tpu.memory_space<semaphore_mem>>
          %dma_start3A_275 = tpu.memref_squeeze %dma_start3A_274 : memref<1x!tpu.dma_semaphore, #tpu.memory_space<semaphore_mem>> -> memref<!tpu.dma_semaphore, #tpu.memory_space<semaphore_mem>>
          %dma_start3A_276 = arith.constant 0 : i32
          %dma_start3A_277 = arith.constant 0 : i32
          %dma_start3A_278 = tpu.memref_slice %run_scoped3A[%rem3A_265, %dma_start3A_276, %dma_start3A_277] : memref<2x1x128xi32, #tpu.memory_space<vmem>> -> memref<1x1x128xi32, #tpu.memory_space<vmem>>
          %dma_start3A_279 = tpu.memref_squeeze %dma_start3A_278 : memref<1x1x128xi32, #tpu.memory_space<vmem>> -> memref<1x128xi32, #tpu.memory_space<vmem>>
          %dma_start3A_280 = arith.constant 0 : i32
          %dma_start3A_281 = tpu.memref_slice %arg3[%dma_start3A_280, %mul3A_267] : memref<1x65536xi32, #tpu.memory_space<hbm>> -> memref<1x128xi32, #tpu.memory_space<hbm>>
          tpu.enqueue_dma source(%dma_start3A_281 : memref<1x128xi32, #tpu.memory_space<hbm>>) target(%dma_start3A_279 : memref<1x128xi32, #tpu.memory_space<vmem>>) target_semaphore(%dma_start3A_275 : memref<!tpu.dma_semaphore, #tpu.memory_space<semaphore_mem>>)
          "tpu.trace_stop"() : () -> ()
        } else {
        }
        %and3A_163 = arith.constant true
        %and3A_164 = arith.andi %and3A, %and3A_163 : i1
        %add3A_165 = arith.constant 1 : i32
        %add3A_166 = arith.addi %scan3A_122, %add3A_165 : i32
        %select_n3A_167 = arith.select %and3A_164, %add3A_166, %scan3A_122 : i32
        %ne3A_168 = arith.cmpi ne, %add3A_131, %add3A_149 : i32
        %or3A_169 = arith.constant false
        %or3A_170 = arith.ori %or3A_169, %ne3A_168 : i1
        %or3A_171 = arith.constant false
        %or3A_172 = arith.ori %or3A_170, %or3A_171 : i1
        %ge3A_173 = arith.constant 15 : i32
        %ge3A_174 = arith.cmpi sge, %scan3A_121, %ge3A_173 : i32
        %not3A_175 = arith.constant true
        %not3A_176 = arith.xori %ge3A_174, %not3A_175 : i1
        %and3A_177 = arith.andi %or3A_172, %not3A_176 : i1
        %ne3A_178 = arith.cmpi ne, %add3A_131, %add3A_140 : i32
        %or3A_179 = arith.constant false
        %or3A_180 = arith.ori %or3A_179, %ne3A_178 : i1
        %or3A_181 = arith.ori %or3A_180, %eq3A_128 : i1
        %convert_element_type3A_182 = arith.extui %or3A_181 : i1 to i32
        %cond3A_183 = arith.constant 0 : i32
        %cond3A_184 = arith.cmpi ne, %convert_element_type3A_182, %cond3A_183 : i32
        scf.if %cond3A_184 {
          "tpu.trace_start"() <{level = 10 : i32, message = "ep_wait_in"}> : () -> ()
          %mul3A_264 = arith.constant 128 : i32
          %mul3A_265 = arith.muli %mul3A_264, %add3A_131 : i32
          %rem3A_266 = arith.constant 2 : i32
          %rem3A_267 = arith.remui %scan3A_123, %rem3A_266 : i32
          %dma_wait3A_268 = arith.constant 0 : i32
          %dma_wait3A_269 = arith.constant 0 : i32
          %dma_wait3A_270 = tpu.memref_slice %run_scoped3A[%rem3A_267, %dma_wait3A_268, %dma_wait3A_269] : memref<2x1x128xi32, #tpu.memory_space<vmem>> -> memref<1x1x128xi32, #tpu.memory_space<vmem>>
          %dma_wait3A_271 = tpu.memref_squeeze %dma_wait3A_270 : memref<1x1x128xi32, #tpu.memory_space<vmem>> -> memref<1x128xi32, #tpu.memory_space<vmem>>
          %dma_wait3A_272 = arith.constant 0 : i32
          %dma_wait3A_273 = tpu.memref_slice %arg3[%dma_wait3A_272, %mul3A_265] : memref<1x65536xi32, #tpu.memory_space<hbm>> -> memref<1x128xi32, #tpu.memory_space<hbm>>
          %dma_wait3A_274 = tpu.memref_slice %run_scoped3A_7[%rem3A_267] : memref<2x!tpu.dma_semaphore, #tpu.memory_space<semaphore_mem>> -> memref<1x!tpu.dma_semaphore, #tpu.memory_space<semaphore_mem>>
          %dma_wait3A_275 = tpu.memref_squeeze %dma_wait3A_274 : memref<1x!tpu.dma_semaphore, #tpu.memory_space<semaphore_mem>> -> memref<!tpu.dma_semaphore, #tpu.memory_space<semaphore_mem>>
          %dma_wait3A_276 = arith.constant 0 : i32
          %dma_wait3A_277 = arith.constant 0 : i32
          %dma_wait3A_278 = tpu.memref_slice %run_scoped3A[%rem3A_267, %dma_wait3A_276, %dma_wait3A_277] : memref<2x1x128xi32, #tpu.memory_space<vmem>> -> memref<1x1x128xi32, #tpu.memory_space<vmem>>
          %dma_wait3A_279 = tpu.memref_squeeze %dma_wait3A_278 : memref<1x1x128xi32, #tpu.memory_space<vmem>> -> memref<1x128xi32, #tpu.memory_space<vmem>>
          %dma_wait3A_280 = arith.constant 0 : i32
          %dma_wait3A_281 = tpu.memref_slice %arg3[%dma_wait3A_280, %mul3A_265] : memref<1x65536xi32, #tpu.memory_space<hbm>> -> memref<1x128xi32, #tpu.memory_space<hbm>>
          tpu.wait_dma2 semaphore(%dma_wait3A_275 : memref<!tpu.dma_semaphore, #tpu.memory_space<semaphore_mem>>) src(%dma_wait3A_281 : memref<1x128xi32, #tpu.memory_space<hbm>>) dst(%dma_wait3A_279 : memref<1x128xi32, #tpu.memory_space<vmem>>)
          "tpu.trace_stop"() : () -> ()
        } else {
        }
        %ne3A_185 = arith.cmpi ne, %add3A_131, %add3A_140 : i32
        %or3A_186 = arith.constant false
        %or3A_187 = arith.ori %or3A_186, %ne3A_185 : i1
        %or3A_188 = arith.constant false
        %or3A_189 = arith.ori %or3A_187, %or3A_188 : i1
        %or3A_190 = arith.ori %or3A_189, %eq3A_128 : i1
        %convert_element_type3A_191 = arith.extui %or3A_190 : i1 to i32
        %cond3A_192 = arith.constant 0 : i32
        %cond3A_193 = arith.cmpi ne, %convert_element_type3A_191, %cond3A_192 : i32
        scf.if %cond3A_193 {
        } else {
        }
        %rem3A_194 = arith.constant 2 : i32
        %rem3A_195 = arith.remui %scan3A_123, %rem3A_194 : i32
        %rem3A_196 = arith.constant 2 : i32
        %rem3A_197 = arith.remui %scan3A_124, %rem3A_196 : i32
        %run_scoped3A_198 = arith.constant 0 : i32
        "tpu.trace_start"() <{level = 10 : i32, message = "ep_run_kernel"}> : () -> ()
        "tpu.region"() ({
          %run_scoped3A_264 = tpu.sem_alloc : memref<!tpu.dma_semaphore, #tpu.memory_space<semaphore_mem>>
          %dma_start3A_265 = arith.constant 0 : i32
          %dma_start3A_266 = arith.constant 0 : i32
          %dma_start3A_267 = tpu.memref_slice %run_scoped3A_8[%rem3A_197, %dma_start3A_265, %dma_start3A_266] : memref<2x128x256xf32, #tpu.memory_space<vmem>> -> memref<1x128x256xf32, #tpu.memory_space<vmem>>
          %dma_start3A_268 = tpu.memref_squeeze %dma_start3A_267 : memref<1x128x256xf32, #tpu.memory_space<vmem>> -> memref<128x256xf32, #tpu.memory_space<vmem>>
          %dma_start3A_269 = arith.constant 0 : i32
          %dma_start3A_270 = arith.constant 0 : i32
          %dma_start3A_271 = tpu.memref_slice %run_scoped3A[%rem3A_195, %dma_start3A_269, %dma_start3A_270] : memref<2x1x128xi32, #tpu.memory_space<vmem>> -> memref<1x1x128xi32, #tpu.memory_space<vmem>>
          %dma_start3A_272 = tpu.memref_squeeze %dma_start3A_271 : memref<1x1x128xi32, #tpu.memory_space<vmem>> -> memref<1x128xi32, #tpu.memory_space<vmem>>
          %dma_start3A_273 = arith.constant 0 : i32
          %dma_start3A_274 = tpu.memref_slice %dma_start3A_272[%run_scoped3A_198, %dma_start3A_273] : memref<1x128xi32, #tpu.memory_space<vmem>> -> memref<1x128xi32, #tpu.memory_space<vmem>>
          %dma_start3A_275 = tpu.memref_squeeze %dma_start3A_274 : memref<1x128xi32, #tpu.memory_space<vmem>> -> memref<128xi32, #tpu.memory_space<vmem>>
          %dma_start3A_276 = arith.constant 0 : i32
          %dma_start3A_277 = arith.constant 0 : i32
          %dma_start3A_278 = tpu.memref_slice %arg2[%dma_start3A_276, %dma_start3A_277] : memref<8192x256xf32, #tpu.memory_space<hbm>> -> memref<8192x256xf32, #tpu.memory_space<hbm>>
          tpu.enqueue_indirect_dma source(%dma_start3A_278 : memref<8192x256xf32, #tpu.memory_space<hbm>>) target(%dma_start3A_268 : memref<128x256xf32, #tpu.memory_space<vmem>>) offsets(%dma_start3A_275 : memref<128xi32, #tpu.memory_space<vmem>>) semaphore(%run_scoped3A_264 : memref<!tpu.dma_semaphore, #tpu.memory_space<semaphore_mem>>)
          %dma_wait3A_279 = arith.constant 0 : i32
          %dma_wait3A_280 = arith.constant 0 : i32
          %dma_wait3A_281 = tpu.memref_slice %run_scoped3A_8[%rem3A_197, %dma_wait3A_279, %dma_wait3A_280] : memref<2x128x256xf32, #tpu.memory_space<vmem>> -> memref<1x128x256xf32, #tpu.memory_space<vmem>>
          %dma_wait3A_282 = tpu.memref_squeeze %dma_wait3A_281 : memref<1x128x256xf32, #tpu.memory_space<vmem>> -> memref<128x256xf32, #tpu.memory_space<vmem>>
          %dma_wait3A_283 = arith.constant 0 : i32
          %dma_wait3A_284 = arith.constant 0 : i32
          %dma_wait3A_285 = tpu.memref_slice %run_scoped3A[%rem3A_195, %dma_wait3A_283, %dma_wait3A_284] : memref<2x1x128xi32, #tpu.memory_space<vmem>> -> memref<1x1x128xi32, #tpu.memory_space<vmem>>
          %dma_wait3A_286 = tpu.memref_squeeze %dma_wait3A_285 : memref<1x1x128xi32, #tpu.memory_space<vmem>> -> memref<1x128xi32, #tpu.memory_space<vmem>>
          %dma_wait3A_287 = arith.constant 0 : i32
          %dma_wait3A_288 = tpu.memref_slice %dma_wait3A_286[%run_scoped3A_198, %dma_wait3A_287] : memref<1x128xi32, #tpu.memory_space<vmem>> -> memref<1x128xi32, #tpu.memory_space<vmem>>
          %dma_wait3A_289 = tpu.memref_squeeze %dma_wait3A_288 : memref<1x128xi32, #tpu.memory_space<vmem>> -> memref<128xi32, #tpu.memory_space<vmem>>
          %dma_wait3A_290 = arith.constant 0 : i32
          %dma_wait3A_291 = arith.constant 0 : i32
          %dma_wait3A_292 = tpu.memref_slice %arg2[%dma_wait3A_290, %dma_wait3A_291] : memref<8192x256xf32, #tpu.memory_space<hbm>> -> memref<8192x256xf32, #tpu.memory_space<hbm>>
          tpu.wait_indirect_dma semaphore(%run_scoped3A_264 : memref<!tpu.dma_semaphore, #tpu.memory_space<semaphore_mem>>) src(%dma_wait3A_292 : memref<8192x256xf32, #tpu.memory_space<hbm>>) dst(%dma_wait3A_282 : memref<128x256xf32, #tpu.memory_space<vmem>>)
          tpu.yield
        }) : () -> ()
        "tpu.trace_stop"() : () -> ()
        %ne3A_199 = arith.cmpi ne, %add3A_131, %add3A_149 : i32
        %or3A_200 = arith.constant false
        %or3A_201 = arith.ori %or3A_200, %ne3A_199 : i1
        %or3A_202 = arith.ori %or3A_201, %eq3A_130 : i1
        %convert_element_type3A_203 = arith.extui %or3A_202 : i1 to i32
        %cond3A_204 = arith.constant 0 : i32
        %cond3A_205 = arith.cmpi ne, %convert_element_type3A_203, %cond3A_204 : i32
        scf.if %cond3A_205 {
        } else {
        }
        %and3A_206 = arith.constant false
        %and3A_207 = arith.andi %or3A_202, %and3A_206 : i1
        %ne3A_208 = arith.cmpi ne, %add3A_131, %add3A_149 : i32
        %or3A_209 = arith.constant false
        %or3A_210 = arith.ori %or3A_209, %ne3A_208 : i1
        %or3A_211 = arith.constant false
        %or3A_212 = arith.ori %or3A_210, %or3A_211 : i1
        %or3A_213 = arith.ori %or3A_212, %eq3A_130 : i1
        %convert_element_type3A_214 = arith.extui %or3A_213 : i1 to i32
        %cond3A_215 = arith.constant 0 : i32
        %cond3A_216 = arith.cmpi ne, %convert_element_type3A_214, %cond3A_215 : i32
        scf.if %cond3A_216 {
          "tpu.trace_start"() <{level = 10 : i32, message = "ep_copy_out"}> : () -> ()
          %rem3A_264 = arith.constant 2 : i32
          %rem3A_265 = arith.remui %scan3A_124, %rem3A_264 : i32
          %mul3A_266 = arith.constant 128 : i32
          %mul3A_267 = arith.muli %mul3A_266, %add3A_131 : i32
          %dma_start3A_268 = arith.constant 0 : i32
          %dma_start3A_269 = arith.constant 0 : i32
          %dma_start3A_270 = tpu.memref_slice %run_scoped3A_8[%rem3A_265, %dma_start3A_268, %dma_start3A_269] : memref<2x128x256xf32, #tpu.memory_space<vmem>> -> memref<1x128x256xf32, #tpu.memory_space<vmem>>
          %dma_start3A_271 = tpu.memref_squeeze %dma_start3A_270 : memref<1x128x256xf32, #tpu.memory_space<vmem>> -> memref<128x256xf32, #tpu.memory_space<vmem>>
          %dma_start3A_272 = arith.constant 0 : i32
          %dma_start3A_273 = tpu.memref_slice %arg4[%mul3A_267, %dma_start3A_272] : memref<65536x256xf32, #tpu.memory_space<hbm>> -> memref<128x256xf32, #tpu.memory_space<hbm>>
          %dma_start3A_274 = tpu.memref_slice %run_scoped3A_9[%rem3A_265] : memref<2x!tpu.dma_semaphore, #tpu.memory_space<semaphore_mem>> -> memref<1x!tpu.dma_semaphore, #tpu.memory_space<semaphore_mem>>
          %dma_start3A_275 = tpu.memref_squeeze %dma_start3A_274 : memref<1x!tpu.dma_semaphore, #tpu.memory_space<semaphore_mem>> -> memref<!tpu.dma_semaphore, #tpu.memory_space<semaphore_mem>>
          %dma_start3A_276 = arith.constant 0 : i32
          %dma_start3A_277 = tpu.memref_slice %arg4[%mul3A_267, %dma_start3A_276] : memref<65536x256xf32, #tpu.memory_space<hbm>> -> memref<128x256xf32, #tpu.memory_space<hbm>>
          %dma_start3A_278 = arith.constant 0 : i32
          %dma_start3A_279 = arith.constant 0 : i32
          %dma_start3A_280 = tpu.memref_slice %run_scoped3A_8[%rem3A_265, %dma_start3A_278, %dma_start3A_279] : memref<2x128x256xf32, #tpu.memory_space<vmem>> -> memref<1x128x256xf32, #tpu.memory_space<vmem>>
          %dma_start3A_281 = tpu.memref_squeeze %dma_start3A_280 : memref<1x128x256xf32, #tpu.memory_space<vmem>> -> memref<128x256xf32, #tpu.memory_space<vmem>>
          tpu.enqueue_dma source(%dma_start3A_281 : memref<128x256xf32, #tpu.memory_space<vmem>>) target(%dma_start3A_277 : memref<128x256xf32, #tpu.memory_space<hbm>>) target_semaphore(%dma_start3A_275 : memref<!tpu.dma_semaphore, #tpu.memory_space<semaphore_mem>>)
          "tpu.trace_stop"() : () -> ()
        } else {
        }
        %and3A_217 = arith.constant true
        %and3A_218 = arith.andi %or3A_213, %and3A_217 : i1
        %add3A_219 = arith.constant 1 : i32
        %add3A_220 = arith.addi %scan3A_124, %add3A_219 : i32
        %select_n3A_221 = arith.select %and3A_218, %add3A_220, %scan3A_124 : i32
        %ne3A_222 = arith.cmpi ne, %add3A_131, %add3A_140 : i32
        %or3A_223 = arith.constant false
        %or3A_224 = arith.ori %or3A_223, %ne3A_222 : i1
        %not3A_225 = arith.constant true
        %not3A_226 = arith.xori %eq3A_128, %not3A_225 : i1
        %and3A_227 = arith.andi %or3A_224, %not3A_226 : i1
        %convert_element_type3A_228 = arith.extui %and3A_227 : i1 to i32
        %cond3A_229 = arith.constant 0 : i32
        %cond3A_230 = arith.cmpi ne, %convert_element_type3A_228, %cond3A_229 : i32
        scf.if %cond3A_230 {
        } else {
        }
        %and3A_231 = arith.constant false
        %and3A_232 = arith.andi %and3A_227, %and3A_231 : i1
        %ne3A_233 = arith.cmpi ne, %add3A_131, %add3A_140 : i32
        %or3A_234 = arith.constant false
        %or3A_235 = arith.ori %or3A_234, %ne3A_233 : i1
        %or3A_236 = arith.constant false
        %or3A_237 = arith.ori %or3A_235, %or3A_236 : i1
        %not3A_238 = arith.constant true
        %not3A_239 = arith.xori %eq3A_128, %not3A_238 : i1
        %and3A_240 = arith.andi %or3A_237, %not3A_239 : i1
        %convert_element_type3A_241 = arith.extui %and3A_240 : i1 to i32
        %cond3A_242 = arith.constant 0 : i32
        %cond3A_243 = arith.cmpi ne, %convert_element_type3A_241, %cond3A_242 : i32
        scf.if %cond3A_243 {
          "tpu.trace_start"() <{level = 10 : i32, message = "ep_wait_out"}> : () -> ()
          %rem3A_264 = arith.constant 2 : i32
          %rem3A_265 = arith.remui %scan3A_125, %rem3A_264 : i32
          %mul3A_266 = arith.constant 128 : i32
          %mul3A_267 = arith.muli %mul3A_266, %add3A_140 : i32
          %dma_wait3A_268 = arith.constant 0 : i32
          %dma_wait3A_269 = arith.constant 0 : i32
          %dma_wait3A_270 = tpu.memref_slice %run_scoped3A_8[%rem3A_265, %dma_wait3A_268, %dma_wait3A_269] : memref<2x128x256xf32, #tpu.memory_space<vmem>> -> memref<1x128x256xf32, #tpu.memory_space<vmem>>
          %dma_wait3A_271 = tpu.memref_squeeze %dma_wait3A_270 : memref<1x128x256xf32, #tpu.memory_space<vmem>> -> memref<128x256xf32, #tpu.memory_space<vmem>>
          %dma_wait3A_272 = arith.constant 0 : i32
          %dma_wait3A_273 = tpu.memref_slice %arg4[%mul3A_267, %dma_wait3A_272] : memref<65536x256xf32, #tpu.memory_space<hbm>> -> memref<128x256xf32, #tpu.memory_space<hbm>>
          %dma_wait3A_274 = tpu.memref_slice %run_scoped3A_9[%rem3A_265] : memref<2x!tpu.dma_semaphore, #tpu.memory_space<semaphore_mem>> -> memref<1x!tpu.dma_semaphore, #tpu.memory_space<semaphore_mem>>
          %dma_wait3A_275 = tpu.memref_squeeze %dma_wait3A_274 : memref<1x!tpu.dma_semaphore, #tpu.memory_space<semaphore_mem>> -> memref<!tpu.dma_semaphore, #tpu.memory_space<semaphore_mem>>
          %dma_wait3A_276 = arith.constant 0 : i32
          %dma_wait3A_277 = tpu.memref_slice %arg4[%mul3A_267, %dma_wait3A_276] : memref<65536x256xf32, #tpu.memory_space<hbm>> -> memref<128x256xf32, #tpu.memory_space<hbm>>
          %dma_wait3A_278 = arith.constant 0 : i32
          %dma_wait3A_279 = arith.constant 0 : i32
          %dma_wait3A_280 = tpu.memref_slice %run_scoped3A_8[%rem3A_265, %dma_wait3A_278, %dma_wait3A_279] : memref<2x128x256xf32, #tpu.memory_space<vmem>> -> memref<1x128x256xf32, #tpu.memory_space<vmem>>
          %dma_wait3A_281 = tpu.memref_squeeze %dma_wait3A_280 : memref<1x128x256xf32, #tpu.memory_space<vmem>> -> memref<128x256xf32, #tpu.memory_space<vmem>>
          tpu.wait_dma2 semaphore(%dma_wait3A_275 : memref<!tpu.dma_semaphore, #tpu.memory_space<semaphore_mem>>) src(%dma_wait3A_281 : memref<128x256xf32, #tpu.memory_space<vmem>>) dst(%dma_wait3A_277 : memref<128x256xf32, #tpu.memory_space<hbm>>)
          "tpu.trace_stop"() : () -> ()
        } else {
        }
        %and3A_244 = arith.constant true
        %and3A_245 = arith.andi %and3A_240, %and3A_244 : i1
        %add3A_246 = arith.constant 1 : i32
        %add3A_247 = arith.addi %scan3A_125, %add3A_246 : i32
        %select_n3A_248 = arith.select %and3A_245, %add3A_247, %scan3A_125 : i32
        %ne3A_249 = arith.cmpi ne, %add3A_131, %add3A_149 : i32
        %or3A_250 = arith.constant false
        %or3A_251 = arith.ori %or3A_250, %ne3A_249 : i1
        %or3A_252 = arith.ori %or3A_251, %eq3A_130 : i1
        %add3A_253 = arith.constant 1 : i32
        %add3A_254 = arith.addi %scan3A_123, %add3A_253 : i32
        %select_n3A_255 = arith.select %or3A_252, %add3A_254, %scan3A_123 : i32
        %add3A_256 = arith.constant 1 : i32
        %add3A_257 = arith.addi %scan3A_126, %add3A_256 : i32
        %select_n3A_258 = arith.constant true
        %select_n3A_259 = arith.select %select_n3A_258, %add3A_257, %scan3A_126 : i32
        %eq3A_260 = arith.constant 16 : i32
        %eq3A_261 = arith.cmpi eq, %select_n3A_259, %eq3A_260 : i32
        %select_n3A_262 = arith.constant 0 : i32
        %select_n3A_263 = arith.select %eq3A_261, %select_n3A_262, %select_n3A_259 : i32
        scf.yield %select_n3A_167, %select_n3A_255, %select_n3A_221, %select_n3A_248, %select_n3A_263 : i32, i32, i32, i32, i32
      }
      %scan3A_68 = arith.constant 16 : i32
      %sub3A = arith.constant 1 : i32
      %sub3A_69 = arith.subi %scan3A_67#4, %sub3A : i32
      %select_n3A_70 = arith.constant true
      %select_n3A_71 = arith.select %select_n3A_70, %sub3A_69, %scan3A_67#4 : i32
      %eq3A_72 = arith.constant -1 : i32
      %eq3A_73 = arith.cmpi eq, %select_n3A_71, %eq3A_72 : i32
      %select_n3A_74 = arith.constant 15 : i32
      %select_n3A_75 = arith.select %eq3A_73, %select_n3A_74, %select_n3A_71 : i32
      %add3A_76 = arith.addi %select_n3A_75, %mul3A_6 : i32
      %sub3A_77 = arith.constant 1 : i32
      %sub3A_78 = arith.subi %select_n3A_75, %sub3A_77 : i32
      %select_n3A_79 = arith.constant true
      %select_n3A_80 = arith.select %select_n3A_79, %sub3A_78, %select_n3A_75 : i32
      %eq3A_81 = arith.constant -1 : i32
      %eq3A_82 = arith.cmpi eq, %select_n3A_80, %eq3A_81 : i32
      %select_n3A_83 = arith.constant 15 : i32
      %select_n3A_84 = arith.select %eq3A_82, %select_n3A_83, %select_n3A_80 : i32
      %add3A_85 = arith.addi %select_n3A_84, %mul3A_6 : i32
      %add3A_86 = arith.constant 1 : i32
      %add3A_87 = arith.addi %select_n3A_75, %add3A_86 : i32
      %select_n3A_88 = arith.constant true
      %select_n3A_89 = arith.select %select_n3A_88, %add3A_87, %select_n3A_75 : i32
      %eq3A_90 = arith.constant 16 : i32
      %eq3A_91 = arith.cmpi eq, %select_n3A_89, %eq3A_90 : i32
      %select_n3A_92 = arith.constant 0 : i32
      %select_n3A_93 = arith.select %eq3A_91, %select_n3A_92, %select_n3A_89 : i32
      %add3A_94 = arith.addi %select_n3A_93, %mul3A_6 : i32
      %add3A_95 = arith.constant 1 : i32
      %add3A_96 = arith.addi %select_n3A_93, %add3A_95 : i32
      %select_n3A_97 = arith.constant true
      %select_n3A_98 = arith.select %select_n3A_97, %add3A_96, %select_n3A_93 : i32
      %eq3A_99 = arith.constant 16 : i32
      %eq3A_100 = arith.cmpi eq, %select_n3A_98, %eq3A_99 : i32
      %select_n3A_101 = arith.constant 0 : i32
      %select_n3A_102 = arith.select %eq3A_100, %select_n3A_101, %select_n3A_98 : i32
      %add3A_103 = arith.addi %select_n3A_102, %mul3A_6 : i32
      "tpu.trace_start"() <{level = 10 : i32, message = "ep_finalize"}> : () -> ()
      %rem3A_104 = arith.constant 2 : i32
      %rem3A_105 = arith.remui %scan3A_67#3, %rem3A_104 : i32
      %mul3A_106 = arith.constant 128 : i32
      %mul3A_107 = arith.muli %mul3A_106, %add3A_76 : i32
      %dma_wait3A = arith.constant 0 : i32
      %dma_wait3A_108 = arith.constant 0 : i32
      %dma_wait3A_109 = tpu.memref_slice %run_scoped3A_8[%rem3A_105, %dma_wait3A, %dma_wait3A_108] : memref<2x128x256xf32, #tpu.memory_space<vmem>> -> memref<1x128x256xf32, #tpu.memory_space<vmem>>
      %dma_wait3A_110 = tpu.memref_squeeze %dma_wait3A_109 : memref<1x128x256xf32, #tpu.memory_space<vmem>> -> memref<128x256xf32, #tpu.memory_space<vmem>>
      %dma_wait3A_111 = arith.constant 0 : i32
      %dma_wait3A_112 = tpu.memref_slice %arg4[%mul3A_107, %dma_wait3A_111] : memref<65536x256xf32, #tpu.memory_space<hbm>> -> memref<128x256xf32, #tpu.memory_space<hbm>>
      %dma_wait3A_113 = tpu.memref_slice %run_scoped3A_9[%rem3A_105] : memref<2x!tpu.dma_semaphore, #tpu.memory_space<semaphore_mem>> -> memref<1x!tpu.dma_semaphore, #tpu.memory_space<semaphore_mem>>
      %dma_wait3A_114 = tpu.memref_squeeze %dma_wait3A_113 : memref<1x!tpu.dma_semaphore, #tpu.memory_space<semaphore_mem>> -> memref<!tpu.dma_semaphore, #tpu.memory_space<semaphore_mem>>
      %dma_wait3A_115 = arith.constant 0 : i32
      %dma_wait3A_116 = tpu.memref_slice %arg4[%mul3A_107, %dma_wait3A_115] : memref<65536x256xf32, #tpu.memory_space<hbm>> -> memref<128x256xf32, #tpu.memory_space<hbm>>
      %dma_wait3A_117 = arith.constant 0 : i32
      %dma_wait3A_118 = arith.constant 0 : i32
      %dma_wait3A_119 = tpu.memref_slice %run_scoped3A_8[%rem3A_105, %dma_wait3A_117, %dma_wait3A_118] : memref<2x128x256xf32, #tpu.memory_space<vmem>> -> memref<1x128x256xf32, #tpu.memory_space<vmem>>
      %dma_wait3A_120 = tpu.memref_squeeze %dma_wait3A_119 : memref<1x128x256xf32, #tpu.memory_space<vmem>> -> memref<128x256xf32, #tpu.memory_space<vmem>>
      tpu.wait_dma2 semaphore(%dma_wait3A_114 : memref<!tpu.dma_semaphore, #tpu.memory_space<semaphore_mem>>) src(%dma_wait3A_120 : memref<128x256xf32, #tpu.memory_space<vmem>>) dst(%dma_wait3A_116 : memref<128x256xf32, #tpu.memory_space<hbm>>)
      "tpu.trace_stop"() : () -> ()
      tpu.yield
    }) : () -> ()
    return
  }
}

#map = affine_map<(d0, d1) -> (0, 0)>
module attributes {stable_mosaic.version = 14 : i64} {
  func.func @k(%arg0: i32, %arg1: i32, %arg2: memref<65536x256xf32, #tpu.memory_space<hbm>>, %arg3: memref<1x65536xi32, #tpu.memory_space<hbm>>, %arg4: memref<65536x256xf32, #tpu.memory_space<hbm>>) attributes {dimension_semantics = [#tpu.dimension_semantics<core_parallel>, #tpu.dimension_semantics<subcore_parallel>], iteration_bounds = array<i64: 2, 16>, scalar_prefetch = 0 : i64, scratch_operands = 0 : i64, tpu.core_type = #tpu.core_type<sc_vector_subcore>, window_params = [{transform_indices = #map}, {transform_indices = #map}, {transform_indices = #map}]} {
    %mul3A = arith.constant 1 : i32
    %mul3A_0 = arith.muli %arg1, %mul3A : i32
    %add3A = arith.constant 0 : i32
    %add3A_1 = arith.addi %add3A, %mul3A_0 : i32
    %mul3A_2 = arith.constant 16 : i32
    %mul3A_3 = arith.muli %arg0, %mul3A_2 : i32
    %add3A_4 = arith.addi %add3A_1, %mul3A_3 : i32
    %mul3A_5 = arith.constant 16 : i32
    %mul3A_6 = arith.muli %add3A_4, %mul3A_5 : i32
    "tpu.region"() ({
      %run_scoped3A = memref.alloca() : memref<2x1x128xi32, #tpu.memory_space<vmem>>
      %run_scoped3A_7 = tpu.sem_alloc : memref<2x!tpu.dma_semaphore, #tpu.memory_space<semaphore_mem>>
      %run_scoped3A_8 = memref.alloca() : memref<2x128x256xf32, #tpu.memory_space<vmem>>
      %run_scoped3A_9 = tpu.sem_alloc : memref<2x!tpu.dma_semaphore, #tpu.memory_space<semaphore_mem>>
      %add3A_10 = arith.constant 0 : i32
      %add3A_11 = arith.addi %add3A_10, %mul3A_6 : i32
      %select_n3A = arith.constant true
      %select_n3A_12 = arith.constant 0 : i32
      %select_n3A_13 = arith.constant -1 : i32
      %select_n3A_14 = arith.select %select_n3A, %select_n3A_13, %select_n3A_12 : i32
      %eq3A = arith.constant -1 : i32
      %eq3A_15 = arith.cmpi eq, %select_n3A_14, %eq3A : i32
      %select_n3A_16 = arith.constant 15 : i32
      %select_n3A_17 = arith.select %eq3A_15, %select_n3A_16, %select_n3A_14 : i32
      %add3A_18 = arith.addi %select_n3A_17, %mul3A_6 : i32
      %select_n3A_19 = arith.constant true
      %select_n3A_20 = arith.constant 0 : i32
      %select_n3A_21 = arith.constant 1 : i32
      %select_n3A_22 = arith.select %select_n3A_19, %select_n3A_21, %select_n3A_20 : i32
      %eq3A_23 = arith.constant 16 : i32
      %eq3A_24 = arith.cmpi eq, %select_n3A_22, %eq3A_23 : i32
      %select_n3A_25 = arith.constant 0 : i32
      %select_n3A_26 = arith.select %eq3A_24, %select_n3A_25, %select_n3A_22 : i32
      %add3A_27 = arith.addi %select_n3A_26, %mul3A_6 : i32
      %add3A_28 = arith.constant 1 : i32
      %add3A_29 = arith.addi %select_n3A_26, %add3A_28 : i32
      %select_n3A_30 = arith.constant true
      %select_n3A_31 = arith.select %select_n3A_30, %add3A_29, %select_n3A_26 : i32
      %eq3A_32 = arith.constant 16 : i32
      %eq3A_33 = arith.cmpi eq, %select_n3A_31, %eq3A_32 : i32
      %select_n3A_34 = arith.constant 0 : i32
      %select_n3A_35 = arith.select %eq3A_33, %select_n3A_34, %select_n3A_31 : i32
      %add3A_36 = arith.addi %select_n3A_35, %mul3A_6 : i32
      "tpu.trace_start"() <{level = 10 : i32, message = "ep_initialize_0"}> : () -> ()
      %rem3A = arith.constant 0 : i32
      %rem3A_37 = arith.constant 2 : i32
      %rem3A_38 = arith.remui %rem3A, %rem3A_37 : i32
      %mul3A_39 = arith.constant 128 : i32
      %mul3A_40 = arith.muli %mul3A_39, %add3A_11 : i32
      %dma_start3A = arith.constant 0 : i32
      %dma_start3A_41 = arith.constant 0 : i32
      %dma_start3A_42 = tpu.memref_slice %run_scoped3A[%rem3A_38, %dma_start3A, %dma_start3A_41] : memref<2x1x128xi32, #tpu.memory_space<vmem>> -> memref<1x1x128xi32, #tpu.memory_space<vmem>>
      %dma_start3A_43 = tpu.memref_squeeze %dma_start3A_42 : memref<1x1x128xi32, #tpu.memory_space<vmem>> -> memref<1x128xi32, #tpu.memory_space<vmem>>
      %dma_start3A_44 = arith.constant 0 : i32
      %dma_start3A_45 = tpu.memref_slice %arg3[%dma_start3A_44, %mul3A_40] : memref<1x65536xi32, #tpu.memory_space<hbm>> -> memref<1x128xi32, #tpu.memory_space<hbm>>
      %dma_start3A_46 = tpu.memref_slice %run_scoped3A_7[%rem3A_38] : memref<2x!tpu.dma_semaphore, #tpu.memory_space<semaphore_mem>> -> memref<1x!tpu.dma_semaphore, #tpu.memory_space<semaphore_mem>>
      %dma_start3A_47 = tpu.memref_squeeze %dma_start3A_46 : memref<1x!tpu.dma_semaphore, #tpu.memory_space<semaphore_mem>> -> memref<!tpu.dma_semaphore, #tpu.memory_space<semaphore_mem>>
      %dma_start3A_48 = arith.constant 0 : i32
      %dma_start3A_49 = arith.constant 0 : i32
      %dma_start3A_50 = tpu.memref_slice %run_scoped3A[%rem3A_38, %dma_start3A_48, %dma_start3A_49] : memref<2x1x128xi32, #tpu.memory_space<vmem>> -> memref<1x1x128xi32, #tpu.memory_space<vmem>>
      %dma_start3A_51 = tpu.memref_squeeze %dma_start3A_50 : memref<1x1x128xi32, #tpu.memory_space<vmem>> -> memref<1x128xi32, #tpu.memory_space<vmem>>
      %dma_start3A_52 = arith.constant 0 : i32
      %dma_start3A_53 = tpu.memref_slice %arg3[%dma_start3A_52, %mul3A_40] : memref<1x65536xi32, #tpu.memory_space<hbm>> -> memref<1x128xi32, #tpu.memory_space<hbm>>
      tpu.enqueue_dma source(%dma_start3A_53 : memref<1x128xi32, #tpu.memory_space<hbm>>) target(%dma_start3A_51 : memref<1x128xi32, #tpu.memory_space<vmem>>) target_semaphore(%dma_start3A_47 : memref<!tpu.dma_semaphore, #tpu.memory_space<semaphore_mem>>)
      %add3A_54 = arith.constant 0 : i32
      %add3A_55 = arith.constant 1 : i32
      %add3A_56 = arith.addi %add3A_54, %add3A_55 : i32
      %select_n3A_57 = arith.constant true
      %select_n3A_58 = arith.constant 0 : i32
      %select_n3A_59 = arith.select %select_n3A_57, %add3A_56, %select_n3A_58 : i32
      "tpu.trace_stop"() : () -> ()
      %scan3A = arith.constant 0 : i32
      %scan3A_60 = arith.constant 0 : i32
      %scan3A_61 = arith.constant 0 : i32
      %scan3A_62 = arith.constant 0 : i32
      %scan3A_63 = arith.constant 0 : i32
      %scan3A_64 = arith.constant 16 : i32
      %scan3A_65 = arith.addi %scan3A_63, %scan3A_64 : i32
      %scan3A_66 = arith.constant 1 : i32
      %scan3A_67:5 = scf.for %scan3A_121 = %scan3A_63 to %scan3A_65 step %scan3A_66 iter_args(%scan3A_122 = %select_n3A_59, %scan3A_123 = %scan3A, %scan3A_124 = %scan3A_60, %scan3A_125 = %scan3A_61, %scan3A_126 = %scan3A_62) -> (i32, i32, i32, i32, i32)  : i32 {
        %eq3A_127 = arith.constant 0 : i32
        %eq3A_128 = arith.cmpi eq, %scan3A_121, %eq3A_127 : i32
        %eq3A_129 = arith.constant 15 : i32
        %eq3A_130 = arith.cmpi eq, %scan3A_121, %eq3A_129 : i32
        %add3A_131 = arith.addi %scan3A_126, %mul3A_6 : i32
        %sub3A_132 = arith.constant 1 : i32
        %sub3A_133 = arith.subi %scan3A_126, %sub3A_132 : i32
        %select_n3A_134 = arith.constant true
        %select_n3A_135 = arith.select %select_n3A_134, %sub3A_133, %scan3A_126 : i32
        %eq3A_136 = arith.constant -1 : i32
        %eq3A_137 = arith.cmpi eq, %select_n3A_135, %eq3A_136 : i32
        %select_n3A_138 = arith.constant 15 : i32
        %select_n3A_139 = arith.select %eq3A_137, %select_n3A_138, %select_n3A_135 : i32
        %add3A_140 = arith.addi %select_n3A_139, %mul3A_6 : i32
        %add3A_141 = arith.constant 1 : i32
        %add3A_142 = arith.addi %scan3A_126, %add3A_141 : i32
        %select_n3A_143 = arith.constant true
        %select_n3A_144 = arith.select %select_n3A_143, %add3A_142, %scan3A_126 : i32
        %eq3A_145 = arith.constant 16 : i32
        %eq3A_146 = arith.cmpi eq, %select_n3A_144, %eq3A_145 : i32
        %select_n3A_147 = arith.constant 0 : i32
        %select_n3A_148 = arith.select %eq3A_146, %select_n3A_147, %select_n3A_144 : i32
        %add3A_149 = arith.addi %select_n3A_148, %mul3A_6 : i32
        %add3A_150 = arith.constant 1 : i32
        %add3A_151 = arith.addi %select_n3A_148, %add3A_150 : i32
        %select_n3A_152 = arith.constant true
        %select_n3A_153 = arith.select %select_n3A_152, %add3A_151, %select_n3A_148 : i32
        %eq3A_154 = arith.constant 16 : i32
        %eq3A_155 = arith.cmpi eq, %select_n3A_153, %eq3A_154 : i32
        %select_n3A_156 = arith.constant 0 : i32
        %select_n3A_157 = arith.select %eq3A_155, %select_n3A_156, %select_n3A_153 : i32
        %add3A_158 = arith.addi %select_n3A_157, %mul3A_6 : i32
        %ne3A = arith.cmpi ne, %add3A_131, %add3A_149 : i32
        %or3A = arith.constant false
        %or3A_159 = arith.ori %or3A, %ne3A : i1
        %ge3A = arith.constant 15 : i32
        %ge3A_160 = arith.cmpi sge, %scan3A_121, %ge3A : i32
        %not3A = arith.constant true
        %not3A_161 = arith.xori %ge3A_160, %not3A : i1
        %and3A = arith.andi %or3A_159, %not3A_161 : i1
        %convert_element_type3A = arith.extui %and3A : i1 to i32
        %cond3A = arith.constant 0 : i32
        %cond3A_162 = arith.cmpi ne, %convert_element_type3A, %cond3A : i32
        scf.if %cond3A_162 {
          "tpu.trace_start"() <{level = 10 : i32, message = "ep_copy_in"}> : () -> ()
          %rem3A_264 = arith.constant 2 : i32
          %rem3A_265 = arith.remui %scan3A_122, %rem3A_264 : i32
          %mul3A_266 = arith.constant 128 : i32
          %mul3A_267 = arith.muli %mul3A_266, %add3A_149 : i32
          %dma_start3A_268 = arith.constant 0 : i32
          %dma_start3A_269 = arith.constant 0 : i32
          %dma_start3A_270 = tpu.memref_slice %run_scoped3A[%rem3A_265, %dma_start3A_268, %dma_start3A_269] : memref<2x1x128xi32, #tpu.memory_space<vmem>> -> memref<1x1x128xi32, #tpu.memory_space<vmem>>
          %dma_start3A_271 = tpu.memref_squeeze %dma_start3A_270 : memref<1x1x128xi32, #tpu.memory_space<vmem>> -> memref<1x128xi32, #tpu.memory_space<vmem>>
          %dma_start3A_272 = arith.constant 0 : i32
          %dma_start3A_273 = tpu.memref_slice %arg3[%dma_start3A_272, %mul3A_267] : memref<1x65536xi32, #tpu.memory_space<hbm>> -> memref<1x128xi32, #tpu.memory_space<hbm>>
          %dma_start3A_274 = tpu.memref_slice %run_scoped3A_7[%rem3A_265] : memref<2x!tpu.dma_semaphore, #tpu.memory_space<semaphore_mem>> -> memref<1x!tpu.dma_semaphore, #tpu.memory_space<semaphore_mem>>
          %dma_start3A_275 = tpu.memref_squeeze %dma_start3A_274 : memref<1x!tpu.dma_semaphore, #tpu.memory_space<semaphore_mem>> -> memref<!tpu.dma_semaphore, #tpu.memory_space<semaphore_mem>>
          %dma_start3A_276 = arith.constant 0 : i32
          %dma_start3A_277 = arith.constant 0 : i32
          %dma_start3A_278 = tpu.memref_slice %run_scoped3A[%rem3A_265, %dma_start3A_276, %dma_start3A_277] : memref<2x1x128xi32, #tpu.memory_space<vmem>> -> memref<1x1x128xi32, #tpu.memory_space<vmem>>
          %dma_start3A_279 = tpu.memref_squeeze %dma_start3A_278 : memref<1x1x128xi32, #tpu.memory_space<vmem>> -> memref<1x128xi32, #tpu.memory_space<vmem>>
          %dma_start3A_280 = arith.constant 0 : i32
          %dma_start3A_281 = tpu.memref_slice %arg3[%dma_start3A_280, %mul3A_267] : memref<1x65536xi32, #tpu.memory_space<hbm>> -> memref<1x128xi32, #tpu.memory_space<hbm>>
          tpu.enqueue_dma source(%dma_start3A_281 : memref<1x128xi32, #tpu.memory_space<hbm>>) target(%dma_start3A_279 : memref<1x128xi32, #tpu.memory_space<vmem>>) target_semaphore(%dma_start3A_275 : memref<!tpu.dma_semaphore, #tpu.memory_space<semaphore_mem>>)
          "tpu.trace_stop"() : () -> ()
        } else {
        }
        %and3A_163 = arith.constant true
        %and3A_164 = arith.andi %and3A, %and3A_163 : i1
        %add3A_165 = arith.constant 1 : i32
        %add3A_166 = arith.addi %scan3A_122, %add3A_165 : i32
        %select_n3A_167 = arith.select %and3A_164, %add3A_166, %scan3A_122 : i32
        %ne3A_168 = arith.cmpi ne, %add3A_131, %add3A_149 : i32
        %or3A_169 = arith.constant false
        %or3A_170 = arith.ori %or3A_169, %ne3A_168 : i1
        %or3A_171 = arith.constant false
        %or3A_172 = arith.ori %or3A_170, %or3A_171 : i1
        %ge3A_173 = arith.constant 15 : i32
        %ge3A_174 = arith.cmpi sge, %scan3A_121, %ge3A_173 : i32
        %not3A_175 = arith.constant true
        %not3A_176 = arith.xori %ge3A_174, %not3A_175 : i1
        %and3A_177 = arith.andi %or3A_172, %not3A_176 : i1
        %ne3A_178 = arith.cmpi ne, %add3A_131, %add3A_140 : i32
        %or3A_179 = arith.constant false
        %or3A_180 = arith.ori %or3A_179, %ne3A_178 : i1
        %or3A_181 = arith.ori %or3A_180, %eq3A_128 : i1
        %convert_element_type3A_182 = arith.extui %or3A_181 : i1 to i32
        %cond3A_183 = arith.constant 0 : i32
        %cond3A_184 = arith.cmpi ne, %convert_element_type3A_182, %cond3A_183 : i32
        scf.if %cond3A_184 {
          "tpu.trace_start"() <{level = 10 : i32, message = "ep_wait_in"}> : () -> ()
          %mul3A_264 = arith.constant 128 : i32
          %mul3A_265 = arith.muli %mul3A_264, %add3A_131 : i32
          %rem3A_266 = arith.constant 2 : i32
          %rem3A_267 = arith.remui %scan3A_123, %rem3A_266 : i32
          %dma_wait3A_268 = arith.constant 0 : i32
          %dma_wait3A_269 = arith.constant 0 : i32
          %dma_wait3A_270 = tpu.memref_slice %run_scoped3A[%rem3A_267, %dma_wait3A_268, %dma_wait3A_269] : memref<2x1x128xi32, #tpu.memory_space<vmem>> -> memref<1x1x128xi32, #tpu.memory_space<vmem>>
          %dma_wait3A_271 = tpu.memref_squeeze %dma_wait3A_270 : memref<1x1x128xi32, #tpu.memory_space<vmem>> -> memref<1x128xi32, #tpu.memory_space<vmem>>
          %dma_wait3A_272 = arith.constant 0 : i32
          %dma_wait3A_273 = tpu.memref_slice %arg3[%dma_wait3A_272, %mul3A_265] : memref<1x65536xi32, #tpu.memory_space<hbm>> -> memref<1x128xi32, #tpu.memory_space<hbm>>
          %dma_wait3A_274 = tpu.memref_slice %run_scoped3A_7[%rem3A_267] : memref<2x!tpu.dma_semaphore, #tpu.memory_space<semaphore_mem>> -> memref<1x!tpu.dma_semaphore, #tpu.memory_space<semaphore_mem>>
          %dma_wait3A_275 = tpu.memref_squeeze %dma_wait3A_274 : memref<1x!tpu.dma_semaphore, #tpu.memory_space<semaphore_mem>> -> memref<!tpu.dma_semaphore, #tpu.memory_space<semaphore_mem>>
          %dma_wait3A_276 = arith.constant 0 : i32
          %dma_wait3A_277 = arith.constant 0 : i32
          %dma_wait3A_278 = tpu.memref_slice %run_scoped3A[%rem3A_267, %dma_wait3A_276, %dma_wait3A_277] : memref<2x1x128xi32, #tpu.memory_space<vmem>> -> memref<1x1x128xi32, #tpu.memory_space<vmem>>
          %dma_wait3A_279 = tpu.memref_squeeze %dma_wait3A_278 : memref<1x1x128xi32, #tpu.memory_space<vmem>> -> memref<1x128xi32, #tpu.memory_space<vmem>>
          %dma_wait3A_280 = arith.constant 0 : i32
          %dma_wait3A_281 = tpu.memref_slice %arg3[%dma_wait3A_280, %mul3A_265] : memref<1x65536xi32, #tpu.memory_space<hbm>> -> memref<1x128xi32, #tpu.memory_space<hbm>>
          tpu.wait_dma2 semaphore(%dma_wait3A_275 : memref<!tpu.dma_semaphore, #tpu.memory_space<semaphore_mem>>) src(%dma_wait3A_281 : memref<1x128xi32, #tpu.memory_space<hbm>>) dst(%dma_wait3A_279 : memref<1x128xi32, #tpu.memory_space<vmem>>)
          "tpu.trace_stop"() : () -> ()
        } else {
        }
        %ne3A_185 = arith.cmpi ne, %add3A_131, %add3A_140 : i32
        %or3A_186 = arith.constant false
        %or3A_187 = arith.ori %or3A_186, %ne3A_185 : i1
        %or3A_188 = arith.constant false
        %or3A_189 = arith.ori %or3A_187, %or3A_188 : i1
        %or3A_190 = arith.ori %or3A_189, %eq3A_128 : i1
        %convert_element_type3A_191 = arith.extui %or3A_190 : i1 to i32
        %cond3A_192 = arith.constant 0 : i32
        %cond3A_193 = arith.cmpi ne, %convert_element_type3A_191, %cond3A_192 : i32
        scf.if %cond3A_193 {
        } else {
        }
        %rem3A_194 = arith.constant 2 : i32
        %rem3A_195 = arith.remui %scan3A_123, %rem3A_194 : i32
        %rem3A_196 = arith.constant 2 : i32
        %rem3A_197 = arith.remui %scan3A_124, %rem3A_196 : i32
        %run_scoped3A_198 = arith.constant 0 : i32
        "tpu.trace_start"() <{level = 10 : i32, message = "ep_run_kernel"}> : () -> ()
        "tpu.region"() ({
          %run_scoped3A_264 = tpu.sem_alloc : memref<!tpu.dma_semaphore, #tpu.memory_space<semaphore_mem>>
          %dma_start3A_265 = arith.constant 0 : i32
          %dma_start3A_266 = arith.constant 0 : i32
          %dma_start3A_267 = tpu.memref_slice %run_scoped3A_8[%rem3A_197, %dma_start3A_265, %dma_start3A_266] : memref<2x128x256xf32, #tpu.memory_space<vmem>> -> memref<1x128x256xf32, #tpu.memory_space<vmem>>
          %dma_start3A_268 = tpu.memref_squeeze %dma_start3A_267 : memref<1x128x256xf32, #tpu.memory_space<vmem>> -> memref<128x256xf32, #tpu.memory_space<vmem>>
          %dma_start3A_269 = arith.constant 0 : i32
          %dma_start3A_270 = arith.constant 0 : i32
          %dma_start3A_271 = tpu.memref_slice %run_scoped3A[%rem3A_195, %dma_start3A_269, %dma_start3A_270] : memref<2x1x128xi32, #tpu.memory_space<vmem>> -> memref<1x1x128xi32, #tpu.memory_space<vmem>>
          %dma_start3A_272 = tpu.memref_squeeze %dma_start3A_271 : memref<1x1x128xi32, #tpu.memory_space<vmem>> -> memref<1x128xi32, #tpu.memory_space<vmem>>
          %dma_start3A_273 = arith.constant 0 : i32
          %dma_start3A_274 = tpu.memref_slice %dma_start3A_272[%run_scoped3A_198, %dma_start3A_273] : memref<1x128xi32, #tpu.memory_space<vmem>> -> memref<1x128xi32, #tpu.memory_space<vmem>>
          %dma_start3A_275 = tpu.memref_squeeze %dma_start3A_274 : memref<1x128xi32, #tpu.memory_space<vmem>> -> memref<128xi32, #tpu.memory_space<vmem>>
          %dma_start3A_276 = arith.constant 0 : i32
          %dma_start3A_277 = arith.constant 0 : i32
          %dma_start3A_278 = tpu.memref_slice %arg2[%dma_start3A_276, %dma_start3A_277] : memref<65536x256xf32, #tpu.memory_space<hbm>> -> memref<65536x256xf32, #tpu.memory_space<hbm>>
          tpu.enqueue_indirect_dma source(%dma_start3A_278 : memref<65536x256xf32, #tpu.memory_space<hbm>>) target(%dma_start3A_268 : memref<128x256xf32, #tpu.memory_space<vmem>>) offsets(%dma_start3A_275 : memref<128xi32, #tpu.memory_space<vmem>>) semaphore(%run_scoped3A_264 : memref<!tpu.dma_semaphore, #tpu.memory_space<semaphore_mem>>)
          %dma_wait3A_279 = arith.constant 0 : i32
          %dma_wait3A_280 = arith.constant 0 : i32
          %dma_wait3A_281 = tpu.memref_slice %run_scoped3A_8[%rem3A_197, %dma_wait3A_279, %dma_wait3A_280] : memref<2x128x256xf32, #tpu.memory_space<vmem>> -> memref<1x128x256xf32, #tpu.memory_space<vmem>>
          %dma_wait3A_282 = tpu.memref_squeeze %dma_wait3A_281 : memref<1x128x256xf32, #tpu.memory_space<vmem>> -> memref<128x256xf32, #tpu.memory_space<vmem>>
          %dma_wait3A_283 = arith.constant 0 : i32
          %dma_wait3A_284 = arith.constant 0 : i32
          %dma_wait3A_285 = tpu.memref_slice %run_scoped3A[%rem3A_195, %dma_wait3A_283, %dma_wait3A_284] : memref<2x1x128xi32, #tpu.memory_space<vmem>> -> memref<1x1x128xi32, #tpu.memory_space<vmem>>
          %dma_wait3A_286 = tpu.memref_squeeze %dma_wait3A_285 : memref<1x1x128xi32, #tpu.memory_space<vmem>> -> memref<1x128xi32, #tpu.memory_space<vmem>>
          %dma_wait3A_287 = arith.constant 0 : i32
          %dma_wait3A_288 = tpu.memref_slice %dma_wait3A_286[%run_scoped3A_198, %dma_wait3A_287] : memref<1x128xi32, #tpu.memory_space<vmem>> -> memref<1x128xi32, #tpu.memory_space<vmem>>
          %dma_wait3A_289 = tpu.memref_squeeze %dma_wait3A_288 : memref<1x128xi32, #tpu.memory_space<vmem>> -> memref<128xi32, #tpu.memory_space<vmem>>
          %dma_wait3A_290 = arith.constant 0 : i32
          %dma_wait3A_291 = arith.constant 0 : i32
          %dma_wait3A_292 = tpu.memref_slice %arg2[%dma_wait3A_290, %dma_wait3A_291] : memref<65536x256xf32, #tpu.memory_space<hbm>> -> memref<65536x256xf32, #tpu.memory_space<hbm>>
          tpu.wait_indirect_dma semaphore(%run_scoped3A_264 : memref<!tpu.dma_semaphore, #tpu.memory_space<semaphore_mem>>) src(%dma_wait3A_292 : memref<65536x256xf32, #tpu.memory_space<hbm>>) dst(%dma_wait3A_282 : memref<128x256xf32, #tpu.memory_space<vmem>>)
          tpu.yield
        }) : () -> ()
        "tpu.trace_stop"() : () -> ()
        %ne3A_199 = arith.cmpi ne, %add3A_131, %add3A_149 : i32
        %or3A_200 = arith.constant false
        %or3A_201 = arith.ori %or3A_200, %ne3A_199 : i1
        %or3A_202 = arith.ori %or3A_201, %eq3A_130 : i1
        %convert_element_type3A_203 = arith.extui %or3A_202 : i1 to i32
        %cond3A_204 = arith.constant 0 : i32
        %cond3A_205 = arith.cmpi ne, %convert_element_type3A_203, %cond3A_204 : i32
        scf.if %cond3A_205 {
        } else {
        }
        %and3A_206 = arith.constant false
        %and3A_207 = arith.andi %or3A_202, %and3A_206 : i1
        %ne3A_208 = arith.cmpi ne, %add3A_131, %add3A_149 : i32
        %or3A_209 = arith.constant false
        %or3A_210 = arith.ori %or3A_209, %ne3A_208 : i1
        %or3A_211 = arith.constant false
        %or3A_212 = arith.ori %or3A_210, %or3A_211 : i1
        %or3A_213 = arith.ori %or3A_212, %eq3A_130 : i1
        %convert_element_type3A_214 = arith.extui %or3A_213 : i1 to i32
        %cond3A_215 = arith.constant 0 : i32
        %cond3A_216 = arith.cmpi ne, %convert_element_type3A_214, %cond3A_215 : i32
        scf.if %cond3A_216 {
          "tpu.trace_start"() <{level = 10 : i32, message = "ep_copy_out"}> : () -> ()
          %rem3A_264 = arith.constant 2 : i32
          %rem3A_265 = arith.remui %scan3A_124, %rem3A_264 : i32
          %mul3A_266 = arith.constant 128 : i32
          %mul3A_267 = arith.muli %mul3A_266, %add3A_131 : i32
          %dma_start3A_268 = arith.constant 0 : i32
          %dma_start3A_269 = arith.constant 0 : i32
          %dma_start3A_270 = tpu.memref_slice %run_scoped3A_8[%rem3A_265, %dma_start3A_268, %dma_start3A_269] : memref<2x128x256xf32, #tpu.memory_space<vmem>> -> memref<1x128x256xf32, #tpu.memory_space<vmem>>
          %dma_start3A_271 = tpu.memref_squeeze %dma_start3A_270 : memref<1x128x256xf32, #tpu.memory_space<vmem>> -> memref<128x256xf32, #tpu.memory_space<vmem>>
          %dma_start3A_272 = arith.constant 0 : i32
          %dma_start3A_273 = tpu.memref_slice %arg4[%mul3A_267, %dma_start3A_272] : memref<65536x256xf32, #tpu.memory_space<hbm>> -> memref<128x256xf32, #tpu.memory_space<hbm>>
          %dma_start3A_274 = tpu.memref_slice %run_scoped3A_9[%rem3A_265] : memref<2x!tpu.dma_semaphore, #tpu.memory_space<semaphore_mem>> -> memref<1x!tpu.dma_semaphore, #tpu.memory_space<semaphore_mem>>
          %dma_start3A_275 = tpu.memref_squeeze %dma_start3A_274 : memref<1x!tpu.dma_semaphore, #tpu.memory_space<semaphore_mem>> -> memref<!tpu.dma_semaphore, #tpu.memory_space<semaphore_mem>>
          %dma_start3A_276 = arith.constant 0 : i32
          %dma_start3A_277 = tpu.memref_slice %arg4[%mul3A_267, %dma_start3A_276] : memref<65536x256xf32, #tpu.memory_space<hbm>> -> memref<128x256xf32, #tpu.memory_space<hbm>>
          %dma_start3A_278 = arith.constant 0 : i32
          %dma_start3A_279 = arith.constant 0 : i32
          %dma_start3A_280 = tpu.memref_slice %run_scoped3A_8[%rem3A_265, %dma_start3A_278, %dma_start3A_279] : memref<2x128x256xf32, #tpu.memory_space<vmem>> -> memref<1x128x256xf32, #tpu.memory_space<vmem>>
          %dma_start3A_281 = tpu.memref_squeeze %dma_start3A_280 : memref<1x128x256xf32, #tpu.memory_space<vmem>> -> memref<128x256xf32, #tpu.memory_space<vmem>>
          tpu.enqueue_dma source(%dma_start3A_281 : memref<128x256xf32, #tpu.memory_space<vmem>>) target(%dma_start3A_277 : memref<128x256xf32, #tpu.memory_space<hbm>>) target_semaphore(%dma_start3A_275 : memref<!tpu.dma_semaphore, #tpu.memory_space<semaphore_mem>>)
          "tpu.trace_stop"() : () -> ()
        } else {
        }
        %and3A_217 = arith.constant true
        %and3A_218 = arith.andi %or3A_213, %and3A_217 : i1
        %add3A_219 = arith.constant 1 : i32
        %add3A_220 = arith.addi %scan3A_124, %add3A_219 : i32
        %select_n3A_221 = arith.select %and3A_218, %add3A_220, %scan3A_124 : i32
        %ne3A_222 = arith.cmpi ne, %add3A_131, %add3A_140 : i32
        %or3A_223 = arith.constant false
        %or3A_224 = arith.ori %or3A_223, %ne3A_222 : i1
        %not3A_225 = arith.constant true
        %not3A_226 = arith.xori %eq3A_128, %not3A_225 : i1
        %and3A_227 = arith.andi %or3A_224, %not3A_226 : i1
        %convert_element_type3A_228 = arith.extui %and3A_227 : i1 to i32
        %cond3A_229 = arith.constant 0 : i32
        %cond3A_230 = arith.cmpi ne, %convert_element_type3A_228, %cond3A_229 : i32
        scf.if %cond3A_230 {
        } else {
        }
        %and3A_231 = arith.constant false
        %and3A_232 = arith.andi %and3A_227, %and3A_231 : i1
        %ne3A_233 = arith.cmpi ne, %add3A_131, %add3A_140 : i32
        %or3A_234 = arith.constant false
        %or3A_235 = arith.ori %or3A_234, %ne3A_233 : i1
        %or3A_236 = arith.constant false
        %or3A_237 = arith.ori %or3A_235, %or3A_236 : i1
        %not3A_238 = arith.constant true
        %not3A_239 = arith.xori %eq3A_128, %not3A_238 : i1
        %and3A_240 = arith.andi %or3A_237, %not3A_239 : i1
        %convert_element_type3A_241 = arith.extui %and3A_240 : i1 to i32
        %cond3A_242 = arith.constant 0 : i32
        %cond3A_243 = arith.cmpi ne, %convert_element_type3A_241, %cond3A_242 : i32
        scf.if %cond3A_243 {
          "tpu.trace_start"() <{level = 10 : i32, message = "ep_wait_out"}> : () -> ()
          %rem3A_264 = arith.constant 2 : i32
          %rem3A_265 = arith.remui %scan3A_125, %rem3A_264 : i32
          %mul3A_266 = arith.constant 128 : i32
          %mul3A_267 = arith.muli %mul3A_266, %add3A_140 : i32
          %dma_wait3A_268 = arith.constant 0 : i32
          %dma_wait3A_269 = arith.constant 0 : i32
          %dma_wait3A_270 = tpu.memref_slice %run_scoped3A_8[%rem3A_265, %dma_wait3A_268, %dma_wait3A_269] : memref<2x128x256xf32, #tpu.memory_space<vmem>> -> memref<1x128x256xf32, #tpu.memory_space<vmem>>
          %dma_wait3A_271 = tpu.memref_squeeze %dma_wait3A_270 : memref<1x128x256xf32, #tpu.memory_space<vmem>> -> memref<128x256xf32, #tpu.memory_space<vmem>>
          %dma_wait3A_272 = arith.constant 0 : i32
          %dma_wait3A_273 = tpu.memref_slice %arg4[%mul3A_267, %dma_wait3A_272] : memref<65536x256xf32, #tpu.memory_space<hbm>> -> memref<128x256xf32, #tpu.memory_space<hbm>>
          %dma_wait3A_274 = tpu.memref_slice %run_scoped3A_9[%rem3A_265] : memref<2x!tpu.dma_semaphore, #tpu.memory_space<semaphore_mem>> -> memref<1x!tpu.dma_semaphore, #tpu.memory_space<semaphore_mem>>
          %dma_wait3A_275 = tpu.memref_squeeze %dma_wait3A_274 : memref<1x!tpu.dma_semaphore, #tpu.memory_space<semaphore_mem>> -> memref<!tpu.dma_semaphore, #tpu.memory_space<semaphore_mem>>
          %dma_wait3A_276 = arith.constant 0 : i32
          %dma_wait3A_277 = tpu.memref_slice %arg4[%mul3A_267, %dma_wait3A_276] : memref<65536x256xf32, #tpu.memory_space<hbm>> -> memref<128x256xf32, #tpu.memory_space<hbm>>
          %dma_wait3A_278 = arith.constant 0 : i32
          %dma_wait3A_279 = arith.constant 0 : i32
          %dma_wait3A_280 = tpu.memref_slice %run_scoped3A_8[%rem3A_265, %dma_wait3A_278, %dma_wait3A_279] : memref<2x128x256xf32, #tpu.memory_space<vmem>> -> memref<1x128x256xf32, #tpu.memory_space<vmem>>
          %dma_wait3A_281 = tpu.memref_squeeze %dma_wait3A_280 : memref<1x128x256xf32, #tpu.memory_space<vmem>> -> memref<128x256xf32, #tpu.memory_space<vmem>>
          tpu.wait_dma2 semaphore(%dma_wait3A_275 : memref<!tpu.dma_semaphore, #tpu.memory_space<semaphore_mem>>) src(%dma_wait3A_281 : memref<128x256xf32, #tpu.memory_space<vmem>>) dst(%dma_wait3A_277 : memref<128x256xf32, #tpu.memory_space<hbm>>)
          "tpu.trace_stop"() : () -> ()
        } else {
        }
        %and3A_244 = arith.constant true
        %and3A_245 = arith.andi %and3A_240, %and3A_244 : i1
        %add3A_246 = arith.constant 1 : i32
        %add3A_247 = arith.addi %scan3A_125, %add3A_246 : i32
        %select_n3A_248 = arith.select %and3A_245, %add3A_247, %scan3A_125 : i32
        %ne3A_249 = arith.cmpi ne, %add3A_131, %add3A_149 : i32
        %or3A_250 = arith.constant false
        %or3A_251 = arith.ori %or3A_250, %ne3A_249 : i1
        %or3A_252 = arith.ori %or3A_251, %eq3A_130 : i1
        %add3A_253 = arith.constant 1 : i32
        %add3A_254 = arith.addi %scan3A_123, %add3A_253 : i32
        %select_n3A_255 = arith.select %or3A_252, %add3A_254, %scan3A_123 : i32
        %add3A_256 = arith.constant 1 : i32
        %add3A_257 = arith.addi %scan3A_126, %add3A_256 : i32
        %select_n3A_258 = arith.constant true
        %select_n3A_259 = arith.select %select_n3A_258, %add3A_257, %scan3A_126 : i32
        %eq3A_260 = arith.constant 16 : i32
        %eq3A_261 = arith.cmpi eq, %select_n3A_259, %eq3A_260 : i32
        %select_n3A_262 = arith.constant 0 : i32
        %select_n3A_263 = arith.select %eq3A_261, %select_n3A_262, %select_n3A_259 : i32
        scf.yield %select_n3A_167, %select_n3A_255, %select_n3A_221, %select_n3A_248, %select_n3A_263 : i32, i32, i32, i32, i32
      }
      %scan3A_68 = arith.constant 16 : i32
      %sub3A = arith.constant 1 : i32
      %sub3A_69 = arith.subi %scan3A_67#4, %sub3A : i32
      %select_n3A_70 = arith.constant true
      %select_n3A_71 = arith.select %select_n3A_70, %sub3A_69, %scan3A_67#4 : i32
      %eq3A_72 = arith.constant -1 : i32
      %eq3A_73 = arith.cmpi eq, %select_n3A_71, %eq3A_72 : i32
      %select_n3A_74 = arith.constant 15 : i32
      %select_n3A_75 = arith.select %eq3A_73, %select_n3A_74, %select_n3A_71 : i32
      %add3A_76 = arith.addi %select_n3A_75, %mul3A_6 : i32
      %sub3A_77 = arith.constant 1 : i32
      %sub3A_78 = arith.subi %select_n3A_75, %sub3A_77 : i32
      %select_n3A_79 = arith.constant true
      %select_n3A_80 = arith.select %select_n3A_79, %sub3A_78, %select_n3A_75 : i32
      %eq3A_81 = arith.constant -1 : i32
      %eq3A_82 = arith.cmpi eq, %select_n3A_80, %eq3A_81 : i32
      %select_n3A_83 = arith.constant 15 : i32
      %select_n3A_84 = arith.select %eq3A_82, %select_n3A_83, %select_n3A_80 : i32
      %add3A_85 = arith.addi %select_n3A_84, %mul3A_6 : i32
      %add3A_86 = arith.constant 1 : i32
      %add3A_87 = arith.addi %select_n3A_75, %add3A_86 : i32
      %select_n3A_88 = arith.constant true
      %select_n3A_89 = arith.select %select_n3A_88, %add3A_87, %select_n3A_75 : i32
      %eq3A_90 = arith.constant 16 : i32
      %eq3A_91 = arith.cmpi eq, %select_n3A_89, %eq3A_90 : i32
      %select_n3A_92 = arith.constant 0 : i32
      %select_n3A_93 = arith.select %eq3A_91, %select_n3A_92, %select_n3A_89 : i32
      %add3A_94 = arith.addi %select_n3A_93, %mul3A_6 : i32
      %add3A_95 = arith.constant 1 : i32
      %add3A_96 = arith.addi %select_n3A_93, %add3A_95 : i32
      %select_n3A_97 = arith.constant true
      %select_n3A_98 = arith.select %select_n3A_97, %add3A_96, %select_n3A_93 : i32
      %eq3A_99 = arith.constant 16 : i32
      %eq3A_100 = arith.cmpi eq, %select_n3A_98, %eq3A_99 : i32
      %select_n3A_101 = arith.constant 0 : i32
      %select_n3A_102 = arith.select %eq3A_100, %select_n3A_101, %select_n3A_98 : i32
      %add3A_103 = arith.addi %select_n3A_102, %mul3A_6 : i32
      "tpu.trace_start"() <{level = 10 : i32, message = "ep_finalize"}> : () -> ()
      %rem3A_104 = arith.constant 2 : i32
      %rem3A_105 = arith.remui %scan3A_67#3, %rem3A_104 : i32
      %mul3A_106 = arith.constant 128 : i32
      %mul3A_107 = arith.muli %mul3A_106, %add3A_76 : i32
      %dma_wait3A = arith.constant 0 : i32
      %dma_wait3A_108 = arith.constant 0 : i32
      %dma_wait3A_109 = tpu.memref_slice %run_scoped3A_8[%rem3A_105, %dma_wait3A, %dma_wait3A_108] : memref<2x128x256xf32, #tpu.memory_space<vmem>> -> memref<1x128x256xf32, #tpu.memory_space<vmem>>
      %dma_wait3A_110 = tpu.memref_squeeze %dma_wait3A_109 : memref<1x128x256xf32, #tpu.memory_space<vmem>> -> memref<128x256xf32, #tpu.memory_space<vmem>>
      %dma_wait3A_111 = arith.constant 0 : i32
      %dma_wait3A_112 = tpu.memref_slice %arg4[%mul3A_107, %dma_wait3A_111] : memref<65536x256xf32, #tpu.memory_space<hbm>> -> memref<128x256xf32, #tpu.memory_space<hbm>>
      %dma_wait3A_113 = tpu.memref_slice %run_scoped3A_9[%rem3A_105] : memref<2x!tpu.dma_semaphore, #tpu.memory_space<semaphore_mem>> -> memref<1x!tpu.dma_semaphore, #tpu.memory_space<semaphore_mem>>
      %dma_wait3A_114 = tpu.memref_squeeze %dma_wait3A_113 : memref<1x!tpu.dma_semaphore, #tpu.memory_space<semaphore_mem>> -> memref<!tpu.dma_semaphore, #tpu.memory_space<semaphore_mem>>
      %dma_wait3A_115 = arith.constant 0 : i32
      %dma_wait3A_116 = tpu.memref_slice %arg4[%mul3A_107, %dma_wait3A_115] : memref<65536x256xf32, #tpu.memory_space<hbm>> -> memref<128x256xf32, #tpu.memory_space<hbm>>
      %dma_wait3A_117 = arith.constant 0 : i32
      %dma_wait3A_118 = arith.constant 0 : i32
      %dma_wait3A_119 = tpu.memref_slice %run_scoped3A_8[%rem3A_105, %dma_wait3A_117, %dma_wait3A_118] : memref<2x128x256xf32, #tpu.memory_space<vmem>> -> memref<1x128x256xf32, #tpu.memory_space<vmem>>
      %dma_wait3A_120 = tpu.memref_squeeze %dma_wait3A_119 : memref<1x128x256xf32, #tpu.memory_space<vmem>> -> memref<128x256xf32, #tpu.memory_space<vmem>>
      tpu.wait_dma2 semaphore(%dma_wait3A_114 : memref<!tpu.dma_semaphore, #tpu.memory_space<semaphore_mem>>) src(%dma_wait3A_120 : memref<128x256xf32, #tpu.memory_space<vmem>>) dst(%dma_wait3A_116 : memref<128x256xf32, #tpu.memory_space<hbm>>)
      "tpu.trace_stop"() : () -> ()
      tpu.yield
    }) : () -> ()
    return
  }
}

module attributes {stable_mosaic.version = 14 : i64} {
  func.func @_routing_kernel(%arg0: memref<2048x1024xf32, #tpu.memory_space<vmem>>, %arg1: memref<64x1024xf32, #tpu.memory_space<vmem>>, %arg2: memref<2048x8xi32, #tpu.memory_space<vmem>>, %arg3: memref<2048x8xf32, #tpu.memory_space<vmem>>, %arg4: memref<1x64xi32, #tpu.memory_space<vmem>>) attributes {dimension_semantics = [], scalar_prefetch = 0 : i64, scratch_operands = 0 : i64, tpu.core_type = #tpu.core_type<tc>} {
    %get3A = arith.constant 0 : index
    %get3A_0 = arith.constant 0 : index
    %get3A_1 = vector.load %arg0[%get3A, %get3A_0] : memref<2048x1024xf32, #tpu.memory_space<vmem>>, vector<2048x1024xf32>
    %get3A_2 = arith.constant 0 : index
    %get3A_3 = arith.constant 0 : index
    %get3A_4 = vector.load %arg1[%get3A_2, %get3A_3] : memref<64x1024xf32, #tpu.memory_space<vmem>>, vector<64x1024xf32>
    %dot_general3A = arith.constant dense<0.000000e+00> : vector<2048x64xf32>
    %dot_general3A_5 = tpu.matmul %get3A_1, %get3A_4, %dot_general3A {dimension_numbers = #tpu.dot_dimension_numbers<[1], [1], [0], [0], [0, 0, 1, 0], [], []>, transpose_lhs_hint = false} : vector<2048x1024xf32>, vector<64x1024xf32>, vector<2048x64xf32> -> vector<2048x64xf32>
    %reduce_max3A = arith.constant dense<0xFF800000> : vector<2048xf32>
    %reduce_max3A_6 = vector.multi_reduction <maximumf>, %dot_general3A_5, %reduce_max3A [1] : vector<2048x64xf32> to vector<2048xf32>
    %broadcast_in_dim3A = vector.shape_cast %reduce_max3A_6 : vector<2048xf32> to vector<2048x1xf32>
    %sub3A = vector.broadcast %broadcast_in_dim3A : vector<2048x1xf32> to vector<2048x64xf32>
    %sub3A_7 = arith.subf %dot_general3A_5, %sub3A : vector<2048x64xf32>
    %exp3A = math.exp %sub3A_7 : vector<2048x64xf32>
    %reduce_sum3A = arith.constant dense<0.000000e+00> : vector<2048xf32>
    %reduce_sum3A_8 = vector.multi_reduction <add>, %exp3A, %reduce_sum3A [1] : vector<2048x64xf32> to vector<2048xf32>
    %broadcast_in_dim3A_9 = vector.shape_cast %reduce_sum3A_8 : vector<2048xf32> to vector<2048x1xf32>
    %div3A = vector.broadcast %broadcast_in_dim3A_9 : vector<2048x1xf32> to vector<2048x64xf32>
    %div3A_10 = arith.divf %exp3A, %div3A : vector<2048x64xf32>
    %iota3A = tpu.iota {dimensions = array<i32: 1>} : vector<2048x64xi32>
    %jit3A = arith.constant 8 : i32
    %div3A_11 = vector.broadcast %jit3A : i32 to vector<2048x64xi32>
    %div3A_12 = arith.divsi %iota3A, %div3A_11 : vector<2048x64xi32>
    %sign3A = arith.constant 0 : i32
    %sign3A_13 = vector.broadcast %sign3A : i32 to vector<2048x64xi32>
    %sign3A_14 = arith.cmpi sgt, %iota3A, %sign3A_13 : vector<2048x64xi32>
    %sign3A_15 = arith.extui %sign3A_14 : vector<2048x64xi1> to vector<2048x64xi32>
    %sign3A_16 = arith.constant 0 : i32
    %sign3A_17 = vector.broadcast %sign3A_16 : i32 to vector<2048x64xi32>
    %sign3A_18 = arith.cmpi slt, %iota3A, %sign3A_17 : vector<2048x64xi32>
    %sign3A_19 = arith.extui %sign3A_18 : vector<2048x64xi1> to vector<2048x64xi32>
    %sign3A_20 = arith.subi %sign3A_15, %sign3A_19 : vector<2048x64xi32>
    %sign3A_21 = arith.constant 0 : i32
    %sign3A_22 = arith.cmpi sgt, %jit3A, %sign3A_21 : i32
    %sign3A_23 = arith.extui %sign3A_22 : i1 to i32
    %sign3A_24 = arith.constant 0 : i32
    %sign3A_25 = arith.cmpi slt, %jit3A, %sign3A_24 : i32
    %sign3A_26 = arith.extui %sign3A_25 : i1 to i32
    %sign3A_27 = arith.subi %sign3A_23, %sign3A_26 : i32
    %ne3A = vector.broadcast %sign3A_27 : i32 to vector<2048x64xi32>
    %ne3A_28 = arith.cmpi ne, %sign3A_20, %ne3A : vector<2048x64xi32>
    %rem3A = vector.broadcast %jit3A : i32 to vector<2048x64xi32>
    %rem3A_29 = arith.remsi %iota3A, %rem3A : vector<2048x64xi32>
    %ne3A_30 = arith.constant 0 : i32
    %ne3A_31 = vector.broadcast %ne3A_30 : i32 to vector<2048x64xi32>
    %ne3A_32 = arith.cmpi ne, %rem3A_29, %ne3A_31 : vector<2048x64xi32>
    %and3A = arith.andi %ne3A_28, %ne3A_32 : vector<2048x64xi1>
    %sub3A_33 = arith.constant 1 : i32
    %sub3A_34 = vector.broadcast %sub3A_33 : i32 to vector<2048x64xi32>
    %sub3A_35 = arith.subi %div3A_12, %sub3A_34 : vector<2048x64xi32>
    %select_n3A = arith.select %and3A, %sub3A_35, %div3A_12 : vector<2048x64xi1>, vector<2048x64xi32>
    %broadcast_in_dim3A_36 = arith.constant 0.000000e+00 : f32
    %broadcast_in_dim3A_37 = vector.broadcast %broadcast_in_dim3A_36 : f32 to vector<2048x64xf32>
    %eq3A = arith.constant 0 : i32
    %eq3A_38 = vector.broadcast %eq3A : i32 to vector<2048x64xi32>
    %eq3A_39 = arith.cmpi eq, %select_n3A, %eq3A_38 : vector<2048x64xi32>
    %jit3A_40 = arith.constant 0xFF800000 : f32
    %broadcast_in_dim3A_41 = vector.broadcast %jit3A_40 : f32 to vector<2048x64xf32>
    %select_n3A_42 = arith.select %eq3A_39, %div3A_10, %broadcast_in_dim3A_41 : vector<2048x64xi1>, vector<2048x64xf32>
    %reduce_max3A_43 = arith.constant dense<0xFF800000> : vector<2048xf32>
    %reduce_max3A_44 = vector.multi_reduction <maximumf>, %select_n3A_42, %reduce_max3A_43 [1] : vector<2048x64xf32> to vector<2048xf32>
    %broadcast_in_dim3A_45 = vector.shape_cast %reduce_max3A_44 : vector<2048xf32> to vector<2048x1xf32>
    %eq3A_46 = arith.constant 0 : i32
    %eq3A_47 = vector.broadcast %eq3A_46 : i32 to vector<2048x64xi32>
    %eq3A_48 = arith.cmpi eq, %select_n3A, %eq3A_47 : vector<2048x64xi32>
    %broadcast_in_dim3A_49 = vector.shape_cast %broadcast_in_dim3A_45 : vector<2048x1xf32> to vector<2048x1xf32>
    %broadcast_in_dim3A_50 = vector.broadcast %broadcast_in_dim3A_49 : vector<2048x1xf32> to vector<2048x64xf32>
    %select_n3A_51 = arith.select %eq3A_48, %broadcast_in_dim3A_50, %broadcast_in_dim3A_37 : vector<2048x64xi1>, vector<2048x64xf32>
    %eq3A_52 = arith.constant 1 : i32
    %eq3A_53 = vector.broadcast %eq3A_52 : i32 to vector<2048x64xi32>
    %eq3A_54 = arith.cmpi eq, %select_n3A, %eq3A_53 : vector<2048x64xi32>
    %jit3A_55 = arith.constant 0xFF800000 : f32
    %broadcast_in_dim3A_56 = vector.broadcast %jit3A_55 : f32 to vector<2048x64xf32>
    %select_n3A_57 = arith.select %eq3A_54, %div3A_10, %broadcast_in_dim3A_56 : vector<2048x64xi1>, vector<2048x64xf32>
    %reduce_max3A_58 = arith.constant dense<0xFF800000> : vector<2048xf32>
    %reduce_max3A_59 = vector.multi_reduction <maximumf>, %select_n3A_57, %reduce_max3A_58 [1] : vector<2048x64xf32> to vector<2048xf32>
    %broadcast_in_dim3A_60 = vector.shape_cast %reduce_max3A_59 : vector<2048xf32> to vector<2048x1xf32>
    %eq3A_61 = arith.constant 1 : i32
    %eq3A_62 = vector.broadcast %eq3A_61 : i32 to vector<2048x64xi32>
    %eq3A_63 = arith.cmpi eq, %select_n3A, %eq3A_62 : vector<2048x64xi32>
    %broadcast_in_dim3A_64 = vector.shape_cast %broadcast_in_dim3A_60 : vector<2048x1xf32> to vector<2048x1xf32>
    %broadcast_in_dim3A_65 = vector.broadcast %broadcast_in_dim3A_64 : vector<2048x1xf32> to vector<2048x64xf32>
    %select_n3A_66 = arith.select %eq3A_63, %broadcast_in_dim3A_65, %select_n3A_51 : vector<2048x64xi1>, vector<2048x64xf32>
    %eq3A_67 = arith.constant 2 : i32
    %eq3A_68 = vector.broadcast %eq3A_67 : i32 to vector<2048x64xi32>
    %eq3A_69 = arith.cmpi eq, %select_n3A, %eq3A_68 : vector<2048x64xi32>
    %jit3A_70 = arith.constant 0xFF800000 : f32
    %broadcast_in_dim3A_71 = vector.broadcast %jit3A_70 : f32 to vector<2048x64xf32>
    %select_n3A_72 = arith.select %eq3A_69, %div3A_10, %broadcast_in_dim3A_71 : vector<2048x64xi1>, vector<2048x64xf32>
    %reduce_max3A_73 = arith.constant dense<0xFF800000> : vector<2048xf32>
    %reduce_max3A_74 = vector.multi_reduction <maximumf>, %select_n3A_72, %reduce_max3A_73 [1] : vector<2048x64xf32> to vector<2048xf32>
    %broadcast_in_dim3A_75 = vector.shape_cast %reduce_max3A_74 : vector<2048xf32> to vector<2048x1xf32>
    %eq3A_76 = arith.constant 2 : i32
    %eq3A_77 = vector.broadcast %eq3A_76 : i32 to vector<2048x64xi32>
    %eq3A_78 = arith.cmpi eq, %select_n3A, %eq3A_77 : vector<2048x64xi32>
    %broadcast_in_dim3A_79 = vector.shape_cast %broadcast_in_dim3A_75 : vector<2048x1xf32> to vector<2048x1xf32>
    %broadcast_in_dim3A_80 = vector.broadcast %broadcast_in_dim3A_79 : vector<2048x1xf32> to vector<2048x64xf32>
    %select_n3A_81 = arith.select %eq3A_78, %broadcast_in_dim3A_80, %select_n3A_66 : vector<2048x64xi1>, vector<2048x64xf32>
    %eq3A_82 = arith.constant 3 : i32
    %eq3A_83 = vector.broadcast %eq3A_82 : i32 to vector<2048x64xi32>
    %eq3A_84 = arith.cmpi eq, %select_n3A, %eq3A_83 : vector<2048x64xi32>
    %jit3A_85 = arith.constant 0xFF800000 : f32
    %broadcast_in_dim3A_86 = vector.broadcast %jit3A_85 : f32 to vector<2048x64xf32>
    %select_n3A_87 = arith.select %eq3A_84, %div3A_10, %broadcast_in_dim3A_86 : vector<2048x64xi1>, vector<2048x64xf32>
    %reduce_max3A_88 = arith.constant dense<0xFF800000> : vector<2048xf32>
    %reduce_max3A_89 = vector.multi_reduction <maximumf>, %select_n3A_87, %reduce_max3A_88 [1] : vector<2048x64xf32> to vector<2048xf32>
    %broadcast_in_dim3A_90 = vector.shape_cast %reduce_max3A_89 : vector<2048xf32> to vector<2048x1xf32>
    %eq3A_91 = arith.constant 3 : i32
    %eq3A_92 = vector.broadcast %eq3A_91 : i32 to vector<2048x64xi32>
    %eq3A_93 = arith.cmpi eq, %select_n3A, %eq3A_92 : vector<2048x64xi32>
    %broadcast_in_dim3A_94 = vector.shape_cast %broadcast_in_dim3A_90 : vector<2048x1xf32> to vector<2048x1xf32>
    %broadcast_in_dim3A_95 = vector.broadcast %broadcast_in_dim3A_94 : vector<2048x1xf32> to vector<2048x64xf32>
    %select_n3A_96 = arith.select %eq3A_93, %broadcast_in_dim3A_95, %select_n3A_81 : vector<2048x64xi1>, vector<2048x64xf32>
    %eq3A_97 = arith.constant 4 : i32
    %eq3A_98 = vector.broadcast %eq3A_97 : i32 to vector<2048x64xi32>
    %eq3A_99 = arith.cmpi eq, %select_n3A, %eq3A_98 : vector<2048x64xi32>
    %jit3A_100 = arith.constant 0xFF800000 : f32
    %broadcast_in_dim3A_101 = vector.broadcast %jit3A_100 : f32 to vector<2048x64xf32>
    %select_n3A_102 = arith.select %eq3A_99, %div3A_10, %broadcast_in_dim3A_101 : vector<2048x64xi1>, vector<2048x64xf32>
    %reduce_max3A_103 = arith.constant dense<0xFF800000> : vector<2048xf32>
    %reduce_max3A_104 = vector.multi_reduction <maximumf>, %select_n3A_102, %reduce_max3A_103 [1] : vector<2048x64xf32> to vector<2048xf32>
    %broadcast_in_dim3A_105 = vector.shape_cast %reduce_max3A_104 : vector<2048xf32> to vector<2048x1xf32>
    %eq3A_106 = arith.constant 4 : i32
    %eq3A_107 = vector.broadcast %eq3A_106 : i32 to vector<2048x64xi32>
    %eq3A_108 = arith.cmpi eq, %select_n3A, %eq3A_107 : vector<2048x64xi32>
    %broadcast_in_dim3A_109 = vector.shape_cast %broadcast_in_dim3A_105 : vector<2048x1xf32> to vector<2048x1xf32>
    %broadcast_in_dim3A_110 = vector.broadcast %broadcast_in_dim3A_109 : vector<2048x1xf32> to vector<2048x64xf32>
    %select_n3A_111 = arith.select %eq3A_108, %broadcast_in_dim3A_110, %select_n3A_96 : vector<2048x64xi1>, vector<2048x64xf32>
    %eq3A_112 = arith.constant 5 : i32
    %eq3A_113 = vector.broadcast %eq3A_112 : i32 to vector<2048x64xi32>
    %eq3A_114 = arith.cmpi eq, %select_n3A, %eq3A_113 : vector<2048x64xi32>
    %jit3A_115 = arith.constant 0xFF800000 : f32
    %broadcast_in_dim3A_116 = vector.broadcast %jit3A_115 : f32 to vector<2048x64xf32>
    %select_n3A_117 = arith.select %eq3A_114, %div3A_10, %broadcast_in_dim3A_116 : vector<2048x64xi1>, vector<2048x64xf32>
    %reduce_max3A_118 = arith.constant dense<0xFF800000> : vector<2048xf32>
    %reduce_max3A_119 = vector.multi_reduction <maximumf>, %select_n3A_117, %reduce_max3A_118 [1] : vector<2048x64xf32> to vector<2048xf32>
    %broadcast_in_dim3A_120 = vector.shape_cast %reduce_max3A_119 : vector<2048xf32> to vector<2048x1xf32>
    %eq3A_121 = arith.constant 5 : i32
    %eq3A_122 = vector.broadcast %eq3A_121 : i32 to vector<2048x64xi32>
    %eq3A_123 = arith.cmpi eq, %select_n3A, %eq3A_122 : vector<2048x64xi32>
    %broadcast_in_dim3A_124 = vector.shape_cast %broadcast_in_dim3A_120 : vector<2048x1xf32> to vector<2048x1xf32>
    %broadcast_in_dim3A_125 = vector.broadcast %broadcast_in_dim3A_124 : vector<2048x1xf32> to vector<2048x64xf32>
    %select_n3A_126 = arith.select %eq3A_123, %broadcast_in_dim3A_125, %select_n3A_111 : vector<2048x64xi1>, vector<2048x64xf32>
    %eq3A_127 = arith.constant 6 : i32
    %eq3A_128 = vector.broadcast %eq3A_127 : i32 to vector<2048x64xi32>
    %eq3A_129 = arith.cmpi eq, %select_n3A, %eq3A_128 : vector<2048x64xi32>
    %jit3A_130 = arith.constant 0xFF800000 : f32
    %broadcast_in_dim3A_131 = vector.broadcast %jit3A_130 : f32 to vector<2048x64xf32>
    %select_n3A_132 = arith.select %eq3A_129, %div3A_10, %broadcast_in_dim3A_131 : vector<2048x64xi1>, vector<2048x64xf32>
    %reduce_max3A_133 = arith.constant dense<0xFF800000> : vector<2048xf32>
    %reduce_max3A_134 = vector.multi_reduction <maximumf>, %select_n3A_132, %reduce_max3A_133 [1] : vector<2048x64xf32> to vector<2048xf32>
    %broadcast_in_dim3A_135 = vector.shape_cast %reduce_max3A_134 : vector<2048xf32> to vector<2048x1xf32>
    %eq3A_136 = arith.constant 6 : i32
    %eq3A_137 = vector.broadcast %eq3A_136 : i32 to vector<2048x64xi32>
    %eq3A_138 = arith.cmpi eq, %select_n3A, %eq3A_137 : vector<2048x64xi32>
    %broadcast_in_dim3A_139 = vector.shape_cast %broadcast_in_dim3A_135 : vector<2048x1xf32> to vector<2048x1xf32>
    %broadcast_in_dim3A_140 = vector.broadcast %broadcast_in_dim3A_139 : vector<2048x1xf32> to vector<2048x64xf32>
    %select_n3A_141 = arith.select %eq3A_138, %broadcast_in_dim3A_140, %select_n3A_126 : vector<2048x64xi1>, vector<2048x64xf32>
    %eq3A_142 = arith.constant 7 : i32
    %eq3A_143 = vector.broadcast %eq3A_142 : i32 to vector<2048x64xi32>
    %eq3A_144 = arith.cmpi eq, %select_n3A, %eq3A_143 : vector<2048x64xi32>
    %jit3A_145 = arith.constant 0xFF800000 : f32
    %broadcast_in_dim3A_146 = vector.broadcast %jit3A_145 : f32 to vector<2048x64xf32>
    %select_n3A_147 = arith.select %eq3A_144, %div3A_10, %broadcast_in_dim3A_146 : vector<2048x64xi1>, vector<2048x64xf32>
    %reduce_max3A_148 = arith.constant dense<0xFF800000> : vector<2048xf32>
    %reduce_max3A_149 = vector.multi_reduction <maximumf>, %select_n3A_147, %reduce_max3A_148 [1] : vector<2048x64xf32> to vector<2048xf32>
    %broadcast_in_dim3A_150 = vector.shape_cast %reduce_max3A_149 : vector<2048xf32> to vector<2048x1xf32>
    %eq3A_151 = arith.constant 7 : i32
    %eq3A_152 = vector.broadcast %eq3A_151 : i32 to vector<2048x64xi32>
    %eq3A_153 = arith.cmpi eq, %select_n3A, %eq3A_152 : vector<2048x64xi32>
    %broadcast_in_dim3A_154 = vector.shape_cast %broadcast_in_dim3A_150 : vector<2048x1xf32> to vector<2048x1xf32>
    %broadcast_in_dim3A_155 = vector.broadcast %broadcast_in_dim3A_154 : vector<2048x1xf32> to vector<2048x64xf32>
    %select_n3A_156 = arith.select %eq3A_153, %broadcast_in_dim3A_155, %select_n3A_141 : vector<2048x64xi1>, vector<2048x64xf32>
    %broadcast_in_dim3A_157 = arith.constant 0 : i32
    %broadcast_in_dim3A_158 = vector.broadcast %broadcast_in_dim3A_157 : i32 to vector<2048x64xi32>
    %gt3A = vector.broadcast %broadcast_in_dim3A_45 : vector<2048x1xf32> to vector<2048x64xf32>
    %gt3A_159 = arith.cmpf ogt, %gt3A, %select_n3A_156 : vector<2048x64xf32>
    %jit3A_160 = arith.constant 1 : i32
    %jit3A_161 = arith.constant 0 : i32
    %broadcast_in_dim3A_162 = vector.broadcast %jit3A_160 : i32 to vector<2048x64xi32>
    %broadcast_in_dim3A_163 = vector.broadcast %jit3A_161 : i32 to vector<2048x64xi32>
    %select_n3A_164 = arith.select %gt3A_159, %broadcast_in_dim3A_162, %broadcast_in_dim3A_163 : vector<2048x64xi1>, vector<2048x64xi32>
    %add3A = arith.addi %broadcast_in_dim3A_158, %select_n3A_164 : vector<2048x64xi32>
    %eq3A_165 = vector.broadcast %broadcast_in_dim3A_45 : vector<2048x1xf32> to vector<2048x64xf32>
    %eq3A_166 = arith.cmpf oeq, %eq3A_165, %select_n3A_156 : vector<2048x64xf32>
    %gt3A_167 = arith.constant 0 : i32
    %gt3A_168 = vector.broadcast %gt3A_167 : i32 to vector<2048x64xi32>
    %gt3A_169 = arith.cmpi sgt, %select_n3A, %gt3A_168 : vector<2048x64xi32>
    %and3A_170 = arith.andi %eq3A_166, %gt3A_169 : vector<2048x64xi1>
    %jit3A_171 = arith.constant 1 : i32
    %jit3A_172 = arith.constant 0 : i32
    %broadcast_in_dim3A_173 = vector.broadcast %jit3A_171 : i32 to vector<2048x64xi32>
    %broadcast_in_dim3A_174 = vector.broadcast %jit3A_172 : i32 to vector<2048x64xi32>
    %select_n3A_175 = arith.select %and3A_170, %broadcast_in_dim3A_173, %broadcast_in_dim3A_174 : vector<2048x64xi1>, vector<2048x64xi32>
    %add3A_176 = arith.addi %add3A, %select_n3A_175 : vector<2048x64xi32>
    %gt3A_177 = vector.broadcast %broadcast_in_dim3A_60 : vector<2048x1xf32> to vector<2048x64xf32>
    %gt3A_178 = arith.cmpf ogt, %gt3A_177, %select_n3A_156 : vector<2048x64xf32>
    %jit3A_179 = arith.constant 1 : i32
    %jit3A_180 = arith.constant 0 : i32
    %broadcast_in_dim3A_181 = vector.broadcast %jit3A_179 : i32 to vector<2048x64xi32>
    %broadcast_in_dim3A_182 = vector.broadcast %jit3A_180 : i32 to vector<2048x64xi32>
    %select_n3A_183 = arith.select %gt3A_178, %broadcast_in_dim3A_181, %broadcast_in_dim3A_182 : vector<2048x64xi1>, vector<2048x64xi32>
    %add3A_184 = arith.addi %add3A_176, %select_n3A_183 : vector<2048x64xi32>
    %eq3A_185 = vector.broadcast %broadcast_in_dim3A_60 : vector<2048x1xf32> to vector<2048x64xf32>
    %eq3A_186 = arith.cmpf oeq, %eq3A_185, %select_n3A_156 : vector<2048x64xf32>
    %gt3A_187 = arith.constant 1 : i32
    %gt3A_188 = vector.broadcast %gt3A_187 : i32 to vector<2048x64xi32>
    %gt3A_189 = arith.cmpi sgt, %select_n3A, %gt3A_188 : vector<2048x64xi32>
    %and3A_190 = arith.andi %eq3A_186, %gt3A_189 : vector<2048x64xi1>
    %jit3A_191 = arith.constant 1 : i32
    %jit3A_192 = arith.constant 0 : i32
    %broadcast_in_dim3A_193 = vector.broadcast %jit3A_191 : i32 to vector<2048x64xi32>
    %broadcast_in_dim3A_194 = vector.broadcast %jit3A_192 : i32 to vector<2048x64xi32>
    %select_n3A_195 = arith.select %and3A_190, %broadcast_in_dim3A_193, %broadcast_in_dim3A_194 : vector<2048x64xi1>, vector<2048x64xi32>
    %add3A_196 = arith.addi %add3A_184, %select_n3A_195 : vector<2048x64xi32>
    %gt3A_197 = vector.broadcast %broadcast_in_dim3A_75 : vector<2048x1xf32> to vector<2048x64xf32>
    %gt3A_198 = arith.cmpf ogt, %gt3A_197, %select_n3A_156 : vector<2048x64xf32>
    %jit3A_199 = arith.constant 1 : i32
    %jit3A_200 = arith.constant 0 : i32
    %broadcast_in_dim3A_201 = vector.broadcast %jit3A_199 : i32 to vector<2048x64xi32>
    %broadcast_in_dim3A_202 = vector.broadcast %jit3A_200 : i32 to vector<2048x64xi32>
    %select_n3A_203 = arith.select %gt3A_198, %broadcast_in_dim3A_201, %broadcast_in_dim3A_202 : vector<2048x64xi1>, vector<2048x64xi32>
    %add3A_204 = arith.addi %add3A_196, %select_n3A_203 : vector<2048x64xi32>
    %eq3A_205 = vector.broadcast %broadcast_in_dim3A_75 : vector<2048x1xf32> to vector<2048x64xf32>
    %eq3A_206 = arith.cmpf oeq, %eq3A_205, %select_n3A_156 : vector<2048x64xf32>
    %gt3A_207 = arith.constant 2 : i32
    %gt3A_208 = vector.broadcast %gt3A_207 : i32 to vector<2048x64xi32>
    %gt3A_209 = arith.cmpi sgt, %select_n3A, %gt3A_208 : vector<2048x64xi32>
    %and3A_210 = arith.andi %eq3A_206, %gt3A_209 : vector<2048x64xi1>
    %jit3A_211 = arith.constant 1 : i32
    %jit3A_212 = arith.constant 0 : i32
    %broadcast_in_dim3A_213 = vector.broadcast %jit3A_211 : i32 to vector<2048x64xi32>
    %broadcast_in_dim3A_214 = vector.broadcast %jit3A_212 : i32 to vector<2048x64xi32>
    %select_n3A_215 = arith.select %and3A_210, %broadcast_in_dim3A_213, %broadcast_in_dim3A_214 : vector<2048x64xi1>, vector<2048x64xi32>
    %add3A_216 = arith.addi %add3A_204, %select_n3A_215 : vector<2048x64xi32>
    %gt3A_217 = vector.broadcast %broadcast_in_dim3A_90 : vector<2048x1xf32> to vector<2048x64xf32>
    %gt3A_218 = arith.cmpf ogt, %gt3A_217, %select_n3A_156 : vector<2048x64xf32>
    %jit3A_219 = arith.constant 1 : i32
    %jit3A_220 = arith.constant 0 : i32
    %broadcast_in_dim3A_221 = vector.broadcast %jit3A_219 : i32 to vector<2048x64xi32>
    %broadcast_in_dim3A_222 = vector.broadcast %jit3A_220 : i32 to vector<2048x64xi32>
    %select_n3A_223 = arith.select %gt3A_218, %broadcast_in_dim3A_221, %broadcast_in_dim3A_222 : vector<2048x64xi1>, vector<2048x64xi32>
    %add3A_224 = arith.addi %add3A_216, %select_n3A_223 : vector<2048x64xi32>
    %eq3A_225 = vector.broadcast %broadcast_in_dim3A_90 : vector<2048x1xf32> to vector<2048x64xf32>
    %eq3A_226 = arith.cmpf oeq, %eq3A_225, %select_n3A_156 : vector<2048x64xf32>
    %gt3A_227 = arith.constant 3 : i32
    %gt3A_228 = vector.broadcast %gt3A_227 : i32 to vector<2048x64xi32>
    %gt3A_229 = arith.cmpi sgt, %select_n3A, %gt3A_228 : vector<2048x64xi32>
    %and3A_230 = arith.andi %eq3A_226, %gt3A_229 : vector<2048x64xi1>
    %jit3A_231 = arith.constant 1 : i32
    %jit3A_232 = arith.constant 0 : i32
    %broadcast_in_dim3A_233 = vector.broadcast %jit3A_231 : i32 to vector<2048x64xi32>
    %broadcast_in_dim3A_234 = vector.broadcast %jit3A_232 : i32 to vector<2048x64xi32>
    %select_n3A_235 = arith.select %and3A_230, %broadcast_in_dim3A_233, %broadcast_in_dim3A_234 : vector<2048x64xi1>, vector<2048x64xi32>
    %add3A_236 = arith.addi %add3A_224, %select_n3A_235 : vector<2048x64xi32>
    %gt3A_237 = vector.broadcast %broadcast_in_dim3A_105 : vector<2048x1xf32> to vector<2048x64xf32>
    %gt3A_238 = arith.cmpf ogt, %gt3A_237, %select_n3A_156 : vector<2048x64xf32>
    %jit3A_239 = arith.constant 1 : i32
    %jit3A_240 = arith.constant 0 : i32
    %broadcast_in_dim3A_241 = vector.broadcast %jit3A_239 : i32 to vector<2048x64xi32>
    %broadcast_in_dim3A_242 = vector.broadcast %jit3A_240 : i32 to vector<2048x64xi32>
    %select_n3A_243 = arith.select %gt3A_238, %broadcast_in_dim3A_241, %broadcast_in_dim3A_242 : vector<2048x64xi1>, vector<2048x64xi32>
    %add3A_244 = arith.addi %add3A_236, %select_n3A_243 : vector<2048x64xi32>
    %eq3A_245 = vector.broadcast %broadcast_in_dim3A_105 : vector<2048x1xf32> to vector<2048x64xf32>
    %eq3A_246 = arith.cmpf oeq, %eq3A_245, %select_n3A_156 : vector<2048x64xf32>
    %gt3A_247 = arith.constant 4 : i32
    %gt3A_248 = vector.broadcast %gt3A_247 : i32 to vector<2048x64xi32>
    %gt3A_249 = arith.cmpi sgt, %select_n3A, %gt3A_248 : vector<2048x64xi32>
    %and3A_250 = arith.andi %eq3A_246, %gt3A_249 : vector<2048x64xi1>
    %jit3A_251 = arith.constant 1 : i32
    %jit3A_252 = arith.constant 0 : i32
    %broadcast_in_dim3A_253 = vector.broadcast %jit3A_251 : i32 to vector<2048x64xi32>
    %broadcast_in_dim3A_254 = vector.broadcast %jit3A_252 : i32 to vector<2048x64xi32>
    %select_n3A_255 = arith.select %and3A_250, %broadcast_in_dim3A_253, %broadcast_in_dim3A_254 : vector<2048x64xi1>, vector<2048x64xi32>
    %add3A_256 = arith.addi %add3A_244, %select_n3A_255 : vector<2048x64xi32>
    %gt3A_257 = vector.broadcast %broadcast_in_dim3A_120 : vector<2048x1xf32> to vector<2048x64xf32>
    %gt3A_258 = arith.cmpf ogt, %gt3A_257, %select_n3A_156 : vector<2048x64xf32>
    %jit3A_259 = arith.constant 1 : i32
    %jit3A_260 = arith.constant 0 : i32
    %broadcast_in_dim3A_261 = vector.broadcast %jit3A_259 : i32 to vector<2048x64xi32>
    %broadcast_in_dim3A_262 = vector.broadcast %jit3A_260 : i32 to vector<2048x64xi32>
    %select_n3A_263 = arith.select %gt3A_258, %broadcast_in_dim3A_261, %broadcast_in_dim3A_262 : vector<2048x64xi1>, vector<2048x64xi32>
    %add3A_264 = arith.addi %add3A_256, %select_n3A_263 : vector<2048x64xi32>
    %eq3A_265 = vector.broadcast %broadcast_in_dim3A_120 : vector<2048x1xf32> to vector<2048x64xf32>
    %eq3A_266 = arith.cmpf oeq, %eq3A_265, %select_n3A_156 : vector<2048x64xf32>
    %gt3A_267 = arith.constant 5 : i32
    %gt3A_268 = vector.broadcast %gt3A_267 : i32 to vector<2048x64xi32>
    %gt3A_269 = arith.cmpi sgt, %select_n3A, %gt3A_268 : vector<2048x64xi32>
    %and3A_270 = arith.andi %eq3A_266, %gt3A_269 : vector<2048x64xi1>
    %jit3A_271 = arith.constant 1 : i32
    %jit3A_272 = arith.constant 0 : i32
    %broadcast_in_dim3A_273 = vector.broadcast %jit3A_271 : i32 to vector<2048x64xi32>
    %broadcast_in_dim3A_274 = vector.broadcast %jit3A_272 : i32 to vector<2048x64xi32>
    %select_n3A_275 = arith.select %and3A_270, %broadcast_in_dim3A_273, %broadcast_in_dim3A_274 : vector<2048x64xi1>, vector<2048x64xi32>
    %add3A_276 = arith.addi %add3A_264, %select_n3A_275 : vector<2048x64xi32>
    %gt3A_277 = vector.broadcast %broadcast_in_dim3A_135 : vector<2048x1xf32> to vector<2048x64xf32>
    %gt3A_278 = arith.cmpf ogt, %gt3A_277, %select_n3A_156 : vector<2048x64xf32>
    %jit3A_279 = arith.constant 1 : i32
    %jit3A_280 = arith.constant 0 : i32
    %broadcast_in_dim3A_281 = vector.broadcast %jit3A_279 : i32 to vector<2048x64xi32>
    %broadcast_in_dim3A_282 = vector.broadcast %jit3A_280 : i32 to vector<2048x64xi32>
    %select_n3A_283 = arith.select %gt3A_278, %broadcast_in_dim3A_281, %broadcast_in_dim3A_282 : vector<2048x64xi1>, vector<2048x64xi32>
    %add3A_284 = arith.addi %add3A_276, %select_n3A_283 : vector<2048x64xi32>
    %eq3A_285 = vector.broadcast %broadcast_in_dim3A_135 : vector<2048x1xf32> to vector<2048x64xf32>
    %eq3A_286 = arith.cmpf oeq, %eq3A_285, %select_n3A_156 : vector<2048x64xf32>
    %gt3A_287 = arith.constant 6 : i32
    %gt3A_288 = vector.broadcast %gt3A_287 : i32 to vector<2048x64xi32>
    %gt3A_289 = arith.cmpi sgt, %select_n3A, %gt3A_288 : vector<2048x64xi32>
    %and3A_290 = arith.andi %eq3A_286, %gt3A_289 : vector<2048x64xi1>
    %jit3A_291 = arith.constant 1 : i32
    %jit3A_292 = arith.constant 0 : i32
    %broadcast_in_dim3A_293 = vector.broadcast %jit3A_291 : i32 to vector<2048x64xi32>
    %broadcast_in_dim3A_294 = vector.broadcast %jit3A_292 : i32 to vector<2048x64xi32>
    %select_n3A_295 = arith.select %and3A_290, %broadcast_in_dim3A_293, %broadcast_in_dim3A_294 : vector<2048x64xi1>, vector<2048x64xi32>
    %add3A_296 = arith.addi %add3A_284, %select_n3A_295 : vector<2048x64xi32>
    %gt3A_297 = vector.broadcast %broadcast_in_dim3A_150 : vector<2048x1xf32> to vector<2048x64xf32>
    %gt3A_298 = arith.cmpf ogt, %gt3A_297, %select_n3A_156 : vector<2048x64xf32>
    %jit3A_299 = arith.constant 1 : i32
    %jit3A_300 = arith.constant 0 : i32
    %broadcast_in_dim3A_301 = vector.broadcast %jit3A_299 : i32 to vector<2048x64xi32>
    %broadcast_in_dim3A_302 = vector.broadcast %jit3A_300 : i32 to vector<2048x64xi32>
    %select_n3A_303 = arith.select %gt3A_298, %broadcast_in_dim3A_301, %broadcast_in_dim3A_302 : vector<2048x64xi1>, vector<2048x64xi32>
    %add3A_304 = arith.addi %add3A_296, %select_n3A_303 : vector<2048x64xi32>
    %eq3A_305 = vector.broadcast %broadcast_in_dim3A_150 : vector<2048x1xf32> to vector<2048x64xf32>
    %eq3A_306 = arith.cmpf oeq, %eq3A_305, %select_n3A_156 : vector<2048x64xf32>
    %gt3A_307 = arith.constant 7 : i32
    %gt3A_308 = vector.broadcast %gt3A_307 : i32 to vector<2048x64xi32>
    %gt3A_309 = arith.cmpi sgt, %select_n3A, %gt3A_308 : vector<2048x64xi32>
    %and3A_310 = arith.andi %eq3A_306, %gt3A_309 : vector<2048x64xi1>
    %jit3A_311 = arith.constant 1 : i32
    %jit3A_312 = arith.constant 0 : i32
    %broadcast_in_dim3A_313 = vector.broadcast %jit3A_311 : i32 to vector<2048x64xi32>
    %broadcast_in_dim3A_314 = vector.broadcast %jit3A_312 : i32 to vector<2048x64xi32>
    %select_n3A_315 = arith.select %and3A_310, %broadcast_in_dim3A_313, %broadcast_in_dim3A_314 : vector<2048x64xi1>, vector<2048x64xi32>
    %add3A_316 = arith.addi %add3A_304, %select_n3A_315 : vector<2048x64xi32>
    %lt3A = arith.constant 4 : i32
    %lt3A_317 = vector.broadcast %lt3A : i32 to vector<2048x64xi32>
    %lt3A_318 = arith.cmpi slt, %add3A_316, %lt3A_317 : vector<2048x64xi32>
    %jit3A_319 = arith.constant 0.000000e+00 : f32
    %broadcast_in_dim3A_320 = vector.broadcast %jit3A_319 : f32 to vector<2048x64xf32>
    %select_n3A_321 = arith.select %lt3A_318, %div3A_10, %broadcast_in_dim3A_320 : vector<2048x64xi1>, vector<2048x64xf32>
    %broadcast_in_dim3A_322 = arith.constant 0.000000e+00 : f32
    %broadcast_in_dim3A_323 = vector.broadcast %broadcast_in_dim3A_322 : f32 to vector<2048x1xf32>
    %reduce_max3A_324 = arith.constant dense<0xFF800000> : vector<2048xf32>
    %reduce_max3A_325 = vector.multi_reduction <maximumf>, %select_n3A_321, %reduce_max3A_324 [1] : vector<2048x64xf32> to vector<2048xf32>
    %broadcast_in_dim3A_326 = vector.shape_cast %reduce_max3A_325 : vector<2048xf32> to vector<2048x1xf32>
    %eq3A_327 = vector.broadcast %broadcast_in_dim3A_326 : vector<2048x1xf32> to vector<2048x64xf32>
    %eq3A_328 = arith.cmpf oeq, %select_n3A_321, %eq3A_327 : vector<2048x64xf32>
    %jit3A_329 = arith.constant 64 : i32
    %broadcast_in_dim3A_330 = vector.broadcast %jit3A_329 : i32 to vector<2048x64xi32>
    %select_n3A_331 = arith.select %eq3A_328, %iota3A, %broadcast_in_dim3A_330 : vector<2048x64xi1>, vector<2048x64xi32>
    %reduce_min3A = arith.constant dense<2147483647> : vector<2048xi32>
    %reduce_min3A_332 = vector.multi_reduction <minsi>, %select_n3A_331, %reduce_min3A [1] : vector<2048x64xi32> to vector<2048xi32>
    %broadcast_in_dim3A_333 = vector.shape_cast %reduce_min3A_332 : vector<2048xi32> to vector<2048x1xi32>
    %eq3A_334 = vector.broadcast %broadcast_in_dim3A_333 : vector<2048x1xi32> to vector<2048x64xi32>
    %eq3A_335 = arith.cmpi eq, %iota3A, %eq3A_334 : vector<2048x64xi32>
    %add3A_336 = arith.addf %broadcast_in_dim3A_323, %broadcast_in_dim3A_326 : vector<2048x1xf32>
    %jit3A_337 = arith.constant -1.000000e+00 : f32
    %broadcast_in_dim3A_338 = vector.broadcast %jit3A_337 : f32 to vector<2048x64xf32>
    %select_n3A_339 = arith.select %eq3A_335, %broadcast_in_dim3A_338, %select_n3A_321 : vector<2048x64xi1>, vector<2048x64xf32>
    %reduce_max3A_340 = arith.constant dense<0xFF800000> : vector<2048xf32>
    %reduce_max3A_341 = vector.multi_reduction <maximumf>, %select_n3A_339, %reduce_max3A_340 [1] : vector<2048x64xf32> to vector<2048xf32>
    %broadcast_in_dim3A_342 = vector.shape_cast %reduce_max3A_341 : vector<2048xf32> to vector<2048x1xf32>
    %eq3A_343 = vector.broadcast %broadcast_in_dim3A_342 : vector<2048x1xf32> to vector<2048x64xf32>
    %eq3A_344 = arith.cmpf oeq, %select_n3A_339, %eq3A_343 : vector<2048x64xf32>
    %jit3A_345 = arith.constant 64 : i32
    %broadcast_in_dim3A_346 = vector.broadcast %jit3A_345 : i32 to vector<2048x64xi32>
    %select_n3A_347 = arith.select %eq3A_344, %iota3A, %broadcast_in_dim3A_346 : vector<2048x64xi1>, vector<2048x64xi32>
    %reduce_min3A_348 = arith.constant dense<2147483647> : vector<2048xi32>
    %reduce_min3A_349 = vector.multi_reduction <minsi>, %select_n3A_347, %reduce_min3A_348 [1] : vector<2048x64xi32> to vector<2048xi32>
    %broadcast_in_dim3A_350 = vector.shape_cast %reduce_min3A_349 : vector<2048xi32> to vector<2048x1xi32>
    %eq3A_351 = vector.broadcast %broadcast_in_dim3A_350 : vector<2048x1xi32> to vector<2048x64xi32>
    %eq3A_352 = arith.cmpi eq, %iota3A, %eq3A_351 : vector<2048x64xi32>
    %add3A_353 = arith.addf %add3A_336, %broadcast_in_dim3A_342 : vector<2048x1xf32>
    %jit3A_354 = arith.constant -1.000000e+00 : f32
    %broadcast_in_dim3A_355 = vector.broadcast %jit3A_354 : f32 to vector<2048x64xf32>
    %select_n3A_356 = arith.select %eq3A_352, %broadcast_in_dim3A_355, %select_n3A_339 : vector<2048x64xi1>, vector<2048x64xf32>
    %reduce_max3A_357 = arith.constant dense<0xFF800000> : vector<2048xf32>
    %reduce_max3A_358 = vector.multi_reduction <maximumf>, %select_n3A_356, %reduce_max3A_357 [1] : vector<2048x64xf32> to vector<2048xf32>
    %broadcast_in_dim3A_359 = vector.shape_cast %reduce_max3A_358 : vector<2048xf32> to vector<2048x1xf32>
    %eq3A_360 = vector.broadcast %broadcast_in_dim3A_359 : vector<2048x1xf32> to vector<2048x64xf32>
    %eq3A_361 = arith.cmpf oeq, %select_n3A_356, %eq3A_360 : vector<2048x64xf32>
    %jit3A_362 = arith.constant 64 : i32
    %broadcast_in_dim3A_363 = vector.broadcast %jit3A_362 : i32 to vector<2048x64xi32>
    %select_n3A_364 = arith.select %eq3A_361, %iota3A, %broadcast_in_dim3A_363 : vector<2048x64xi1>, vector<2048x64xi32>
    %reduce_min3A_365 = arith.constant dense<2147483647> : vector<2048xi32>
    %reduce_min3A_366 = vector.multi_reduction <minsi>, %select_n3A_364, %reduce_min3A_365 [1] : vector<2048x64xi32> to vector<2048xi32>
    %broadcast_in_dim3A_367 = vector.shape_cast %reduce_min3A_366 : vector<2048xi32> to vector<2048x1xi32>
    %eq3A_368 = vector.broadcast %broadcast_in_dim3A_367 : vector<2048x1xi32> to vector<2048x64xi32>
    %eq3A_369 = arith.cmpi eq, %iota3A, %eq3A_368 : vector<2048x64xi32>
    %add3A_370 = arith.addf %add3A_353, %broadcast_in_dim3A_359 : vector<2048x1xf32>
    %jit3A_371 = arith.constant -1.000000e+00 : f32
    %broadcast_in_dim3A_372 = vector.broadcast %jit3A_371 : f32 to vector<2048x64xf32>
    %select_n3A_373 = arith.select %eq3A_369, %broadcast_in_dim3A_372, %select_n3A_356 : vector<2048x64xi1>, vector<2048x64xf32>
    %reduce_max3A_374 = arith.constant dense<0xFF800000> : vector<2048xf32>
    %reduce_max3A_375 = vector.multi_reduction <maximumf>, %select_n3A_373, %reduce_max3A_374 [1] : vector<2048x64xf32> to vector<2048xf32>
    %broadcast_in_dim3A_376 = vector.shape_cast %reduce_max3A_375 : vector<2048xf32> to vector<2048x1xf32>
    %eq3A_377 = vector.broadcast %broadcast_in_dim3A_376 : vector<2048x1xf32> to vector<2048x64xf32>
    %eq3A_378 = arith.cmpf oeq, %select_n3A_373, %eq3A_377 : vector<2048x64xf32>
    %jit3A_379 = arith.constant 64 : i32
    %broadcast_in_dim3A_380 = vector.broadcast %jit3A_379 : i32 to vector<2048x64xi32>
    %select_n3A_381 = arith.select %eq3A_378, %iota3A, %broadcast_in_dim3A_380 : vector<2048x64xi1>, vector<2048x64xi32>
    %reduce_min3A_382 = arith.constant dense<2147483647> : vector<2048xi32>
    %reduce_min3A_383 = vector.multi_reduction <minsi>, %select_n3A_381, %reduce_min3A_382 [1] : vector<2048x64xi32> to vector<2048xi32>
    %broadcast_in_dim3A_384 = vector.shape_cast %reduce_min3A_383 : vector<2048xi32> to vector<2048x1xi32>
    %eq3A_385 = vector.broadcast %broadcast_in_dim3A_384 : vector<2048x1xi32> to vector<2048x64xi32>
    %eq3A_386 = arith.cmpi eq, %iota3A, %eq3A_385 : vector<2048x64xi32>
    %add3A_387 = arith.addf %add3A_370, %broadcast_in_dim3A_376 : vector<2048x1xf32>
    %jit3A_388 = arith.constant -1.000000e+00 : f32
    %broadcast_in_dim3A_389 = vector.broadcast %jit3A_388 : f32 to vector<2048x64xf32>
    %select_n3A_390 = arith.select %eq3A_386, %broadcast_in_dim3A_389, %select_n3A_373 : vector<2048x64xi1>, vector<2048x64xf32>
    %reduce_max3A_391 = arith.constant dense<0xFF800000> : vector<2048xf32>
    %reduce_max3A_392 = vector.multi_reduction <maximumf>, %select_n3A_390, %reduce_max3A_391 [1] : vector<2048x64xf32> to vector<2048xf32>
    %broadcast_in_dim3A_393 = vector.shape_cast %reduce_max3A_392 : vector<2048xf32> to vector<2048x1xf32>
    %eq3A_394 = vector.broadcast %broadcast_in_dim3A_393 : vector<2048x1xf32> to vector<2048x64xf32>
    %eq3A_395 = arith.cmpf oeq, %select_n3A_390, %eq3A_394 : vector<2048x64xf32>
    %jit3A_396 = arith.constant 64 : i32
    %broadcast_in_dim3A_397 = vector.broadcast %jit3A_396 : i32 to vector<2048x64xi32>
    %select_n3A_398 = arith.select %eq3A_395, %iota3A, %broadcast_in_dim3A_397 : vector<2048x64xi1>, vector<2048x64xi32>
    %reduce_min3A_399 = arith.constant dense<2147483647> : vector<2048xi32>
    %reduce_min3A_400 = vector.multi_reduction <minsi>, %select_n3A_398, %reduce_min3A_399 [1] : vector<2048x64xi32> to vector<2048xi32>
    %broadcast_in_dim3A_401 = vector.shape_cast %reduce_min3A_400 : vector<2048xi32> to vector<2048x1xi32>
    %eq3A_402 = vector.broadcast %broadcast_in_dim3A_401 : vector<2048x1xi32> to vector<2048x64xi32>
    %eq3A_403 = arith.cmpi eq, %iota3A, %eq3A_402 : vector<2048x64xi32>
    %add3A_404 = arith.addf %add3A_387, %broadcast_in_dim3A_393 : vector<2048x1xf32>
    %jit3A_405 = arith.constant -1.000000e+00 : f32
    %broadcast_in_dim3A_406 = vector.broadcast %jit3A_405 : f32 to vector<2048x64xf32>
    %select_n3A_407 = arith.select %eq3A_403, %broadcast_in_dim3A_406, %select_n3A_390 : vector<2048x64xi1>, vector<2048x64xf32>
    %reduce_max3A_408 = arith.constant dense<0xFF800000> : vector<2048xf32>
    %reduce_max3A_409 = vector.multi_reduction <maximumf>, %select_n3A_407, %reduce_max3A_408 [1] : vector<2048x64xf32> to vector<2048xf32>
    %broadcast_in_dim3A_410 = vector.shape_cast %reduce_max3A_409 : vector<2048xf32> to vector<2048x1xf32>
    %eq3A_411 = vector.broadcast %broadcast_in_dim3A_410 : vector<2048x1xf32> to vector<2048x64xf32>
    %eq3A_412 = arith.cmpf oeq, %select_n3A_407, %eq3A_411 : vector<2048x64xf32>
    %jit3A_413 = arith.constant 64 : i32
    %broadcast_in_dim3A_414 = vector.broadcast %jit3A_413 : i32 to vector<2048x64xi32>
    %select_n3A_415 = arith.select %eq3A_412, %iota3A, %broadcast_in_dim3A_414 : vector<2048x64xi1>, vector<2048x64xi32>
    %reduce_min3A_416 = arith.constant dense<2147483647> : vector<2048xi32>
    %reduce_min3A_417 = vector.multi_reduction <minsi>, %select_n3A_415, %reduce_min3A_416 [1] : vector<2048x64xi32> to vector<2048xi32>
    %broadcast_in_dim3A_418 = vector.shape_cast %reduce_min3A_417 : vector<2048xi32> to vector<2048x1xi32>
    %eq3A_419 = vector.broadcast %broadcast_in_dim3A_418 : vector<2048x1xi32> to vector<2048x64xi32>
    %eq3A_420 = arith.cmpi eq, %iota3A, %eq3A_419 : vector<2048x64xi32>
    %add3A_421 = arith.addf %add3A_404, %broadcast_in_dim3A_410 : vector<2048x1xf32>
    %jit3A_422 = arith.constant -1.000000e+00 : f32
    %broadcast_in_dim3A_423 = vector.broadcast %jit3A_422 : f32 to vector<2048x64xf32>
    %select_n3A_424 = arith.select %eq3A_420, %broadcast_in_dim3A_423, %select_n3A_407 : vector<2048x64xi1>, vector<2048x64xf32>
    %reduce_max3A_425 = arith.constant dense<0xFF800000> : vector<2048xf32>
    %reduce_max3A_426 = vector.multi_reduction <maximumf>, %select_n3A_424, %reduce_max3A_425 [1] : vector<2048x64xf32> to vector<2048xf32>
    %broadcast_in_dim3A_427 = vector.shape_cast %reduce_max3A_426 : vector<2048xf32> to vector<2048x1xf32>
    %eq3A_428 = vector.broadcast %broadcast_in_dim3A_427 : vector<2048x1xf32> to vector<2048x64xf32>
    %eq3A_429 = arith.cmpf oeq, %select_n3A_424, %eq3A_428 : vector<2048x64xf32>
    %jit3A_430 = arith.constant 64 : i32
    %broadcast_in_dim3A_431 = vector.broadcast %jit3A_430 : i32 to vector<2048x64xi32>
    %select_n3A_432 = arith.select %eq3A_429, %iota3A, %broadcast_in_dim3A_431 : vector<2048x64xi1>, vector<2048x64xi32>
    %reduce_min3A_433 = arith.constant dense<2147483647> : vector<2048xi32>
    %reduce_min3A_434 = vector.multi_reduction <minsi>, %select_n3A_432, %reduce_min3A_433 [1] : vector<2048x64xi32> to vector<2048xi32>
    %broadcast_in_dim3A_435 = vector.shape_cast %reduce_min3A_434 : vector<2048xi32> to vector<2048x1xi32>
    %eq3A_436 = vector.broadcast %broadcast_in_dim3A_435 : vector<2048x1xi32> to vector<2048x64xi32>
    %eq3A_437 = arith.cmpi eq, %iota3A, %eq3A_436 : vector<2048x64xi32>
    %add3A_438 = arith.addf %add3A_421, %broadcast_in_dim3A_427 : vector<2048x1xf32>
    %jit3A_439 = arith.constant -1.000000e+00 : f32
    %broadcast_in_dim3A_440 = vector.broadcast %jit3A_439 : f32 to vector<2048x64xf32>
    %select_n3A_441 = arith.select %eq3A_437, %broadcast_in_dim3A_440, %select_n3A_424 : vector<2048x64xi1>, vector<2048x64xf32>
    %reduce_max3A_442 = arith.constant dense<0xFF800000> : vector<2048xf32>
    %reduce_max3A_443 = vector.multi_reduction <maximumf>, %select_n3A_441, %reduce_max3A_442 [1] : vector<2048x64xf32> to vector<2048xf32>
    %broadcast_in_dim3A_444 = vector.shape_cast %reduce_max3A_443 : vector<2048xf32> to vector<2048x1xf32>
    %eq3A_445 = vector.broadcast %broadcast_in_dim3A_444 : vector<2048x1xf32> to vector<2048x64xf32>
    %eq3A_446 = arith.cmpf oeq, %select_n3A_441, %eq3A_445 : vector<2048x64xf32>
    %jit3A_447 = arith.constant 64 : i32
    %broadcast_in_dim3A_448 = vector.broadcast %jit3A_447 : i32 to vector<2048x64xi32>
    %select_n3A_449 = arith.select %eq3A_446, %iota3A, %broadcast_in_dim3A_448 : vector<2048x64xi1>, vector<2048x64xi32>
    %reduce_min3A_450 = arith.constant dense<2147483647> : vector<2048xi32>
    %reduce_min3A_451 = vector.multi_reduction <minsi>, %select_n3A_449, %reduce_min3A_450 [1] : vector<2048x64xi32> to vector<2048xi32>
    %broadcast_in_dim3A_452 = vector.shape_cast %reduce_min3A_451 : vector<2048xi32> to vector<2048x1xi32>
    %eq3A_453 = vector.broadcast %broadcast_in_dim3A_452 : vector<2048x1xi32> to vector<2048x64xi32>
    %eq3A_454 = arith.cmpi eq, %iota3A, %eq3A_453 : vector<2048x64xi32>
    %add3A_455 = arith.addf %add3A_438, %broadcast_in_dim3A_444 : vector<2048x1xf32>
    %or3A = arith.ori %eq3A_335, %eq3A_352 : vector<2048x64xi1>
    %or3A_456 = arith.ori %or3A, %eq3A_369 : vector<2048x64xi1>
    %or3A_457 = arith.ori %or3A_456, %eq3A_386 : vector<2048x64xi1>
    %or3A_458 = arith.ori %or3A_457, %eq3A_403 : vector<2048x64xi1>
    %or3A_459 = arith.ori %or3A_458, %eq3A_420 : vector<2048x64xi1>
    %or3A_460 = arith.ori %or3A_459, %eq3A_437 : vector<2048x64xi1>
    %or3A_461 = arith.ori %or3A_460, %eq3A_454 : vector<2048x64xi1>
    %convert_element_type3A = arith.extui %or3A_461 : vector<2048x64xi1> to vector<2048x64xi32>
    %broadcast_in_dim3A_462 = arith.constant 0 : i32
    %broadcast_in_dim3A_463 = vector.broadcast %broadcast_in_dim3A_462 : i32 to vector<1x64xi32>
    %slice3A = vector.extract_strided_slice %convert_element_type3A {offsets = [0, 0], sizes = [2047, 64], strides = [1, 1]} : vector<2048x64xi32> to vector<2047x64xi32>
    %concatenate3A = tpu.concatenate %broadcast_in_dim3A_463, %slice3A in 0 : vector<1x64xi32>, vector<2047x64xi32> -> vector<2048x64xi32>
    %add3A_464 = arith.addi %convert_element_type3A, %concatenate3A : vector<2048x64xi32>
    %broadcast_in_dim3A_465 = arith.constant 0 : i32
    %broadcast_in_dim3A_466 = vector.broadcast %broadcast_in_dim3A_465 : i32 to vector<2x64xi32>
    %slice3A_467 = vector.extract_strided_slice %add3A_464 {offsets = [0, 0], sizes = [2046, 64], strides = [1, 1]} : vector<2048x64xi32> to vector<2046x64xi32>
    %concatenate3A_468 = tpu.concatenate %broadcast_in_dim3A_466, %slice3A_467 in 0 : vector<2x64xi32>, vector<2046x64xi32> -> vector<2048x64xi32>
    %add3A_469 = arith.addi %add3A_464, %concatenate3A_468 : vector<2048x64xi32>
    %broadcast_in_dim3A_470 = arith.constant 0 : i32
    %broadcast_in_dim3A_471 = vector.broadcast %broadcast_in_dim3A_470 : i32 to vector<4x64xi32>
    %slice3A_472 = vector.extract_strided_slice %add3A_469 {offsets = [0, 0], sizes = [2044, 64], strides = [1, 1]} : vector<2048x64xi32> to vector<2044x64xi32>
    %concatenate3A_473 = tpu.concatenate %broadcast_in_dim3A_471, %slice3A_472 in 0 : vector<4x64xi32>, vector<2044x64xi32> -> vector<2048x64xi32>
    %add3A_474 = arith.addi %add3A_469, %concatenate3A_473 : vector<2048x64xi32>
    %broadcast_in_dim3A_475 = arith.constant 0 : i32
    %broadcast_in_dim3A_476 = vector.broadcast %broadcast_in_dim3A_475 : i32 to vector<8x64xi32>
    %slice3A_477 = vector.extract_strided_slice %add3A_474 {offsets = [0, 0], sizes = [2040, 64], strides = [1, 1]} : vector<2048x64xi32> to vector<2040x64xi32>
    %concatenate3A_478 = tpu.concatenate %broadcast_in_dim3A_476, %slice3A_477 in 0 : vector<8x64xi32>, vector<2040x64xi32> -> vector<2048x64xi32>
    %add3A_479 = arith.addi %add3A_474, %concatenate3A_478 : vector<2048x64xi32>
    %broadcast_in_dim3A_480 = arith.constant 0 : i32
    %broadcast_in_dim3A_481 = vector.broadcast %broadcast_in_dim3A_480 : i32 to vector<16x64xi32>
    %slice3A_482 = vector.extract_strided_slice %add3A_479 {offsets = [0, 0], sizes = [2032, 64], strides = [1, 1]} : vector<2048x64xi32> to vector<2032x64xi32>
    %concatenate3A_483 = tpu.concatenate %broadcast_in_dim3A_481, %slice3A_482 in 0 : vector<16x64xi32>, vector<2032x64xi32> -> vector<2048x64xi32>
    %add3A_484 = arith.addi %add3A_479, %concatenate3A_483 : vector<2048x64xi32>
    %broadcast_in_dim3A_485 = arith.constant 0 : i32
    %broadcast_in_dim3A_486 = vector.broadcast %broadcast_in_dim3A_485 : i32 to vector<32x64xi32>
    %slice3A_487 = vector.extract_strided_slice %add3A_484 {offsets = [0, 0], sizes = [2016, 64], strides = [1, 1]} : vector<2048x64xi32> to vector<2016x64xi32>
    %concatenate3A_488 = tpu.concatenate %broadcast_in_dim3A_486, %slice3A_487 in 0 : vector<32x64xi32>, vector<2016x64xi32> -> vector<2048x64xi32>
    %add3A_489 = arith.addi %add3A_484, %concatenate3A_488 : vector<2048x64xi32>
    %broadcast_in_dim3A_490 = arith.constant 0 : i32
    %broadcast_in_dim3A_491 = vector.broadcast %broadcast_in_dim3A_490 : i32 to vector<64x64xi32>
    %slice3A_492 = vector.extract_strided_slice %add3A_489 {offsets = [0, 0], sizes = [1984, 64], strides = [1, 1]} : vector<2048x64xi32> to vector<1984x64xi32>
    %concatenate3A_493 = tpu.concatenate %broadcast_in_dim3A_491, %slice3A_492 in 0 : vector<64x64xi32>, vector<1984x64xi32> -> vector<2048x64xi32>
    %add3A_494 = arith.addi %add3A_489, %concatenate3A_493 : vector<2048x64xi32>
    %broadcast_in_dim3A_495 = arith.constant 0 : i32
    %broadcast_in_dim3A_496 = vector.broadcast %broadcast_in_dim3A_495 : i32 to vector<128x64xi32>
    %slice3A_497 = vector.extract_strided_slice %add3A_494 {offsets = [0, 0], sizes = [1920, 64], strides = [1, 1]} : vector<2048x64xi32> to vector<1920x64xi32>
    %concatenate3A_498 = tpu.concatenate %broadcast_in_dim3A_496, %slice3A_497 in 0 : vector<128x64xi32>, vector<1920x64xi32> -> vector<2048x64xi32>
    %add3A_499 = arith.addi %add3A_494, %concatenate3A_498 : vector<2048x64xi32>
    %broadcast_in_dim3A_500 = arith.constant 0 : i32
    %broadcast_in_dim3A_501 = vector.broadcast %broadcast_in_dim3A_500 : i32 to vector<256x64xi32>
    %slice3A_502 = vector.extract_strided_slice %add3A_499 {offsets = [0, 0], sizes = [1792, 64], strides = [1, 1]} : vector<2048x64xi32> to vector<1792x64xi32>
    %concatenate3A_503 = tpu.concatenate %broadcast_in_dim3A_501, %slice3A_502 in 0 : vector<256x64xi32>, vector<1792x64xi32> -> vector<2048x64xi32>
    %add3A_504 = arith.addi %add3A_499, %concatenate3A_503 : vector<2048x64xi32>
    %broadcast_in_dim3A_505 = arith.constant 0 : i32
    %broadcast_in_dim3A_506 = vector.broadcast %broadcast_in_dim3A_505 : i32 to vector<512x64xi32>
    %slice3A_507 = vector.extract_strided_slice %add3A_504 {offsets = [0, 0], sizes = [1536, 64], strides = [1, 1]} : vector<2048x64xi32> to vector<1536x64xi32>
    %concatenate3A_508 = tpu.concatenate %broadcast_in_dim3A_506, %slice3A_507 in 0 : vector<512x64xi32>, vector<1536x64xi32> -> vector<2048x64xi32>
    %add3A_509 = arith.addi %add3A_504, %concatenate3A_508 : vector<2048x64xi32>
    %broadcast_in_dim3A_510 = arith.constant 0 : i32
    %broadcast_in_dim3A_511 = vector.broadcast %broadcast_in_dim3A_510 : i32 to vector<1024x64xi32>
    %slice3A_512 = vector.extract_strided_slice %add3A_509 {offsets = [0, 0], sizes = [1024, 64], strides = [1, 1]} : vector<2048x64xi32> to vector<1024x64xi32>
    %concatenate3A_513 = tpu.concatenate %broadcast_in_dim3A_511, %slice3A_512 in 0 : vector<1024x64xi32>, vector<1024x64xi32> -> vector<2048x64xi32>
    %add3A_514 = arith.addi %add3A_509, %concatenate3A_513 : vector<2048x64xi32>
    %sub3A_515 = arith.subi %add3A_514, %convert_element_type3A : vector<2048x64xi32>
    %reduce_sum3A_516 = arith.constant dense<0> : vector<64xi32>
    %reduce_sum3A_517 = vector.multi_reduction <add>, %convert_element_type3A, %reduce_sum3A_516 [0] : vector<2048x64xi32> to vector<64xi32>
    %broadcast_in_dim3A_518 = vector.shape_cast %reduce_sum3A_517 : vector<64xi32> to vector<1x64xi32>
    %swap3A = arith.constant 0 : index
    %swap3A_519 = arith.constant 0 : index
    %swap3A_520 = vector.load %arg4[%swap3A, %swap3A_519] : memref<1x64xi32, #tpu.memory_space<vmem>>, vector<1x64xi32>
    tpu.vector_store %arg4[%swap3A, %swap3A_519], %broadcast_in_dim3A_518 {strides = array<i32>} : memref<1x64xi32, #tpu.memory_space<vmem>>, vector<1x64xi32>,
    %broadcast_in_dim3A_521 = arith.constant 0 : i32
    %broadcast_in_dim3A_522 = vector.broadcast %broadcast_in_dim3A_521 : i32 to vector<1x1xi32>
    %slice3A_523 = vector.extract_strided_slice %broadcast_in_dim3A_518 {offsets = [0, 0], sizes = [1, 63], strides = [1, 1]} : vector<1x64xi32> to vector<1x63xi32>
    %concatenate3A_524 = tpu.concatenate %broadcast_in_dim3A_522, %slice3A_523 in 1 : vector<1x1xi32>, vector<1x63xi32> -> vector<1x64xi32>
    %add3A_525 = arith.addi %broadcast_in_dim3A_518, %concatenate3A_524 : vector<1x64xi32>
    %broadcast_in_dim3A_526 = arith.constant 0 : i32
    %broadcast_in_dim3A_527 = vector.broadcast %broadcast_in_dim3A_526 : i32 to vector<1x2xi32>
    %slice3A_528 = vector.extract_strided_slice %add3A_525 {offsets = [0, 0], sizes = [1, 62], strides = [1, 1]} : vector<1x64xi32> to vector<1x62xi32>
    %concatenate3A_529 = tpu.concatenate %broadcast_in_dim3A_527, %slice3A_528 in 1 : vector<1x2xi32>, vector<1x62xi32> -> vector<1x64xi32>
    %add3A_530 = arith.addi %add3A_525, %concatenate3A_529 : vector<1x64xi32>
    %broadcast_in_dim3A_531 = arith.constant 0 : i32
    %broadcast_in_dim3A_532 = vector.broadcast %broadcast_in_dim3A_531 : i32 to vector<1x4xi32>
    %slice3A_533 = vector.extract_strided_slice %add3A_530 {offsets = [0, 0], sizes = [1, 60], strides = [1, 1]} : vector<1x64xi32> to vector<1x60xi32>
    %concatenate3A_534 = tpu.concatenate %broadcast_in_dim3A_532, %slice3A_533 in 1 : vector<1x4xi32>, vector<1x60xi32> -> vector<1x64xi32>
    %add3A_535 = arith.addi %add3A_530, %concatenate3A_534 : vector<1x64xi32>
    %broadcast_in_dim3A_536 = arith.constant 0 : i32
    %broadcast_in_dim3A_537 = vector.broadcast %broadcast_in_dim3A_536 : i32 to vector<1x8xi32>
    %slice3A_538 = vector.extract_strided_slice %add3A_535 {offsets = [0, 0], sizes = [1, 56], strides = [1, 1]} : vector<1x64xi32> to vector<1x56xi32>
    %concatenate3A_539 = tpu.concatenate %broadcast_in_dim3A_537, %slice3A_538 in 1 : vector<1x8xi32>, vector<1x56xi32> -> vector<1x64xi32>
    %add3A_540 = arith.addi %add3A_535, %concatenate3A_539 : vector<1x64xi32>
    %broadcast_in_dim3A_541 = arith.constant 0 : i32
    %broadcast_in_dim3A_542 = vector.broadcast %broadcast_in_dim3A_541 : i32 to vector<1x16xi32>
    %slice3A_543 = vector.extract_strided_slice %add3A_540 {offsets = [0, 0], sizes = [1, 48], strides = [1, 1]} : vector<1x64xi32> to vector<1x48xi32>
    %concatenate3A_544 = tpu.concatenate %broadcast_in_dim3A_542, %slice3A_543 in 1 : vector<1x16xi32>, vector<1x48xi32> -> vector<1x64xi32>
    %add3A_545 = arith.addi %add3A_540, %concatenate3A_544 : vector<1x64xi32>
    %broadcast_in_dim3A_546 = arith.constant 0 : i32
    %broadcast_in_dim3A_547 = vector.broadcast %broadcast_in_dim3A_546 : i32 to vector<1x32xi32>
    %slice3A_548 = vector.extract_strided_slice %add3A_545 {offsets = [0, 0], sizes = [1, 32], strides = [1, 1]} : vector<1x64xi32> to vector<1x32xi32>
    %concatenate3A_549 = tpu.concatenate %broadcast_in_dim3A_547, %slice3A_548 in 1 : vector<1x32xi32>, vector<1x32xi32> -> vector<1x64xi32>
    %add3A_550 = arith.addi %add3A_545, %concatenate3A_549 : vector<1x64xi32>
    %sub3A_551 = arith.subi %add3A_550, %broadcast_in_dim3A_518 : vector<1x64xi32>
    %add3A_552 = vector.broadcast %sub3A_551 : vector<1x64xi32> to vector<2048x64xi32>
    %add3A_553 = arith.addi %add3A_552, %sub3A_515 : vector<2048x64xi32>
    %add3A_554 = arith.constant 9.99999968E-21 : f32
    %add3A_555 = vector.broadcast %add3A_554 : f32 to vector<2048x1xf32>
    %add3A_556 = arith.addf %add3A_455, %add3A_555 : vector<2048x1xf32>
    %div3A_557 = arith.constant 1.000000e+00 : f32
    %div3A_558 = vector.broadcast %div3A_557 : f32 to vector<2048x1xf32>
    %div3A_559 = arith.divf %div3A_558, %add3A_556 : vector<2048x1xf32>
    %jit3A_560 = arith.constant 0 : i32
    %broadcast_in_dim3A_561 = vector.broadcast %jit3A_560 : i32 to vector<2048x64xi32>
    %select_n3A_562 = arith.select %eq3A_335, %add3A_553, %broadcast_in_dim3A_561 : vector<2048x64xi1>, vector<2048x64xi32>
    %reduce_sum3A_563 = arith.constant dense<0> : vector<2048xi32>
    %reduce_sum3A_564 = vector.multi_reduction <add>, %select_n3A_562, %reduce_sum3A_563 [1] : vector<2048x64xi32> to vector<2048xi32>
    %broadcast_in_dim3A_565 = vector.shape_cast %reduce_sum3A_564 : vector<2048xi32> to vector<2048x1xi32>
    %mul3A = arith.mulf %broadcast_in_dim3A_326, %div3A_559 : vector<2048x1xf32>
    %jit3A_566 = arith.constant 0 : i32
    %broadcast_in_dim3A_567 = vector.broadcast %jit3A_566 : i32 to vector<2048x64xi32>
    %select_n3A_568 = arith.select %eq3A_352, %add3A_553, %broadcast_in_dim3A_567 : vector<2048x64xi1>, vector<2048x64xi32>
    %reduce_sum3A_569 = arith.constant dense<0> : vector<2048xi32>
    %reduce_sum3A_570 = vector.multi_reduction <add>, %select_n3A_568, %reduce_sum3A_569 [1] : vector<2048x64xi32> to vector<2048xi32>
    %broadcast_in_dim3A_571 = vector.shape_cast %reduce_sum3A_570 : vector<2048xi32> to vector<2048x1xi32>
    %mul3A_572 = arith.mulf %broadcast_in_dim3A_342, %div3A_559 : vector<2048x1xf32>
    %jit3A_573 = arith.constant 0 : i32
    %broadcast_in_dim3A_574 = vector.broadcast %jit3A_573 : i32 to vector<2048x64xi32>
    %select_n3A_575 = arith.select %eq3A_369, %add3A_553, %broadcast_in_dim3A_574 : vector<2048x64xi1>, vector<2048x64xi32>
    %reduce_sum3A_576 = arith.constant dense<0> : vector<2048xi32>
    %reduce_sum3A_577 = vector.multi_reduction <add>, %select_n3A_575, %reduce_sum3A_576 [1] : vector<2048x64xi32> to vector<2048xi32>
    %broadcast_in_dim3A_578 = vector.shape_cast %reduce_sum3A_577 : vector<2048xi32> to vector<2048x1xi32>
    %mul3A_579 = arith.mulf %broadcast_in_dim3A_359, %div3A_559 : vector<2048x1xf32>
    %jit3A_580 = arith.constant 0 : i32
    %broadcast_in_dim3A_581 = vector.broadcast %jit3A_580 : i32 to vector<2048x64xi32>
    %select_n3A_582 = arith.select %eq3A_386, %add3A_553, %broadcast_in_dim3A_581 : vector<2048x64xi1>, vector<2048x64xi32>
    %reduce_sum3A_583 = arith.constant dense<0> : vector<2048xi32>
    %reduce_sum3A_584 = vector.multi_reduction <add>, %select_n3A_582, %reduce_sum3A_583 [1] : vector<2048x64xi32> to vector<2048xi32>
    %broadcast_in_dim3A_585 = vector.shape_cast %reduce_sum3A_584 : vector<2048xi32> to vector<2048x1xi32>
    %mul3A_586 = arith.mulf %broadcast_in_dim3A_376, %div3A_559 : vector<2048x1xf32>
    %jit3A_587 = arith.constant 0 : i32
    %broadcast_in_dim3A_588 = vector.broadcast %jit3A_587 : i32 to vector<2048x64xi32>
    %select_n3A_589 = arith.select %eq3A_403, %add3A_553, %broadcast_in_dim3A_588 : vector<2048x64xi1>, vector<2048x64xi32>
    %reduce_sum3A_590 = arith.constant dense<0> : vector<2048xi32>
    %reduce_sum3A_591 = vector.multi_reduction <add>, %select_n3A_589, %reduce_sum3A_590 [1] : vector<2048x64xi32> to vector<2048xi32>
    %broadcast_in_dim3A_592 = vector.shape_cast %reduce_sum3A_591 : vector<2048xi32> to vector<2048x1xi32>
    %mul3A_593 = arith.mulf %broadcast_in_dim3A_393, %div3A_559 : vector<2048x1xf32>
    %jit3A_594 = arith.constant 0 : i32
    %broadcast_in_dim3A_595 = vector.broadcast %jit3A_594 : i32 to vector<2048x64xi32>
    %select_n3A_596 = arith.select %eq3A_420, %add3A_553, %broadcast_in_dim3A_595 : vector<2048x64xi1>, vector<2048x64xi32>
    %reduce_sum3A_597 = arith.constant dense<0> : vector<2048xi32>
    %reduce_sum3A_598 = vector.multi_reduction <add>, %select_n3A_596, %reduce_sum3A_597 [1] : vector<2048x64xi32> to vector<2048xi32>
    %broadcast_in_dim3A_599 = vector.shape_cast %reduce_sum3A_598 : vector<2048xi32> to vector<2048x1xi32>
    %mul3A_600 = arith.mulf %broadcast_in_dim3A_410, %div3A_559 : vector<2048x1xf32>
    %jit3A_601 = arith.constant 0 : i32
    %broadcast_in_dim3A_602 = vector.broadcast %jit3A_601 : i32 to vector<2048x64xi32>
    %select_n3A_603 = arith.select %eq3A_437, %add3A_553, %broadcast_in_dim3A_602 : vector<2048x64xi1>, vector<2048x64xi32>
    %reduce_sum3A_604 = arith.constant dense<0> : vector<2048xi32>
    %reduce_sum3A_605 = vector.multi_reduction <add>, %select_n3A_603, %reduce_sum3A_604 [1] : vector<2048x64xi32> to vector<2048xi32>
    %broadcast_in_dim3A_606 = vector.shape_cast %reduce_sum3A_605 : vector<2048xi32> to vector<2048x1xi32>
    %mul3A_607 = arith.mulf %broadcast_in_dim3A_427, %div3A_559 : vector<2048x1xf32>
    %jit3A_608 = arith.constant 0 : i32
    %broadcast_in_dim3A_609 = vector.broadcast %jit3A_608 : i32 to vector<2048x64xi32>
    %select_n3A_610 = arith.select %eq3A_454, %add3A_553, %broadcast_in_dim3A_609 : vector<2048x64xi1>, vector<2048x64xi32>
    %reduce_sum3A_611 = arith.constant dense<0> : vector<2048xi32>
    %reduce_sum3A_612 = vector.multi_reduction <add>, %select_n3A_610, %reduce_sum3A_611 [1] : vector<2048x64xi32> to vector<2048xi32>
    %broadcast_in_dim3A_613 = vector.shape_cast %reduce_sum3A_612 : vector<2048xi32> to vector<2048x1xi32>
    %mul3A_614 = arith.mulf %broadcast_in_dim3A_444, %div3A_559 : vector<2048x1xf32>
    %concatenate3A_615 = tpu.concatenate %broadcast_in_dim3A_565, %broadcast_in_dim3A_571, %broadcast_in_dim3A_578, %broadcast_in_dim3A_585, %broadcast_in_dim3A_592, %broadcast_in_dim3A_599, %broadcast_in_dim3A_606, %broadcast_in_dim3A_613 in 1 : vector<2048x1xi32>, vector<2048x1xi32>, vector<2048x1xi32>, vector<2048x1xi32>, vector<2048x1xi32>, vector<2048x1xi32>, vector<2048x1xi32>, vector<2048x1xi32> -> vector<2048x8xi32>
    %swap3A_616 = arith.constant 0 : index
    %swap3A_617 = arith.constant 0 : index
    %swap3A_618 = vector.load %arg2[%swap3A_616, %swap3A_617] : memref<2048x8xi32, #tpu.memory_space<vmem>>, vector<2048x8xi32>
    tpu.vector_store %arg2[%swap3A_616, %swap3A_617], %concatenate3A_615 {strides = array<i32>} : memref<2048x8xi32, #tpu.memory_space<vmem>>, vector<2048x8xi32>,
    %concatenate3A_619 = tpu.concatenate %mul3A, %mul3A_572, %mul3A_579, %mul3A_586, %mul3A_593, %mul3A_600, %mul3A_607, %mul3A_614 in 1 : vector<2048x1xf32>, vector<2048x1xf32>, vector<2048x1xf32>, vector<2048x1xf32>, vector<2048x1xf32>, vector<2048x1xf32>, vector<2048x1xf32>, vector<2048x1xf32> -> vector<2048x8xf32>
    %swap3A_620 = arith.constant 0 : index
    %swap3A_621 = arith.constant 0 : index
    %swap3A_622 = vector.load %arg3[%swap3A_620, %swap3A_621] : memref<2048x8xf32, #tpu.memory_space<vmem>>, vector<2048x8xf32>
    tpu.vector_store %arg3[%swap3A_620, %swap3A_621], %concatenate3A_619 {strides = array<i32>} : memref<2048x8xf32, #tpu.memory_space<vmem>>, vector<2048x8xf32>,
    return
  }
}

module attributes {stable_mosaic.version = 14 : i64} {
  func.func @_gmm_kernel(%arg0: i32, %arg1: memref<95xi32, #tpu.memory_space<smem>>, %arg2: memref<95xi32, #tpu.memory_space<smem>>, %arg3: memref<95xi32, #tpu.memory_space<smem>>, %arg4: memref<95xi32, #tpu.memory_space<smem>>, %arg5: memref<95xi32, #tpu.memory_space<smem>>, %arg6: memref<512x1024xf32, #tpu.memory_space<vmem>>, %arg7: memref<1x512x1024xf32, #tpu.memory_space<vmem>>, %arg8: memref<1x512x1024xf32, #tpu.memory_space<vmem>>, %arg9: memref<1x1024x512xf32, #tpu.memory_space<vmem>>, %arg10: memref<512x1024xf32, #tpu.memory_space<vmem>>) attributes {dimension_semantics = [#tpu.dimension_semantics<arbitrary>], iteration_bounds = array<i64: 95>, scalar_prefetch = 5 : i64, scratch_operands = 0 : i64, tpu.core_type = #tpu.core_type<tc>, window_params = [{transform_indices = @transform_0, window_bounds = array<i64: 512, 1024>}, {transform_indices = @transform_1, window_bounds = array<i64: 1, 512, 1024>}, {transform_indices = @transform_2, window_bounds = array<i64: 1, 512, 1024>}, {transform_indices = @transform_3, window_bounds = array<i64: 1, 1024, 512>}, {transform_indices = @transform_4, window_bounds = array<i64: 512, 1024>}]} {
    %get3A = arith.index_cast %arg0 : i32 to index
    %get3A_0 = memref.load %arg3[%get3A] : memref<95xi32, #tpu.memory_space<smem>>
    %get3A_1 = arith.index_cast %arg0 : i32 to index
    %get3A_2 = memref.load %arg4[%get3A_1] : memref<95xi32, #tpu.memory_space<smem>>
    %get3A_3 = arith.index_cast %arg0 : i32 to index
    %get3A_4 = memref.load %arg1[%get3A_3] : memref<95xi32, #tpu.memory_space<smem>>
    %mul3A = arith.constant 512 : i32
    %mul3A_5 = arith.muli %get3A_4, %mul3A : i32
    %iota3A = tpu.iota {dimensions = array<i32: 0>} : vector<512x1xi32>
    %add3A = vector.broadcast %mul3A_5 : i32 to vector<512x1xi32>
    %add3A_6 = arith.addi %add3A, %iota3A : vector<512x1xi32>
    %ge3A = vector.broadcast %get3A_0 : i32 to vector<512x1xi32>
    %ge3A_7 = arith.cmpi sge, %add3A_6, %ge3A : vector<512x1xi32>
    %lt3A = vector.broadcast %get3A_2 : i32 to vector<512x1xi32>
    %lt3A_8 = arith.cmpi slt, %add3A_6, %lt3A : vector<512x1xi32>
    %and3A = arith.andi %ge3A_7, %lt3A_8 : vector<512x1xi1>
    %get3A_9 = arith.constant 0 : index
    %get3A_10 = arith.constant 0 : index
    %get3A_11 = vector.load %arg6[%get3A_9, %get3A_10] : memref<512x1024xf32, #tpu.memory_space<vmem>>, vector<512x1024xf32>
    %convert_element_type3A = arith.truncf %get3A_11 : vector<512x1024xf32> to vector<512x1024xbf16>
    %get3A_12 = arith.constant 0 : index
    %get3A_13 = arith.constant 0 : index
    %get3A_14 = arith.constant 0 : index
    %get3A_15 = vector.load %arg7[%get3A_12, %get3A_13, %get3A_14] : memref<1x512x1024xf32, #tpu.memory_space<vmem>>, vector<1x512x1024xf32>
    %get3A_16 = vector.shape_cast %get3A_15 : vector<1x512x1024xf32> to vector<512x1024xf32>
    %convert_element_type3A_17 = arith.truncf %get3A_16 : vector<512x1024xf32> to vector<512x1024xbf16>
    %get3A_18 = arith.constant 0 : index
    %get3A_19 = arith.constant 0 : index
    %get3A_20 = arith.constant 0 : index
    %get3A_21 = vector.load %arg8[%get3A_18, %get3A_19, %get3A_20] : memref<1x512x1024xf32, #tpu.memory_space<vmem>>, vector<1x512x1024xf32>
    %get3A_22 = vector.shape_cast %get3A_21 : vector<1x512x1024xf32> to vector<512x1024xf32>
    %convert_element_type3A_23 = arith.truncf %get3A_22 : vector<512x1024xf32> to vector<512x1024xbf16>
    %get3A_24 = arith.constant 0 : index
    %get3A_25 = arith.constant 0 : index
    %get3A_26 = arith.constant 0 : index
    %get3A_27 = vector.load %arg9[%get3A_24, %get3A_25, %get3A_26] : memref<1x1024x512xf32, #tpu.memory_space<vmem>>, vector<1x1024x512xf32>
    %get3A_28 = vector.shape_cast %get3A_27 : vector<1x1024x512xf32> to vector<1024x512xf32>
    %convert_element_type3A_29 = arith.truncf %get3A_28 : vector<1024x512xf32> to vector<1024x512xbf16>
    %dot_general3A = arith.constant dense<0.000000e+00> : vector<512x512xf32>
    %dot_general3A_30 = tpu.matmul %convert_element_type3A, %convert_element_type3A_17, %dot_general3A {dimension_numbers = #tpu.dot_dimension_numbers<[1], [1], [0], [0], [0, 0, 1, 0], [], []>, transpose_lhs_hint = false} : vector<512x1024xbf16>, vector<512x1024xbf16>, vector<512x512xf32> -> vector<512x512xf32>
    %dot_general3A_31 = arith.constant dense<0.000000e+00> : vector<512x512xf32>
    %dot_general3A_32 = tpu.matmul %convert_element_type3A, %convert_element_type3A_23, %dot_general3A_31 {dimension_numbers = #tpu.dot_dimension_numbers<[1], [1], [0], [0], [0, 0, 1, 0], [], []>, transpose_lhs_hint = false} : vector<512x1024xbf16>, vector<512x1024xbf16>, vector<512x512xf32> -> vector<512x512xf32>
    %logistic3A = arith.negf %dot_general3A_30 : vector<512x512xf32>
    %logistic3A_33 = math.exp %logistic3A : vector<512x512xf32>
    %logistic3A_34 = arith.constant 1.000000e+00 : f32
    %logistic3A_35 = vector.broadcast %logistic3A_34 : f32 to vector<512x512xf32>
    %logistic3A_36 = arith.addf %logistic3A_35, %logistic3A_33 : vector<512x512xf32>
    %logistic3A_37 = arith.divf %logistic3A_35, %logistic3A_36 : vector<512x512xf32>
    %mul3A_38 = arith.mulf %dot_general3A_30, %logistic3A_37 : vector<512x512xf32>
    %mul3A_39 = arith.mulf %mul3A_38, %dot_general3A_32 : vector<512x512xf32>
    %convert_element_type3A_40 = arith.truncf %mul3A_39 : vector<512x512xf32> to vector<512x512xbf16>
    %dot_general3A_41 = arith.constant dense<0.000000e+00> : vector<512x1024xf32>
    %dot_general3A_42 = tpu.matmul %convert_element_type3A_40, %convert_element_type3A_29, %dot_general3A_41 {dimension_numbers = #tpu.dot_dimension_numbers<[1], [1], [0], [0], [0, 0, 1, 0], [], []>, transpose_lhs_hint = false} : vector<512x512xbf16>, vector<1024x512xbf16>, vector<512x1024xf32> -> vector<512x1024xf32>
    %jit3A = arith.constant 0.000000e+00 : f32
    %broadcast_in_dim3A = vector.shape_cast %and3A : vector<512x1xi1> to vector<512x1xi1>
    %broadcast_in_dim3A_43 = vector.broadcast %broadcast_in_dim3A : vector<512x1xi1> to vector<512x1024xi1>
    %broadcast_in_dim3A_44 = vector.broadcast %jit3A : f32 to vector<512x1024xf32>
    %select_n3A = arith.select %broadcast_in_dim3A_43, %dot_general3A_42, %broadcast_in_dim3A_44 : vector<512x1024xi1>, vector<512x1024xf32>
    %get3A_45 = arith.index_cast %arg0 : i32 to index
    %get3A_46 = memref.load %arg5[%get3A_45] : memref<95xi32, #tpu.memory_space<smem>>
    %eq3A = arith.constant 1 : i32
    %eq3A_47 = arith.cmpi eq, %get3A_46, %eq3A : i32
    %convert_element_type3A_48 = arith.extui %eq3A_47 : i1 to i32
    %cond3A = arith.constant 0 : i32
    %cond3A_49 = arith.cmpi ne, %convert_element_type3A_48, %cond3A : i32
    scf.if %cond3A_49 {
      %swap3A = arith.constant 0 : index
      %swap3A_57 = arith.constant 0 : index
      %swap3A_58 = vector.load %arg10[%swap3A, %swap3A_57] : memref<512x1024xf32, #tpu.memory_space<vmem>>, vector<512x1024xf32>
      tpu.vector_store %arg10[%swap3A, %swap3A_57], %select_n3A {strides = array<i32>} : memref<512x1024xf32, #tpu.memory_space<vmem>>, vector<512x1024xf32>,
    } else {
    }
    %get3A_50 = arith.index_cast %arg0 : i32 to index
    %get3A_51 = memref.load %arg5[%get3A_50] : memref<95xi32, #tpu.memory_space<smem>>
    %eq3A_52 = arith.constant 0 : i32
    %eq3A_53 = arith.cmpi eq, %get3A_51, %eq3A_52 : i32
    %convert_element_type3A_54 = arith.extui %eq3A_53 : i1 to i32
    %cond3A_55 = arith.constant 0 : i32
    %cond3A_56 = arith.cmpi ne, %convert_element_type3A_54, %cond3A_55 : i32
    scf.if %cond3A_56 {
      %get3A_57 = arith.constant 0 : index
      %get3A_58 = arith.constant 0 : index
      %get3A_59 = vector.load %arg10[%get3A_57, %get3A_58] : memref<512x1024xf32, #tpu.memory_space<vmem>>, vector<512x1024xf32>
      %add3A_60 = arith.addf %get3A_59, %select_n3A : vector<512x1024xf32>
      %swap3A = arith.constant 0 : index
      %swap3A_61 = arith.constant 0 : index
      %swap3A_62 = vector.load %arg10[%swap3A, %swap3A_61] : memref<512x1024xf32, #tpu.memory_space<vmem>>, vector<512x1024xf32>
      tpu.vector_store %arg10[%swap3A, %swap3A_61], %add3A_60 {strides = array<i32>} : memref<512x1024xf32, #tpu.memory_space<vmem>>, vector<512x1024xf32>,
    } else {
    }
    return
  }
  func.func @transform_0(%arg0: i32, %arg1: memref<95xi32, #tpu.memory_space<smem>>, %arg2: memref<95xi32, #tpu.memory_space<smem>>, %arg3: memref<95xi32, #tpu.memory_space<smem>>, %arg4: memref<95xi32, #tpu.memory_space<smem>>, %arg5: memref<95xi32, #tpu.memory_space<smem>>) -> (i32, i32) {
    %get3A = arith.index_cast %arg0 : i32 to index
    %get3A_0 = memref.load %arg1[%get3A] : memref<95xi32, #tpu.memory_space<smem>>
    %c0_i32 = arith.constant 0 : i32
    %c0_i32_1 = arith.constant 0 : i32
    return %get3A_0, %c0_i32 : i32, i32
  }
  func.func @transform_1(%arg0: i32, %arg1: memref<95xi32, #tpu.memory_space<smem>>, %arg2: memref<95xi32, #tpu.memory_space<smem>>, %arg3: memref<95xi32, #tpu.memory_space<smem>>, %arg4: memref<95xi32, #tpu.memory_space<smem>>, %arg5: memref<95xi32, #tpu.memory_space<smem>>) -> (i32, i32, i32) {
    %get3A = arith.index_cast %arg0 : i32 to index
    %get3A_0 = memref.load %arg2[%get3A] : memref<95xi32, #tpu.memory_space<smem>>
    %c0_i32 = arith.constant 0 : i32
    %c0_i32_1 = arith.constant 0 : i32
    %c0_i32_2 = arith.constant 0 : i32
    return %get3A_0, %c0_i32, %c0_i32_1 : i32, i32, i32
  }
  func.func @transform_2(%arg0: i32, %arg1: memref<95xi32, #tpu.memory_space<smem>>, %arg2: memref<95xi32, #tpu.memory_space<smem>>, %arg3: memref<95xi32, #tpu.memory_space<smem>>, %arg4: memref<95xi32, #tpu.memory_space<smem>>, %arg5: memref<95xi32, #tpu.memory_space<smem>>) -> (i32, i32, i32) {
    %get3A = arith.index_cast %arg0 : i32 to index
    %get3A_0 = memref.load %arg2[%get3A] : memref<95xi32, #tpu.memory_space<smem>>
    %c0_i32 = arith.constant 0 : i32
    %c0_i32_1 = arith.constant 0 : i32
    %c0_i32_2 = arith.constant 0 : i32
    return %get3A_0, %c0_i32, %c0_i32_1 : i32, i32, i32
  }
  func.func @transform_3(%arg0: i32, %arg1: memref<95xi32, #tpu.memory_space<smem>>, %arg2: memref<95xi32, #tpu.memory_space<smem>>, %arg3: memref<95xi32, #tpu.memory_space<smem>>, %arg4: memref<95xi32, #tpu.memory_space<smem>>, %arg5: memref<95xi32, #tpu.memory_space<smem>>) -> (i32, i32, i32) {
    %get3A = arith.index_cast %arg0 : i32 to index
    %get3A_0 = memref.load %arg2[%get3A] : memref<95xi32, #tpu.memory_space<smem>>
    %c0_i32 = arith.constant 0 : i32
    %c0_i32_1 = arith.constant 0 : i32
    %c0_i32_2 = arith.constant 0 : i32
    return %get3A_0, %c0_i32, %c0_i32_1 : i32, i32, i32
  }
  func.func @transform_4(%arg0: i32, %arg1: memref<95xi32, #tpu.memory_space<smem>>, %arg2: memref<95xi32, #tpu.memory_space<smem>>, %arg3: memref<95xi32, #tpu.memory_space<smem>>, %arg4: memref<95xi32, #tpu.memory_space<smem>>, %arg5: memref<95xi32, #tpu.memory_space<smem>>) -> (i32, i32) {
    %get3A = arith.index_cast %arg0 : i32 to index
    %get3A_0 = memref.load %arg1[%get3A] : memref<95xi32, #tpu.memory_space<smem>>
    %c0_i32 = arith.constant 0 : i32
    %c0_i32_1 = arith.constant 0 : i32
    return %get3A_0, %c0_i32 : i32, i32
  }
}

module attributes {stable_mosaic.version = 14 : i64} {
  func.func @_combine_kernel(%arg0: i32, %arg1: memref<256x8192xf32, #tpu.memory_space<vmem>>, %arg2: memref<256x8xf32, #tpu.memory_space<vmem>>, %arg3: memref<256x1024xf32, #tpu.memory_space<vmem>>) attributes {dimension_semantics = [#tpu.dimension_semantics<arbitrary>], iteration_bounds = array<i64: 8>, scalar_prefetch = 0 : i64, scratch_operands = 0 : i64, tpu.core_type = #tpu.core_type<tc>, window_params = [{transform_indices = @transform_0, window_bounds = array<i64: 256, 8192>}, {transform_indices = @transform_1, window_bounds = array<i64: 256, 8>}, {transform_indices = @transform_2, window_bounds = array<i64: 256, 1024>}]} {
    %broadcast_in_dim3A = arith.constant 0.000000e+00 : f32
    %broadcast_in_dim3A_0 = vector.broadcast %broadcast_in_dim3A : f32 to vector<256x1024xf32>
    %get3A = arith.constant 0 : index
    %get3A_1 = arith.constant 0 : index
    %get3A_2 = vector.load %arg2[%get3A, %get3A_1] : memref<256x8xf32, #tpu.memory_space<vmem>>, vector<256x1xf32>
    %get3A_3 = arith.constant 0 : index
    %get3A_4 = arith.constant 0 : index
    %get3A_5 = vector.load %arg1[%get3A_3, %get3A_4] : memref<256x8192xf32, #tpu.memory_space<vmem>>, vector<256x1024xf32>
    %mul3A = vector.broadcast %get3A_2 : vector<256x1xf32> to vector<256x1024xf32>
    %mul3A_6 = arith.mulf %mul3A, %get3A_5 : vector<256x1024xf32>
    %add3A = arith.addf %broadcast_in_dim3A_0, %mul3A_6 : vector<256x1024xf32>
    %get3A_7 = arith.constant 0 : index
    %get3A_8 = arith.constant 1 : index
    %get3A_9 = vector.load %arg2[%get3A_7, %get3A_8] : memref<256x8xf32, #tpu.memory_space<vmem>>, vector<256x1xf32>
    %get3A_10 = arith.constant 0 : index
    %get3A_11 = arith.constant 1024 : index
    %get3A_12 = vector.load %arg1[%get3A_10, %get3A_11] : memref<256x8192xf32, #tpu.memory_space<vmem>>, vector<256x1024xf32>
    %mul3A_13 = vector.broadcast %get3A_9 : vector<256x1xf32> to vector<256x1024xf32>
    %mul3A_14 = arith.mulf %mul3A_13, %get3A_12 : vector<256x1024xf32>
    %add3A_15 = arith.addf %add3A, %mul3A_14 : vector<256x1024xf32>
    %get3A_16 = arith.constant 0 : index
    %get3A_17 = arith.constant 2 : index
    %get3A_18 = vector.load %arg2[%get3A_16, %get3A_17] : memref<256x8xf32, #tpu.memory_space<vmem>>, vector<256x1xf32>
    %get3A_19 = arith.constant 0 : index
    %get3A_20 = arith.constant 2048 : index
    %get3A_21 = vector.load %arg1[%get3A_19, %get3A_20] : memref<256x8192xf32, #tpu.memory_space<vmem>>, vector<256x1024xf32>
    %mul3A_22 = vector.broadcast %get3A_18 : vector<256x1xf32> to vector<256x1024xf32>
    %mul3A_23 = arith.mulf %mul3A_22, %get3A_21 : vector<256x1024xf32>
    %add3A_24 = arith.addf %add3A_15, %mul3A_23 : vector<256x1024xf32>
    %get3A_25 = arith.constant 0 : index
    %get3A_26 = arith.constant 3 : index
    %get3A_27 = vector.load %arg2[%get3A_25, %get3A_26] : memref<256x8xf32, #tpu.memory_space<vmem>>, vector<256x1xf32>
    %get3A_28 = arith.constant 0 : index
    %get3A_29 = arith.constant 3072 : index
    %get3A_30 = vector.load %arg1[%get3A_28, %get3A_29] : memref<256x8192xf32, #tpu.memory_space<vmem>>, vector<256x1024xf32>
    %mul3A_31 = vector.broadcast %get3A_27 : vector<256x1xf32> to vector<256x1024xf32>
    %mul3A_32 = arith.mulf %mul3A_31, %get3A_30 : vector<256x1024xf32>
    %add3A_33 = arith.addf %add3A_24, %mul3A_32 : vector<256x1024xf32>
    %get3A_34 = arith.constant 0 : index
    %get3A_35 = arith.constant 4 : index
    %get3A_36 = vector.load %arg2[%get3A_34, %get3A_35] : memref<256x8xf32, #tpu.memory_space<vmem>>, vector<256x1xf32>
    %get3A_37 = arith.constant 0 : index
    %get3A_38 = arith.constant 4096 : index
    %get3A_39 = vector.load %arg1[%get3A_37, %get3A_38] : memref<256x8192xf32, #tpu.memory_space<vmem>>, vector<256x1024xf32>
    %mul3A_40 = vector.broadcast %get3A_36 : vector<256x1xf32> to vector<256x1024xf32>
    %mul3A_41 = arith.mulf %mul3A_40, %get3A_39 : vector<256x1024xf32>
    %add3A_42 = arith.addf %add3A_33, %mul3A_41 : vector<256x1024xf32>
    %get3A_43 = arith.constant 0 : index
    %get3A_44 = arith.constant 5 : index
    %get3A_45 = vector.load %arg2[%get3A_43, %get3A_44] : memref<256x8xf32, #tpu.memory_space<vmem>>, vector<256x1xf32>
    %get3A_46 = arith.constant 0 : index
    %get3A_47 = arith.constant 5120 : index
    %get3A_48 = vector.load %arg1[%get3A_46, %get3A_47] : memref<256x8192xf32, #tpu.memory_space<vmem>>, vector<256x1024xf32>
    %mul3A_49 = vector.broadcast %get3A_45 : vector<256x1xf32> to vector<256x1024xf32>
    %mul3A_50 = arith.mulf %mul3A_49, %get3A_48 : vector<256x1024xf32>
    %add3A_51 = arith.addf %add3A_42, %mul3A_50 : vector<256x1024xf32>
    %get3A_52 = arith.constant 0 : index
    %get3A_53 = arith.constant 6 : index
    %get3A_54 = vector.load %arg2[%get3A_52, %get3A_53] : memref<256x8xf32, #tpu.memory_space<vmem>>, vector<256x1xf32>
    %get3A_55 = arith.constant 0 : index
    %get3A_56 = arith.constant 6144 : index
    %get3A_57 = vector.load %arg1[%get3A_55, %get3A_56] : memref<256x8192xf32, #tpu.memory_space<vmem>>, vector<256x1024xf32>
    %mul3A_58 = vector.broadcast %get3A_54 : vector<256x1xf32> to vector<256x1024xf32>
    %mul3A_59 = arith.mulf %mul3A_58, %get3A_57 : vector<256x1024xf32>
    %add3A_60 = arith.addf %add3A_51, %mul3A_59 : vector<256x1024xf32>
    %get3A_61 = arith.constant 0 : index
    %get3A_62 = arith.constant 7 : index
    %get3A_63 = vector.load %arg2[%get3A_61, %get3A_62] : memref<256x8xf32, #tpu.memory_space<vmem>>, vector<256x1xf32>
    %get3A_64 = arith.constant 0 : index
    %get3A_65 = arith.constant 7168 : index
    %get3A_66 = vector.load %arg1[%get3A_64, %get3A_65] : memref<256x8192xf32, #tpu.memory_space<vmem>>, vector<256x1024xf32>
    %mul3A_67 = vector.broadcast %get3A_63 : vector<256x1xf32> to vector<256x1024xf32>
    %mul3A_68 = arith.mulf %mul3A_67, %get3A_66 : vector<256x1024xf32>
    %add3A_69 = arith.addf %add3A_60, %mul3A_68 : vector<256x1024xf32>
    %swap3A = arith.constant 0 : index
    %swap3A_70 = arith.constant 0 : index
    %swap3A_71 = vector.load %arg3[%swap3A, %swap3A_70] : memref<256x1024xf32, #tpu.memory_space<vmem>>, vector<256x1024xf32>
    tpu.vector_store %arg3[%swap3A, %swap3A_70], %add3A_69 {strides = array<i32>} : memref<256x1024xf32, #tpu.memory_space<vmem>>, vector<256x1024xf32>,
    return
  }
  func.func @transform_0(%arg0: i32) -> (i32, i32) {
    %c0_i32 = arith.constant 0 : i32
    %c0_i32_0 = arith.constant 0 : i32
    return %arg0, %c0_i32 : i32, i32
  }
  func.func @transform_1(%arg0: i32) -> (i32, i32) {
    %c0_i32 = arith.constant 0 : i32
    %c0_i32_0 = arith.constant 0 : i32
    return %arg0, %c0_i32 : i32, i32
  }
  func.func @transform_2(%arg0: i32) -> (i32, i32) {
    %c0_i32 = arith.constant 0 : i32
    %c0_i32_0 = arith.constant 0 : i32
    return %arg0, %c0_i32 : i32, i32
  }
}

</mosaic_0001>

<sc_bundles>
// kernel: kernel.11.cloned.1.call-start
scs
__scs_entry_jumppad:
0x0: {  	(pc) =	sbr.rel $0x88, $3  }
0x1: {  	(tag) =	ssettag $0x0;
	lr =	simm.s32 $0x1  }
0x2: {  	[smem:$0x3F9C] =	sst lr;
	_ =	strace $0xD0000000  }
0x3: {  	_ = 	snop  }
0x4: {  	_ = 	snop  }
0x5: {  	_ = 	snop  }
0x6: {  	_ = 	snop  }
0x7: {  	_ = 	snop  }
__scs_overlays_trampoline_lowered:
0x8: {  	[smem:$0x3FAB] =	sst s0  }
0x9: {  	[smem:$0x3FAC] =	sst s1  }
0xa: {  	[smem:$0x3FAD] =	sst s2  }
0xb: {  	[smem:$0x3FAE] =	sst s3  }
0xc: {  	[smem:$0x3FAF] =	sst s4  }
0xd: {  	[smem:$0x3FB0] =	sst s5  }
0xe: {  	[smem:$0x3FB1] =	sst s6  }
0xf: {  	[smem:$0x3FB2] =	sst s7  }
0x10: {  	[smem:$0x3FB3] =	sst s8  }
0x11: {  	[smem:$0x3FB4] =	sst s9;
	s0 =	simm.s32 @!p0 $0x0  }
0x12: {  	s1 =	sld [smem:$0x3F9A];
	s0 =	simm.s32 @p0 $0x1  }
0x13: {  	[smem:$0x3FB5] =	sst s0;
	s0 =	simm.s32 @!p1 $0x0  }
0x14: {  	s2 =	sld [smem:$0x3F99];
	s0 =	simm.s32 @p1 $0x1  }
0x15: {  	[smem:$0x3FB6] =	sst s0;
	s0 =	simm.s32 @!p2 $0x0  }
0x16: {  	s3 =	sld [smem:$0x3FDB];
	s0 =	simm.s32 @p2 $0x1  }
0x17: {  	s4 =	simm.s32 $0x1BF5;
	[smem:$0x3FB8] =	sst s0  }
0x18: {  	s0 =	sld [smem:$0x3F9B];
	_ =	swait.ge [sflag:s4], $0x0  }
0x19: {  	s7 =	sld [smem:$0x3F9C]  }
0x1a: {  	s8 =	sadd.s32 $0xFFFFE003, lr  }
0x1b: {  	s9 =	sadd.s32 $0xFFFFFEF7, lr;
	s5 =	simm.s32 $0xFFFFFFFF;
	p2 =	slt.u32 s8, $0xFFFFF086  }
0x1c: {  	p1 =	slt.u32 s9, $0xF7A;
	s5 =	simm.s32 @!p2 $0x0  }
0x1d: {  	s5 =	simm.s32 @p1 $0x1;
	p0 =	seq.s32 s7, s2  }
0x1e: {  	s7 =	smul.u32 @!p0 $0xF7A, s2;
	p2 =	seq.s32 @!p0 s5, $0x0  }
0x1f: {  	s9 =	smul.u32 $0xF7A, s1;
	s8 =	simm.s32 @!p0 $0x1BF5;
	p2 =	por !p2, p0  }
0x20: {  	[sflag:s8] =	ssyncset.s32 @!p0 $0xFFFFF086;
	s6 =	sadd.s32 @!p0 s3, s7;
	s7 =	simm.s32 @!p0 $0x108  }
0x21: {  	s3 =	sadd.s32 s3, s9;
	s6 =	sadd.s32 @!p0 $0x88, s6;
	s7 =	simm.s32 @p2 $0x1082  }
0x22: {  	[simem:s7], [sflag:s8] =	dma.local @!p0 [hbm:s6], $0xF7A  }
0x23: {  	s9 =	sor.u32 $0xD0000000, s2;
	s6 =	simm.s32 $0x108;
	_ =	swait.ge @!p0 [sflag:s8], $0x0  }
0x24: {  	s3 =	sadd.s32 $0x88, s3;
	s6 =	simm.s32 @!p1 $0x1082;
	[sflag:s4] =	ssyncset.s32 $0xFFFFF086  }
0x25: {  	[simem:s6], [sflag:s4] =	dma.local [hbm:s3], $0xF7A  }
0x26: {  	[smem:$0x3F9C] =	sst s1;
	(tag) =	ssettag s2;
	_ =	strace s9  }
0x27: {  	s1 =	sld [smem:$0x3FAC]  }
0x28: {  	s2 =	sld [smem:$0x3FAD]  }
0x29: {  	s4 =	sld [smem:$0x3FAF]  }
0x2a: {  	p0 =	seq.s32 s5, $0x0;
	s5 =	sld [smem:$0x3FB0]  }
0x2b: {  	s6 =	sld [smem:$0x3FB1]  }
0x2c: {  	s7 =	sld [smem:$0x3FB2]  }
0x2d: {  	s3 =	simm.s32 $0x108;
	s8 =	sld [smem:$0x3FB3]  }
0x2e: {  	s3 =	simm.s32 @!p0 $0x1082;
	s9 =	sld [smem:$0x3FB4]  }
0x2f: {  	lr =	sadd.s32 s0, s3;
	s0 =	sld [smem:$0x3FAB]  }
0x30: {  	s3 =	sld [smem:$0x3FAE]  }
0x31: {  	[smem:$0x3FB7] =	sst s10  }
0x32: {  	s10 =	sld [smem:$0x3FB5];
	_ =	sdelay $0x3  }
0x33: {  	p0 =	seq.s32 s10, $0x1;
	s10 =	sld [smem:$0x3FB7];
	_ =	sdelay $0x3  }
0x34: {  	[smem:$0x3FB7] =	sst s10  }
0x35: {  	s10 =	sld [smem:$0x3FB6];
	_ =	sdelay $0x3  }
0x36: {  	p1 =	seq.s32 s10, $0x1;
	s10 =	sld [smem:$0x3FB7];
	_ =	sdelay $0x3  }
0x37: {  	[smem:$0x3FB7] =	sst s10  }
0x38: {  	s10 =	sld [smem:$0x3FB8]  }
0x39: {  	_ = 	snop;
	(pc) =	sbr.ind lr, $3  }
0x3a: {  	_ = 	snop  }
0x3b: {  	_ = 	snop  }
0x3c: {  	p2 =	seq.s32 s10, $0x1;
	s10 =	sld [smem:$0x3FB7]  }
0x3d: {  	_ =	shalt  }
0x3e: {  	_ =	shalt  }
0x3f: {  	_ =	shalt  }
0x40: {  	_ =	shalt  }
0x41: {  	_ =	shalt  }
0x42: {  	_ =	shalt  }
0x43: {  	_ =	shalt  }
0x44: {  	_ =	shalt  }
0x45: {  	_ =	shalt  }
0x46: {  	_ =	shalt  }
0x47: {  	_ =	shalt  }
0x48: {  	_ =	shalt  }
0x49: {  	_ =	shalt  }
0x4a: {  	_ =	shalt  }
0x4b: {  	_ =	shalt  }
0x4c: {  	_ =	shalt  }
0x4d: {  	_ =	shalt  }
0x4e: {  	_ =	shalt  }
0x4f: {  	_ =	shalt  }
0x50: {  	_ =	shalt  }
0x51: {  	_ =	shalt  }
0x52: {  	_ =	shalt  }
0x53: {  	_ =	shalt  }
0x54: {  	_ =	shalt  }
0x55: {  	_ =	shalt  }
0x56: {  	_ =	shalt  }
0x57: {  	_ =	shalt  }
0x58: {  	_ =	shalt  }
0x59: {  	_ =	shalt  }
0x5a: {  	_ =	shalt  }
0x5b: {  	_ =	shalt  }
0x5c: {  	_ =	shalt  }
0x5d: {  	_ =	shalt  }
0x5e: {  	_ =	shalt  }
0x5f: {  	_ =	shalt  }
0x60: {  	_ =	shalt  }
0x61: {  	_ =	shalt  }
0x62: {  	_ =	shalt  }
0x63: {  	_ =	shalt  }
0x64: {  	_ =	shalt  }
0x65: {  	_ =	shalt  }
0x66: {  	_ =	shalt  }
0x67: {  	_ =	shalt  }
0x68: {  	_ =	shalt  }
0x69: {  	_ =	shalt  }
0x6a: {  	_ =	shalt  }
0x6b: {  	_ =	shalt  }
0x6c: {  	_ =	shalt  }
0x6d: {  	_ =	shalt  }
0x6e: {  	_ =	shalt  }
0x6f: {  	_ =	shalt  }
0x70: {  	_ =	shalt  }
0x71: {  	_ =	shalt  }
0x72: {  	_ =	shalt  }
0x73: {  	_ =	shalt  }
0x74: {  	_ =	shalt  }
0x75: {  	_ =	shalt  }
0x76: {  	_ =	shalt  }
0x77: {  	_ =	shalt  }
0x78: {  	_ =	shalt  }
0x79: {  	_ =	shalt  }
0x7a: {  	_ =	shalt  }
0x7b: {  	_ =	shalt  }
0x7c: {  	_ =	shalt  }
0x7d: {  	_ =	shalt  }
0x7e: {  	_ =	shalt  }
0x7f: {  	_ =	shalt  }
0x80: {  	_ =	shalt  }
0x81: {  	_ =	shalt  }
0x82: {  	_ =	shalt  }
0x83: {  	_ =	shalt  }
0x84: {  	_ =	shalt  }
0x85: {  	_ =	shalt  }
0x86: {  	_ =	shalt  }
0x87: {  	_ =	shalt  }
.Lfunc_end0:
.L_simem_size_0:
called_computation.2_lowered:
.L_overlay_start_0:
0x88: {  	s2 =	sld [smem:$0x3FD9]  }
0x89: {  	s3 =	sld [smem:$0x3FFE];
	_ =	sdelay $0x1  }
0x8a: {  	s1 =	srdreg.scid  }
0x8b: {  	s0 =	sand.u32 $0x1, s1  }
0x8c: {  	s17 =	sshll.u32 s0, $0xA;
	s2 =	sadd.s32 s3, s2  }
0x8d: {  	s2 =	sadd.s32 s2, s17  }
0x8e: {  	[smem:$0x3FC3] =	sst s2  }
0x8f: {  	_ = 	snop  }
0x90: {  	s18 =	sld [smem:$0x3FD0];
	(tm) =	ssettm $0x1  }
0x91: {  	s19 =	sld [smem:$0x3FFB];
	_ =	sdelay $0x3  }
0x92: {  	_ =	strace s19  }
0x93: {  	s2 =	sld [smem:$0x3FFC];
	_ =	sdelay $0x3  }
0x94: {  	_ =	strace s2  }
0x95: {  	s2 =	sld [smem:$0x3FFD];
	_ =	sdelay $0x3  }
0x96: {  	_ =	strace s2  }
0x97: {  	_ =	strace $0x8FFFFFFF  }
0x98: {  	s20 =	sld [smem:$0x3FDB];
	_ =	sdelay $0x1  }
0x99: {  	s4 =	simm.s32 $_scs_section_size  }
0x9a: {  	s5 =	simm.s32 $_size__tile_overlayer_lowered;
	s6 =	simm.s32 $_tile_overlayer_lowered  }
0x9b: {  	s7 =	simm.s32 $0x1BFF;
	s21 =	sshll.u32 s6, $0x1;
	s4 =	sadd.s32 s4, s20  }
0x9c: {  	s22 =	simm.s32 $0x0;
	s5 =	sshll.u32 s5, $0x1;
	s6 =	sadd.s32 s21, s4  }
0x9d: {  	[timem:s22], [sflag:s7] =	dma.local [hbm:s6], s5  }
0x9e: {  	_ =	swait.ge [sflag:s7], s5  }
0x9f: {  	s5 =	ssub.s32 $0x0, s5;
	[sflag:s7] =	ssyncset.done $0x0  }
0xa0: {  	[sflag:s7] =	ssyncadd.s32 s5;
	_ =	sdelay $0x1  }
0xa1: {  	s23 =	simm.s32 $0x1B8B  }
0xa2: {  	_ =	swait.ge [sflag:s23], $0x1  }
0xa3: {  	[sflag:s23] =	ssyncset.done $0x0  }
0xa4: {  	[sflag:s23] =	ssyncadd.s32 $0xFFFFFFFF  }
0xa5: {  	s5 =	sld [smem:$0x0]  }
0xa6: {  	s6 =	sand.u32 $0xFFFFFFFE, s1  }
0xa7: {  	p0 =	sne.s32 s1, s6  }
0xa8: {  	s6 =	sshll.u32 @p0 s6, $0xE  }
0xa9: {  	s6 =	sadd.s32 @p0 $0x11B8D, s6;
	s7 =	sshll.u32 @p0 s5, $0x11  }
0xaa: {  	s6 =	sor.u32 @p0 s7, s6  }
0xab: {  	[sflag:s6] =	ssyncadd.remote.s32 @p0 $0x1;
	_ =	sdelay $0x1  }
0xac: {  	s6 =	simm.s32 @p0 $0x1B8D  }
0xad: {  	_ =	swait.eq @p0 [sflag:s6], $0x1  }
0xae: {  	[sflag:s6] =	ssyncadd.s32 @p0 $0xFFFFFFFF  }
0xaf: {  	s7 =	sshll.u32 @!p0 s1, $0xE  }
0xb0: {  	s7 =	sor.u32 @!p0 $0x4000, s7;
	s6 =	simm.s32 @!p0 $0x1B8D  }
0xb1: {  	s5 =	sshll.u32 @!p0 s5, $0x11;
	s7 =	sadd.s32 @!p0 $0x11B8D, s7;
	_ =	swait.eq @!p0 [sflag:s6], $0x1  }
0xb2: {  	s5 =	sor.u32 @!p0 s5, s7;
	[sflag:s6] =	ssyncadd.s32 @!p0 $0xFFFFFFFF  }
0xb3: {  	s25 =	simm.s32 $0x1B8E;
	s24 =	sld [smem:$0x3FFE];
	[sflag:s5] =	ssyncadd.remote.s32 @!p0 $0x1  }
0xb4: {  	s26 =	simm.s32 $execute0_lowered;
	[smem:$0x3FD2] =	sst s25  }
0xb5: {  	s6 =	sshll.u32 s26, $0x1;
	_ =	strace $0x80000052;
	[dreg:$0x1] =	wrdreg $0xFFFFFFFF  }
0xb6: {  	s28 =	simm.s32 $_size_execute0_lowered;
	s4 =	sadd.s32 s4, s6;
	[dreg:$0x0] =	wrdreg $0x0  }
0xb7: {  	s6 =	sshll.u32 s28, $0x1;
	[dreg:$0x2] =	wrdreg s4  }
0xb8: {  	[dreg:$0x3] =	wrdreg s6  }
0xb9: {  	[dreg:$0x4] =	wrdreg $0xC0  }
0xba: {  	_ =	task [dreg:s22], $0x5FFFF  }
0xbb: {  	[dreg:$0x1] =	wrdreg $0xFFFFFFFF  }
0xbc: {  	[dreg:$0x0] =	wrdreg $0x60  }
0xbd: {  	[dreg:$0x2] =	wrdreg s18  }
0xbe: {  	[dreg:$0x3] =	wrdreg s24  }
0xbf: {  	[dreg:$0x4] =	wrdreg $0xA  }
0xc0: {  	_ =	task.clear_ibuf [dreg:s22], $0x5FFFF;
	_ =	strace $0x90000052  }
0xc1: {  	s29 =	simm.s32 $0xA;
	_ =	strace $0x8000005B  }
0xc2: {  	_ =	swait.ge [sflag:s29], $0x1  }
0xc3: {  	[sflag:s29] =	ssyncadd.s32 $0xFFFFFFFF  }
0xc4: {  	_ =	strace $0x9000005B  }
0xc5: {  	_ =	sfence  }
0xc6: {  	s30 =	sld [smem:$0x0];
	_ =	sdelay $0x2  }
0xc7: {  	s31 =	sshll.u32 s1, $0xD;
	s1 =	sshrl.u32 s1, $0x2  }
0xc8: {  	s4 =	sand.u32 $0x4000, s31;
	s1 =	sadd.s32 s1, s30  }
0xc9: {  	s0 =	sor.u32 s4, s0;
	s1 =	sshll.u32 s1, $0x11  }
0xca: {  	s0 =	sor.u32 s1, s0  }
0xcb: {  	s0 =	sadd.s32 $0x8F2B, s0  }
0xcc: {  	[sflag:s0] =	ssyncadd.remote.s32 $0x1  }
0xcd: {  	_ =	sfence.sel $0xFFFF  }
0xce: {  	[dreg:$0x0] =	wrdreg $0xFFFFFFFF;
	(pc) =	sbr.abs _section_cstart, $3  }
0xcf: {  	[dreg:$0x1] =	wrdreg $0xFFFFFFFF  }
0xd0: {  	_ =	task.clear_ibuf [dreg:s22], $0x2FFFF;
	_ =	strace $0x9FFFFFFF  }
0xd1: {  	(tm) =	ssettm $0x7FFFFFFF  }
tec
execute0_lowered:
.L_overlay_start_1:
0x0: {  	(tag) =	ssettag $0x1  }
0x1: {  	s1 =	rddreg [dreg:$0x0]  }
0x2: {  	s5 =	rddreg [dreg:$0x1]  }
0x3: {  	s0 =	rddreg [dreg:$0x2]  }
0x4: {  	s2 =	simm.s32 $0x0;
	s3 =	srdreg.scid;
	s9 =	simm.s32 $0x4  }
0x5: {  	s10 =	simm.s32 $0x0;
	[smem:$0x7FF] =	sst s2;
	s4 =	sadd.s32 $0x8400, s5  }
0x6: {  	s6 =	sand.u32 $0x1, s3;
	s3 =	stileid.u32;
	s5 =	sadd.s32 $0x88C00, s5  }
0x7: {  	_ =	strace $0x80000053;
	s7 =	ssub.s32 $0x2, s6;
	s6 =	sshll.u32 s6, $0x4  }
0x8: {  	v2 =	vlaneseq.u32;
	[dreg:$0x3] =	wrdreg s5;
	s8 =	sshrl.u32 s7, $0x1;
	s6 =	sor.u32 s3, s6  }
0x9: {  	vm0 =	vmmov $0xffff;
	v1 =	vshrl.u32 v2, $0x3;
	s7 =	ssub.s32 s7, s8;
	s31 =	sshll.u32 s6, $0x8;
	s5 =	sshll.u32 s6, $0x4  }
0xa: {  	v0 =	vand.u32 $0x7, v2;
	v2 =	vor.u32 $0x8, v2;
	v1 =	vmul.u32 $0x8, v1;
	s8 =	simm.s32 $0x5;
	s6 =	sadd.s32 s4, s31;
	s7 =	smax.u32 s7, $0x1  }
.LBB2_1:
0xb: {  	_ =	strace $0x80000054;
	s11 =	simm.s32 $0x10  }
0xc: {  	s12 =	simm.s32 $0x0;
	s13 =	simm.s32 $0x0;
	s14 =	simm.s32 $0x0  }
0xd: {  	[tilespmem:s2], [sflag:$0x1] =	stream.linear.gather [hbm4b:s6+s2], $0x80, $0x200038;
	[tilespmem:$0x10100] =	vst v63  }
0xe: {  	s15 =	simm.s32 $0x0;
	s16 =	simm.s32 $0x1;
	_ =	strace $0x90000054  }
.LBB2_2:
0xf: {  	s17 =	smov.u32 s12;
	s12 =	sadd.s32 $0x1, s12  }
0x10: {  	p0 =	seq.s32 s12, $0x10  }
0x11: {  	s12 =	simm.s32 @p0 $0x0  }
0x12: {  	p6 =	sne.s32 s11, $0x1;
	p1 =	sne.s32 s17, s12  }
0x13: {  	p0 =	por !p6, !p1  }
0x14: {  	p0 =	por !p0, !p0  }
0x15: {  	s18 =	sadd.s32 @p0 s5, s12  }
0x16: {  	s19 =	sand.u32 @p0 $0x1, s16;
	s18 =	sshll.u32 @p0 s18, $0x4  }
0x17: {  	_ =	strace @p0 $0x80000055;
	s21 =	simm.s32 @p0 $0x0;
	s18 =	sand.u32 @p0 $0x1FFFFFF0, s18  }
0x18: {  	s20 =	sshll.u32 @p0 s19, $0x7;
	s19 =	sadd.s32 @p0 $0x1, s19;
	s18 =	sadd.s32 @p0 s4, s18  }
0x19: {  	[tilespmem:s20], [sflag:s19] =	stream.linear.gather @p0 [hbm4b:s18+s21], $0x80, $0x200038;
	[tilespmem:$0x10100] =	vst v63  }
0x1a: {  	s24 =	sand.u32 $0x1, s15;
	_ =	strace @p0 $0x90000055  }
0x1b: {  	s18 =	sadd.s32 $0x1, s24;
	_ =	strace $0x80000056  }
0x1c: {  	_ =	swait.ge [sflag:s18], $0x80  }
0x1d: {  	[sflag:s18] =	ssyncset.done $0x0  }
0x1e: {  	[sflag:s18] =	ssyncadd.s32 $0xFFFFFF80  }
0x1f: {  	s25 =	sshll.u32 s15, $0x7;
	_ =	strace $0x90000056  }
0x20: {  	s21 =	sand.u32 $0x80, s25;
	_ =	strace $0x80000057  }
0x21: {  	v3 =	vld [tilespmem:s21+$0x0];
	_ =	sdelay $0x4  }
0x22: {  	v4 =	vshll.u32 v3, $0x1  }
0x23: {  	v3 =	vand.u32 $0x7, v3;
	v4 =	vand.u32 $0xFFFFFFF0, v4  }
0x24: {  	v3 =	vor.u32 v3, v4  }
0x25: {  	v4 =	vperm.xlane v3, v0;
	_ =	sdelay $0x1  }
0x26: {  	v3 =	vperm.xlane v3, v2;
	v4 =	vadd.s32 v1, v4;
	_ =	sdelay $0x1  }
0x27: {  	s18 =	sand.u32 $0x1, s14;
	v3 =	vadd.s32 v1, v3  }
0x28: {  	s20 =	sshll.u32 s18, $0xF  }
0x29: {  	s19 =	sor.u32 $0x100, s20  }
0x2a: {  	[tilespmem:s19], [sflag:$0x5] =	stream.indirect_vreg.gather [hbm4b:s1+s2], $0x80, v4, vm0, $0x2000b8;
	[tilespmem:$0x10100] =	vst v63  }
0x2b: {  	s22 =	sor.u32 $0x900, s20  }
0x2c: {  	[tilespmem:s22], [sflag:$0x5] =	stream.indirect_vreg.gather [hbm4b:s1+s2], $0x80, v3, vm0, $0x2000b8;
	[tilespmem:$0x10100] =	vst v63  }
0x2d: {  	v3 =	vld [tilespmem:s21+$0x10];
	_ =	sdelay $0x4  }
0x2e: {  	v57 =	vshll.u32 v3, $0x1  }
0x2f: {  	v3 =	vand.u32 $0x7, v3;
	v4 =	vand.u32 $0xFFFFFFF0, v57  }
0x30: {  	v3 =	vor.u32 v3, v4  }
0x31: {  	v4 =	vperm.xlane v3, v0;
	_ =	sdelay $0x1  }
0x32: {  	v3 =	vperm.xlane v3, v2;
	v4 =	vadd.s32 v1, v4;
	_ =	sdelay $0x1  }
0x33: {  	v3 =	vadd.s32 v1, v3;
	_ =	sdelay $0x1  }
0x34: {  	s26 =	sor.u32 $0x1100, s20  }
0x35: {  	[tilespmem:s26], [sflag:$0x5] =	stream.indirect_vreg.gather [hbm4b:s1+s2], $0x80, v4, vm0, $0x2000b8;
	[tilespmem:$0x10100] =	vst v63  }
0x36: {  	s28 =	sor.u32 $0x1900, s20  }
0x37: {  	[tilespmem:s28], [sflag:$0x5] =	stream.indirect_vreg.gather [hbm4b:s1+s2], $0x80, v3, vm0, $0x2000b8;
	[tilespmem:$0x10100] =	vst v63  }
0x38: {  	v3 =	vld [tilespmem:s21+$0x20];
	_ =	sdelay $0x4  }
0x39: {  	v58 =	vshll.u32 v3, $0x1  }
0x3a: {  	v3 =	vand.u32 $0x7, v3;
	v4 =	vand.u32 $0xFFFFFFF0, v58  }
0x3b: {  	v3 =	vor.u32 v3, v4  }
0x3c: {  	v4 =	vperm.xlane v3, v0;
	_ =	sdelay $0x1  }
0x3d: {  	v3 =	vperm.xlane v3, v2;
	v4 =	vadd.s32 v1, v4;
	_ =	sdelay $0x1  }
0x3e: {  	v3 =	vadd.s32 v1, v3;
	_ =	sdelay $0x1  }
0x3f: {  	s29 =	sor.u32 $0x2100, s20  }
0x40: {  	[tilespmem:s29], [sflag:$0x5] =	stream.indirect_vreg.gather [hbm4b:s1+s2], $0x80, v4, vm0, $0x2000b8;
	[tilespmem:$0x10100] =	vst v63  }
0x41: {  	s30 =	sor.u32 $0x2900, s20  }
0x42: {  	[tilespmem:s30], [sflag:$0x5] =	stream.indirect_vreg.gather [hbm4b:s1+s2], $0x80, v3, vm0, $0x2000b8;
	[tilespmem:$0x10100] =	vst v63  }
0x43: {  	v3 =	vld [tilespmem:s21+$0x30];
	_ =	sdelay $0x4  }
0x44: {  	v59 =	vshll.u32 v3, $0x1  }
0x45: {  	v3 =	vand.u32 $0x7, v3;
	v4 =	vand.u32 $0xFFFFFFF0, v59  }
0x46: {  	v3 =	vor.u32 v3, v4  }
0x47: {  	v4 =	vperm.xlane v3, v0;
	_ =	sdelay $0x1  }
0x48: {  	v3 =	vperm.xlane v3, v2;
	v4 =	vadd.s32 v1, v4;
	_ =	sdelay $0x1  }
0x49: {  	v3 =	vadd.s32 v1, v3;
	_ =	sdelay $0x1  }
0x4a: {  	s31 =	sor.u32 $0x3100, s20  }
0x4b: {  	[tilespmem:s31], [sflag:$0x5] =	stream.indirect_vreg.gather [hbm4b:s1+s2], $0x80, v4, vm0, $0x2000b8;
	[tilespmem:$0x10100] =	vst v63  }
0x4c: {  	s23 =	sor.u32 $0x3900, s20  }
0x4d: {  	[tilespmem:s23], [sflag:$0x5] =	stream.indirect_vreg.gather [hbm4b:s1+s2], $0x80, v3, vm0, $0x2000b8;
	[tilespmem:$0x10100] =	vst v63  }
0x4e: {  	v3 =	vld [tilespmem:s21+$0x40];
	_ =	sdelay $0x4  }
0x4f: {  	v60 =	vshll.u32 v3, $0x1  }
0x50: {  	v3 =	vand.u32 $0x7, v3;
	v4 =	vand.u32 $0xFFFFFFF0, v60  }
0x51: {  	v3 =	vor.u32 v3, v4  }
0x52: {  	v4 =	vperm.xlane v3, v0;
	_ =	sdelay $0x1  }
0x53: {  	v3 =	vperm.xlane v3, v2;
	v4 =	vadd.s32 v1, v4;
	_ =	sdelay $0x1  }
0x54: {  	v3 =	vadd.s32 v1, v3;
	_ =	sdelay $0x1  }
0x55: {  	s24 =	sor.u32 $0x4100, s20  }
0x56: {  	[tilespmem:s24], [sflag:$0x5] =	stream.indirect_vreg.gather [hbm4b:s1+s2], $0x80, v4, vm0, $0x2000b8;
	[tilespmem:$0x10100] =	vst v63  }
0x57: {  	s25 =	sor.u32 $0x4900, s20  }
0x58: {  	[tilespmem:s25], [sflag:$0x5] =	stream.indirect_vreg.gather [hbm4b:s1+s2], $0x80, v3, vm0, $0x2000b8;
	[tilespmem:$0x10100] =	vst v63  }
0x59: {  	v3 =	vld [tilespmem:s21+$0x50];
	_ =	sdelay $0x4  }
0x5a: {  	v61 =	vshll.u32 v3, $0x1  }
0x5b: {  	v3 =	vand.u32 $0x7, v3;
	v4 =	vand.u32 $0xFFFFFFF0, v61  }
0x5c: {  	v3 =	vor.u32 v3, v4  }
0x5d: {  	v4 =	vperm.xlane v3, v0;
	_ =	sdelay $0x1  }
0x5e: {  	v3 =	vperm.xlane v3, v2;
	v4 =	vadd.s32 v1, v4;
	_ =	sdelay $0x1  }
0x5f: {  	v3 =	vadd.s32 v1, v3;
	_ =	sdelay $0x1  }
0x60: {  	s26 =	sor.u32 $0x5100, s20  }
0x61: {  	[tilespmem:s26], [sflag:$0x5] =	stream.indirect_vreg.gather [hbm4b:s1+s2], $0x80, v4, vm0, $0x2000b8;
	[tilespmem:$0x10100] =	vst v63  }
0x62: {  	s28 =	sor.u32 $0x5900, s20  }
0x63: {  	[tilespmem:s28], [sflag:$0x5] =	stream.indirect_vreg.gather [hbm4b:s1+s2], $0x80, v3, vm0, $0x2000b8;
	[tilespmem:$0x10100] =	vst v63  }
0x64: {  	v3 =	vld [tilespmem:s21+$0x60];
	_ =	sdelay $0x4  }
0x65: {  	v62 =	vshll.u32 v3, $0x1  }
0x66: {  	v3 =	vand.u32 $0x7, v3;
	v4 =	vand.u32 $0xFFFFFFF0, v62  }
0x67: {  	v3 =	vor.u32 v3, v4  }
0x68: {  	v4 =	vperm.xlane v3, v0;
	_ =	sdelay $0x1  }
0x69: {  	v3 =	vperm.xlane v3, v2;
	v4 =	vadd.s32 v1, v4;
	_ =	sdelay $0x1  }
0x6a: {  	v3 =	vadd.s32 v1, v3;
	_ =	sdelay $0x1  }
0x6b: {  	s29 =	sor.u32 $0x6100, s20  }
0x6c: {  	[tilespmem:s29], [sflag:$0x5] =	stream.indirect_vreg.gather [hbm4b:s1+s2], $0x80, v4, vm0, $0x2000b8;
	[tilespmem:$0x10100] =	vst v63  }
0x6d: {  	s30 =	sor.u32 $0x6900, s20  }
0x6e: {  	[tilespmem:s30], [sflag:$0x5] =	stream.indirect_vreg.gather [hbm4b:s1+s2], $0x80, v3, vm0, $0x2000b8;
	[tilespmem:$0x10100] =	vst v63  }
0x6f: {  	v3 =	vld [tilespmem:s21+$0x70];
	_ =	sdelay $0x4  }
0x70: {  	v63 =	vshll.u32 v3, $0x1  }
0x71: {  	v3 =	vand.u32 $0x7, v3;
	v4 =	vand.u32 $0xFFFFFFF0, v63  }
0x72: {  	v3 =	vor.u32 v3, v4  }
0x73: {  	v4 =	vperm.xlane v3, v0;
	_ =	sdelay $0x1  }
0x74: {  	v3 =	vperm.xlane v3, v2;
	v4 =	vadd.s32 v1, v4;
	_ =	sdelay $0x1  }
0x75: {  	v3 =	vadd.s32 v1, v3;
	_ =	sdelay $0x1  }
0x76: {  	s31 =	sor.u32 $0x7100, s20  }
0x77: {  	[tilespmem:s31], [sflag:$0x5] =	stream.indirect_vreg.gather [hbm4b:s1+s2], $0x80, v4, vm0, $0x2000b8;
	[tilespmem:$0x10100] =	vst v63  }
0x78: {  	s20 =	sor.u32 $0x7900, s20  }
0x79: {  	[tilespmem:s20], [sflag:$0x5] =	stream.indirect_vreg.gather [hbm4b:s1+s2], $0x80, v3, vm0, $0x2000b8;
	[tilespmem:$0x10100] =	vst v63  }
0x7a: {  	_ =	swait.ge [sflag:s8], $0x8000  }
0x7b: {  	p2 =	seq.s32 s11, $0x1;
	[sflag:s8] =	ssyncset.done $0x0  }
0x7c: {  	s17 =	sadd.s32 s5, s17;
	p1 =	por p2, p1;
	[sflag:s8] =	ssyncadd.s32 $0xFFFF8000  }
0x7d: {  	s17 =	sshll.u32 @p1 s17, $0xC;
	_ =	strace $0x90000057  }
0x7e: {  	s17 =	sand.u32 @p1 $0x1FFFF000, s17;
	s21 =	simm.s32 $0x1;
	_ =	strace @p1 $0x80000058  }
0x7f: {  	s18 =	sadd.s32 @p1 $0x3, s18;
	s21 =	simm.s32 @!p0 $0x0;
	s20 =	rddreg [dreg:$0x3]  }
0x80: {  	p0 =	seq.s32 s11, $0x10;
	s17 =	sadd.s32 @p1 s20, s17;
	s20 =	simm.s32 @p1 $0x0  }
0x81: {  	[hbm4b:s17+s20] =	stream.linear.scatter @p1 [tilespmem:s19], [sflag:s18], $0x8000, $0x200038;
	[tilespmem:$0x10100] =	vst v63  }
0x82: {  	s17 =	simm.s32 $0x1;
	s19 =	simm.s32 $0x1;
	_ =	strace @p1 $0x90000058  }
0x83: {  	s17 =	simm.s32 @!p1 $0x0;
	p1 =	sne.s32 s11, $0x10;
	s11 =	sadd.s32 $0xFFFFFFFF, s11  }
0x84: {  	s18 =	sand.u32 @!p0 $0x1, s13;
	s19 =	simm.s32 @!p1 $0x0;
	p1 =	sne.s32 s11, $0x0  }
.Ltmp0:
0x85: {  	s18 =	sadd.s32 @!p0 $0x3, s18;
	_ =	strace @!p0 $0x80000059;
	(pc) =	sbr.rel @p1 .LBB2_2-.Ltmp0, $4  }
0x86: {  	_ =	swait.ge @!p0 [sflag:s18], $0x8000  }
0x87: {  	[sflag:s18] =	ssyncset.done @!p0 $0x0  }
0x88: {  	s16 =	sadd.s32 s21, s16;
	s14 =	sadd.s32 s17, s14;
	[sflag:s18] =	ssyncadd.s32 @!p0 $0xFFFF8000  }
0x89: {  	s15 =	sadd.s32 s17, s15;
	s13 =	sadd.s32 s19, s13;
	_ =	strace @!p0 $0x90000059  }
0x8a: {  	s10 =	sadd.s32 $0x1, s10  }
0x8b: {  	p0 =	sne.s32 s10, s7  }
.Ltmp1:
0x8c: {  	_ =	strace $0x8000005A;
	(pc) =	sbr.rel @p0 .LBB2_1-.Ltmp1, $4  }
0x8d: {  	_ =	swait.ge [sflag:s9], $0x8000  }
0x8e: {  	[sflag:s9] =	ssyncset.done $0x0  }
0x8f: {  	[sflag:s9] =	ssyncadd.s32 $0xFFFF8000  }
0x90: {  	_ =	strace $0x9000005A  }
0x91: {  	_ =	sfence.sel $0x180000  }
0x92: {  	[bflag:$0x0] =	sbarrier.arrive $0xFFFF  }
0x93: {  	p0 =	sne.s32 s3, $0x0;
	_ =	strace $0x90000053  }
0x94: {  	s0 =	sadd.s32 @!p0 $0x100000, s0;
	[bflag:$0x2] =	sbarrier.arrive $0xFFFF  }
0x95: {  	[sflag:s0] =	ssyncadd.tile.s32 @!p0 $0x1;
	_ =	shalt  }
.Lfunc_end2:
_tile_overlayer_lowered:
.L_overlay_start_2:
0x96: {  	(tag) =	ssettag $0x2  }
0x97: {  	s0 =	rddreg [dreg:$0x0];
	s2 =	stileid.u32  }
0x98: {  	s1 =	rddreg [dreg:$0x1];
	p0 =	sne.s32 s2, $0x0  }
0x99: {  	s3 =	rddreg [dreg:$0x2];
	[bflag:$0x3] =	sbarrier.arrive $0xFFFF;
	s2 =	simm.s32 @!p0 $0x1C01  }
0x9a: {  	[timem:s3], [sflag:s2] =	dma.local @!p0 [hbm:s0], s1  }
0x9b: {  	s0 =	simm.s32 @!p0 $0x1  }
0x9c: {  	_ =	swait.ge @!p0 [sflag:s0], s1  }
0x9d: {  	s1 =	ssub.s32 @!p0 $0x0, s1;
	[sflag:s0] =	ssyncset.done @!p0 $0x0  }
0x9e: {  	[sflag:s0] =	ssyncadd.s32 @!p0 s1  }
0x9f: {  	[bflag:$0x3] =	sbarrier.arrive $0xFFFF  }
0xa0: {  	_ =	shalt  }

// kernel: kernel.14.cloned.1.call-start
scs
__scs_entry_jumppad:
0x0: {  	(pc) =	sbr.rel $0x88, $3  }
0x1: {  	(tag) =	ssettag $0x0;
	lr =	simm.s32 $0x1  }
0x2: {  	[smem:$0x3F9C] =	sst lr;
	_ =	strace $0xD0000000  }
0x3: {  	_ = 	snop  }
0x4: {  	_ = 	snop  }
0x5: {  	_ = 	snop  }
0x6: {  	_ = 	snop  }
0x7: {  	_ = 	snop  }
__scs_overlays_trampoline_lowered:
0x8: {  	[smem:$0x3FAB] =	sst s0  }
0x9: {  	[smem:$0x3FAC] =	sst s1  }
0xa: {  	[smem:$0x3FAD] =	sst s2  }
0xb: {  	[smem:$0x3FAE] =	sst s3  }
0xc: {  	[smem:$0x3FAF] =	sst s4  }
0xd: {  	[smem:$0x3FB0] =	sst s5  }
0xe: {  	[smem:$0x3FB1] =	sst s6  }
0xf: {  	[smem:$0x3FB2] =	sst s7  }
0x10: {  	[smem:$0x3FB3] =	sst s8  }
0x11: {  	[smem:$0x3FB4] =	sst s9;
	s0 =	simm.s32 @!p0 $0x0  }
0x12: {  	s1 =	sld [smem:$0x3F9A];
	s0 =	simm.s32 @p0 $0x1  }
0x13: {  	[smem:$0x3FB5] =	sst s0;
	s0 =	simm.s32 @!p1 $0x0  }
0x14: {  	s2 =	sld [smem:$0x3F99];
	s0 =	simm.s32 @p1 $0x1  }
0x15: {  	[smem:$0x3FB6] =	sst s0;
	s0 =	simm.s32 @!p2 $0x0  }
0x16: {  	s3 =	sld [smem:$0x3FDB];
	s0 =	simm.s32 @p2 $0x1  }
0x17: {  	s4 =	simm.s32 $0x1BF5;
	[smem:$0x3FB8] =	sst s0  }
0x18: {  	s0 =	sld [smem:$0x3F9B];
	_ =	swait.ge [sflag:s4], $0x0  }
0x19: {  	s7 =	sld [smem:$0x3F9C]  }
0x1a: {  	s8 =	sadd.s32 $0xFFFFE003, lr  }
0x1b: {  	s9 =	sadd.s32 $0xFFFFFEF7, lr;
	s5 =	simm.s32 $0xFFFFFFFF;
	p2 =	slt.u32 s8, $0xFFFFF086  }
0x1c: {  	p1 =	slt.u32 s9, $0xF7A;
	s5 =	simm.s32 @!p2 $0x0  }
0x1d: {  	s5 =	simm.s32 @p1 $0x1;
	p0 =	seq.s32 s7, s2  }
0x1e: {  	s7 =	smul.u32 @!p0 $0xF7A, s2;
	p2 =	seq.s32 @!p0 s5, $0x0  }
0x1f: {  	s9 =	smul.u32 $0xF7A, s1;
	s8 =	simm.s32 @!p0 $0x1BF5;
	p2 =	por !p2, p0  }
0x20: {  	[sflag:s8] =	ssyncset.s32 @!p0 $0xFFFFF086;
	s6 =	sadd.s32 @!p0 s3, s7;
	s7 =	simm.s32 @!p0 $0x108  }
0x21: {  	s3 =	sadd.s32 s3, s9;
	s6 =	sadd.s32 @!p0 $0x88, s6;
	s7 =	simm.s32 @p2 $0x1082  }
0x22: {  	[simem:s7], [sflag:s8] =	dma.local @!p0 [hbm:s6], $0xF7A  }
0x23: {  	s9 =	sor.u32 $0xD0000000, s2;
	s6 =	simm.s32 $0x108;
	_ =	swait.ge @!p0 [sflag:s8], $0x0  }
0x24: {  	s3 =	sadd.s32 $0x88, s3;
	s6 =	simm.s32 @!p1 $0x1082;
	[sflag:s4] =	ssyncset.s32 $0xFFFFF086  }
0x25: {  	[simem:s6], [sflag:s4] =	dma.local [hbm:s3], $0xF7A  }
0x26: {  	[smem:$0x3F9C] =	sst s1;
	(tag) =	ssettag s2;
	_ =	strace s9  }
0x27: {  	s1 =	sld [smem:$0x3FAC]  }
0x28: {  	s2 =	sld [smem:$0x3FAD]  }
0x29: {  	s4 =	sld [smem:$0x3FAF]  }
0x2a: {  	p0 =	seq.s32 s5, $0x0;
	s5 =	sld [smem:$0x3FB0]  }
0x2b: {  	s6 =	sld [smem:$0x3FB1]  }
0x2c: {  	s7 =	sld [smem:$0x3FB2]  }
0x2d: {  	s3 =	simm.s32 $0x108;
	s8 =	sld [smem:$0x3FB3]  }
0x2e: {  	s3 =	simm.s32 @!p0 $0x1082;
	s9 =	sld [smem:$0x3FB4]  }
0x2f: {  	lr =	sadd.s32 s0, s3;
	s0 =	sld [smem:$0x3FAB]  }
0x30: {  	s3 =	sld [smem:$0x3FAE]  }
0x31: {  	[smem:$0x3FB7] =	sst s10  }
0x32: {  	s10 =	sld [smem:$0x3FB5];
	_ =	sdelay $0x3  }
0x33: {  	p0 =	seq.s32 s10, $0x1;
	s10 =	sld [smem:$0x3FB7];
	_ =	sdelay $0x3  }
0x34: {  	[smem:$0x3FB7] =	sst s10  }
0x35: {  	s10 =	sld [smem:$0x3FB6];
	_ =	sdelay $0x3  }
0x36: {  	p1 =	seq.s32 s10, $0x1;
	s10 =	sld [smem:$0x3FB7];
	_ =	sdelay $0x3  }
0x37: {  	[smem:$0x3FB7] =	sst s10  }
0x38: {  	s10 =	sld [smem:$0x3FB8]  }
0x39: {  	_ = 	snop;
	(pc) =	sbr.ind lr, $3  }
0x3a: {  	_ = 	snop  }
0x3b: {  	_ = 	snop  }
0x3c: {  	p2 =	seq.s32 s10, $0x1;
	s10 =	sld [smem:$0x3FB7]  }
0x3d: {  	_ =	shalt  }
0x3e: {  	_ =	shalt  }
0x3f: {  	_ =	shalt  }
0x40: {  	_ =	shalt  }
0x41: {  	_ =	shalt  }
0x42: {  	_ =	shalt  }
0x43: {  	_ =	shalt  }
0x44: {  	_ =	shalt  }
0x45: {  	_ =	shalt  }
0x46: {  	_ =	shalt  }
0x47: {  	_ =	shalt  }
0x48: {  	_ =	shalt  }
0x49: {  	_ =	shalt  }
0x4a: {  	_ =	shalt  }
0x4b: {  	_ =	shalt  }
0x4c: {  	_ =	shalt  }
0x4d: {  	_ =	shalt  }
0x4e: {  	_ =	shalt  }
0x4f: {  	_ =	shalt  }
0x50: {  	_ =	shalt  }
0x51: {  	_ =	shalt  }
0x52: {  	_ =	shalt  }
0x53: {  	_ =	shalt  }
0x54: {  	_ =	shalt  }
0x55: {  	_ =	shalt  }
0x56: {  	_ =	shalt  }
0x57: {  	_ =	shalt  }
0x58: {  	_ =	shalt  }
0x59: {  	_ =	shalt  }
0x5a: {  	_ =	shalt  }
0x5b: {  	_ =	shalt  }
0x5c: {  	_ =	shalt  }
0x5d: {  	_ =	shalt  }
0x5e: {  	_ =	shalt  }
0x5f: {  	_ =	shalt  }
0x60: {  	_ =	shalt  }
0x61: {  	_ =	shalt  }
0x62: {  	_ =	shalt  }
0x63: {  	_ =	shalt  }
0x64: {  	_ =	shalt  }
0x65: {  	_ =	shalt  }
0x66: {  	_ =	shalt  }
0x67: {  	_ =	shalt  }
0x68: {  	_ =	shalt  }
0x69: {  	_ =	shalt  }
0x6a: {  	_ =	shalt  }
0x6b: {  	_ =	shalt  }
0x6c: {  	_ =	shalt  }
0x6d: {  	_ =	shalt  }
0x6e: {  	_ =	shalt  }
0x6f: {  	_ =	shalt  }
0x70: {  	_ =	shalt  }
0x71: {  	_ =	shalt  }
0x72: {  	_ =	shalt  }
0x73: {  	_ =	shalt  }
0x74: {  	_ =	shalt  }
0x75: {  	_ =	shalt  }
0x76: {  	_ =	shalt  }
0x77: {  	_ =	shalt  }
0x78: {  	_ =	shalt  }
0x79: {  	_ =	shalt  }
0x7a: {  	_ =	shalt  }
0x7b: {  	_ =	shalt  }
0x7c: {  	_ =	shalt  }
0x7d: {  	_ =	shalt  }
0x7e: {  	_ =	shalt  }
0x7f: {  	_ =	shalt  }
0x80: {  	_ =	shalt  }
0x81: {  	_ =	shalt  }
0x82: {  	_ =	shalt  }
0x83: {  	_ =	shalt  }
0x84: {  	_ =	shalt  }
0x85: {  	_ =	shalt  }
0x86: {  	_ =	shalt  }
0x87: {  	_ =	shalt  }
.Lfunc_end0:
.L_simem_size_0:
called_computation.3_lowered:
.L_overlay_start_0:
0x88: {  	s2 =	sld [smem:$0x3FD9]  }
0x89: {  	s3 =	sld [smem:$0x3FFE];
	_ =	sdelay $0x1  }
0x8a: {  	s1 =	srdreg.scid  }
0x8b: {  	s0 =	sand.u32 $0x1, s1  }
0x8c: {  	s16 =	sshll.u32 s0, $0xA;
	s2 =	sadd.s32 s3, s2  }
0x8d: {  	s2 =	sadd.s32 s2, s16  }
0x8e: {  	[smem:$0x3FC3] =	sst s2  }
0x8f: {  	_ = 	snop  }
0x90: {  	(tm) =	ssettm $0x1  }
0x91: {  	s17 =	sld [smem:$0x3FFB];
	_ =	sdelay $0x3  }
0x92: {  	_ =	strace s17  }
0x93: {  	s2 =	sld [smem:$0x3FFC];
	_ =	sdelay $0x3  }
0x94: {  	_ =	strace s2  }
0x95: {  	s2 =	sld [smem:$0x3FFD];
	_ =	sdelay $0x3  }
0x96: {  	_ =	strace s2  }
0x97: {  	_ =	strace $0x8FFFFFFF  }
0x98: {  	s18 =	sld [smem:$0x3FDB];
	_ =	sdelay $0x1  }
0x99: {  	s19 =	simm.s32 $_scs_section_size  }
0x9a: {  	s4 =	simm.s32 $_size__tile_overlayer_lowered;
	s5 =	simm.s32 $_tile_overlayer_lowered  }
0x9b: {  	s22 =	simm.s32 $0x1BFF;
	s21 =	sshll.u32 s5, $0x1;
	s2 =	sadd.s32 s19, s18  }
0x9c: {  	s6 =	simm.s32 $0x0;
	s20 =	sshll.u32 s4, $0x1;
	s4 =	sadd.s32 s21, s2  }
0x9d: {  	[timem:s6], [sflag:s22] =	dma.local [hbm:s4], s20  }
0x9e: {  	_ =	swait.ge [sflag:s22], s20  }
0x9f: {  	s3 =	ssub.s32 $0x0, s20;
	[sflag:s22] =	ssyncset.done $0x0  }
0xa0: {  	[sflag:s22] =	ssyncadd.s32 s3;
	_ =	sdelay $0x1  }
0xa1: {  	s23 =	simm.s32 $0x1B8B  }
0xa2: {  	_ =	swait.ge [sflag:s23], $0x1  }
0xa3: {  	[sflag:s23] =	ssyncset.done $0x0  }
0xa4: {  	s25 =	simm.s32 $0x1B8E;
	s24 =	sld [smem:$0x3FFE];
	[sflag:s23] =	ssyncadd.s32 $0xFFFFFFFF  }
0xa5: {  	s26 =	simm.s32 $execute0_lowered;
	[smem:$0x3FD2] =	sst s25  }
0xa6: {  	s4 =	sshll.u32 s26, $0x1;
	_ =	strace $0x8000005C;
	[dreg:$0x1] =	wrdreg $0xFFFFFFFF  }
0xa7: {  	s28 =	simm.s32 $_size_execute0_lowered;
	s2 =	sadd.s32 s2, s4;
	[dreg:$0x0] =	wrdreg $0x0  }
0xa8: {  	s4 =	sshll.u32 s28, $0x1;
	[dreg:$0x2] =	wrdreg s2  }
0xa9: {  	[dreg:$0x3] =	wrdreg s4  }
0xaa: {  	[dreg:$0x4] =	wrdreg $0xC0  }
0xab: {  	_ =	task [dreg:s6], $0x5FFFF  }
0xac: {  	[dreg:$0x1] =	wrdreg $0xFFFFFFFF  }
0xad: {  	[dreg:$0x0] =	wrdreg $0x60  }
0xae: {  	[dreg:$0x2] =	wrdreg s24  }
0xaf: {  	[dreg:$0x3] =	wrdreg $0x9  }
0xb0: {  	_ =	task.clear_ibuf [dreg:s6], $0x4FFFF;
	_ =	strace $0x9000005C  }
0xb1: {  	s29 =	simm.s32 $0x9;
	_ =	strace $0x80000065  }
0xb2: {  	_ =	swait.ge [sflag:s29], $0x1  }
0xb3: {  	[sflag:s29] =	ssyncadd.s32 $0xFFFFFFFF  }
0xb4: {  	_ =	strace $0x90000065  }
0xb5: {  	_ =	sfence  }
0xb6: {  	s30 =	sld [smem:$0x0];
	_ =	sdelay $0x2  }
0xb7: {  	s31 =	sshll.u32 s1, $0xD;
	s1 =	sshrl.u32 s1, $0x2  }
0xb8: {  	s3 =	sand.u32 $0x4000, s31;
	s1 =	sadd.s32 s1, s30  }
0xb9: {  	s0 =	sor.u32 s3, s0;
	s1 =	sshll.u32 s1, $0x11  }
0xba: {  	s0 =	sor.u32 s1, s0  }
0xbb: {  	s0 =	sadd.s32 $0x8F2B, s0  }
0xbc: {  	[sflag:s0] =	ssyncadd.remote.s32 $0x1  }
0xbd: {  	_ =	sfence.sel $0xFFFF  }
0xbe: {  	[dreg:$0x0] =	wrdreg $0xFFFFFFFF;
	(pc) =	sbr.abs _section_cstart, $3  }
0xbf: {  	[dreg:$0x1] =	wrdreg $0xFFFFFFFF  }
0xc0: {  	_ =	task.clear_ibuf [dreg:s6], $0x2FFFF;
	_ =	strace $0x9FFFFFFF  }
0xc1: {  	(tm) =	ssettm $0x7FFFFFFF  }
tec
execute0_lowered:
.L_overlay_start_1:
0x0: {  	(tag) =	ssettag $0x1  }
0x1: {  	s5 =	rddreg [dreg:$0x0]  }
0x2: {  	s0 =	rddreg [dreg:$0x1];
	s1 =	simm.s32 $0x0  }
0x3: {  	s2 =	srdreg.scid;
	s9 =	simm.s32 $0x4;
	s10 =	simm.s32 $0x0  }
0x4: {  	[smem:$0x7FF] =	sst s1;
	s3 =	sadd.s32 $0x20C400, s5;
	s4 =	sadd.s32 $0xA400, s5  }
0x5: {  	s6 =	sand.u32 $0x1, s2;
	s2 =	stileid.u32;
	s5 =	sadd.s32 $0xC400, s5  }
0x6: {  	_ =	strace $0x8000005D;
	s7 =	ssub.s32 $0x2, s6;
	s6 =	sshll.u32 s6, $0x4  }
0x7: {  	v2 =	vlaneseq.u32;
	[dreg:$0x2] =	wrdreg s5;
	s8 =	sshrl.u32 s7, $0x1;
	s6 =	sor.u32 s2, s6  }
0x8: {  	vm0 =	vmmov $0xffff;
	v1 =	vshrl.u32 v2, $0x3;
	s7 =	ssub.s32 s7, s8;
	s31 =	sshll.u32 s6, $0x8;
	s5 =	sshll.u32 s6, $0x4  }
0x9: {  	v0 =	vand.u32 $0x7, v2;
	v2 =	vor.u32 $0x8, v2;
	v1 =	vmul.u32 $0x8, v1;
	s8 =	simm.s32 $0x5;
	s6 =	sadd.s32 s4, s31;
	s7 =	smax.u32 s7, $0x1  }
.LBB2_1:
0xa: {  	_ =	strace $0x8000005E;
	s11 =	simm.s32 $0x10  }
0xb: {  	s12 =	simm.s32 $0x0;
	s13 =	simm.s32 $0x0;
	s14 =	simm.s32 $0x0  }
0xc: {  	[tilespmem:s1], [sflag:$0x1] =	stream.linear.gather [hbm4b:s6+s1], $0x80, $0x200038;
	[tilespmem:$0x10100] =	vst v63  }
0xd: {  	s15 =	simm.s32 $0x0;
	s16 =	simm.s32 $0x1;
	_ =	strace $0x9000005E  }
.LBB2_2:
0xe: {  	s17 =	smov.u32 s12;
	s12 =	sadd.s32 $0x1, s12  }
0xf: {  	p0 =	seq.s32 s12, $0x10  }
0x10: {  	s12 =	simm.s32 @p0 $0x0  }
0x11: {  	p6 =	sne.s32 s11, $0x1;
	p1 =	sne.s32 s17, s12  }
0x12: {  	p0 =	por !p6, !p1  }
0x13: {  	p0 =	por !p0, !p0  }
0x14: {  	s18 =	sadd.s32 @p0 s5, s12  }
0x15: {  	s19 =	sand.u32 @p0 $0x1, s16;
	s18 =	sshll.u32 @p0 s18, $0x4  }
0x16: {  	_ =	strace @p0 $0x8000005F;
	s21 =	simm.s32 @p0 $0x0;
	s18 =	sand.u32 @p0 $0x1FFFFFF0, s18  }
0x17: {  	s20 =	sshll.u32 @p0 s19, $0x7;
	s19 =	sadd.s32 @p0 $0x1, s19;
	s18 =	sadd.s32 @p0 s4, s18  }
0x18: {  	[tilespmem:s20], [sflag:s19] =	stream.linear.gather @p0 [hbm4b:s18+s21], $0x80, $0x200038;
	[tilespmem:$0x10100] =	vst v63  }
0x19: {  	s24 =	sand.u32 $0x1, s15;
	_ =	strace @p0 $0x9000005F  }
0x1a: {  	s18 =	sadd.s32 $0x1, s24;
	_ =	strace $0x80000060  }
0x1b: {  	_ =	swait.ge [sflag:s18], $0x80  }
0x1c: {  	[sflag:s18] =	ssyncset.done $0x0  }
0x1d: {  	[sflag:s18] =	ssyncadd.s32 $0xFFFFFF80  }
0x1e: {  	s25 =	sshll.u32 s15, $0x7;
	_ =	strace $0x90000060  }
0x1f: {  	s21 =	sand.u32 $0x80, s25;
	_ =	strace $0x80000061  }
0x20: {  	v3 =	vld [tilespmem:s21+$0x0];
	_ =	sdelay $0x4  }
0x21: {  	v4 =	vshll.u32 v3, $0x1  }
0x22: {  	v3 =	vand.u32 $0x7, v3;
	v4 =	vand.u32 $0xFFFFFFF0, v4  }
0x23: {  	v3 =	vor.u32 v3, v4  }
0x24: {  	v4 =	vperm.xlane v3, v0;
	_ =	sdelay $0x1  }
0x25: {  	v3 =	vperm.xlane v3, v2;
	v4 =	vadd.s32 v1, v4;
	_ =	sdelay $0x1  }
0x26: {  	s18 =	sand.u32 $0x1, s14;
	v3 =	vadd.s32 v1, v3  }
0x27: {  	s20 =	sshll.u32 s18, $0xF  }
0x28: {  	s19 =	sor.u32 $0x100, s20  }
0x29: {  	[tilespmem:s19], [sflag:$0x5] =	stream.indirect_vreg.gather [hbm4b:s3+s1], $0x80, v4, vm0, $0x2000b8;
	[tilespmem:$0x10100] =	vst v63  }
0x2a: {  	s22 =	sor.u32 $0x900, s20  }
0x2b: {  	[tilespmem:s22], [sflag:$0x5] =	stream.indirect_vreg.gather [hbm4b:s3+s1], $0x80, v3, vm0, $0x2000b8;
	[tilespmem:$0x10100] =	vst v63  }
0x2c: {  	v3 =	vld [tilespmem:s21+$0x10];
	_ =	sdelay $0x4  }
0x2d: {  	v57 =	vshll.u32 v3, $0x1  }
0x2e: {  	v3 =	vand.u32 $0x7, v3;
	v4 =	vand.u32 $0xFFFFFFF0, v57  }
0x2f: {  	v3 =	vor.u32 v3, v4  }
0x30: {  	v4 =	vperm.xlane v3, v0;
	_ =	sdelay $0x1  }
0x31: {  	v3 =	vperm.xlane v3, v2;
	v4 =	vadd.s32 v1, v4;
	_ =	sdelay $0x1  }
0x32: {  	v3 =	vadd.s32 v1, v3;
	_ =	sdelay $0x1  }
0x33: {  	s26 =	sor.u32 $0x1100, s20  }
0x34: {  	[tilespmem:s26], [sflag:$0x5] =	stream.indirect_vreg.gather [hbm4b:s3+s1], $0x80, v4, vm0, $0x2000b8;
	[tilespmem:$0x10100] =	vst v63  }
0x35: {  	s28 =	sor.u32 $0x1900, s20  }
0x36: {  	[tilespmem:s28], [sflag:$0x5] =	stream.indirect_vreg.gather [hbm4b:s3+s1], $0x80, v3, vm0, $0x2000b8;
	[tilespmem:$0x10100] =	vst v63  }
0x37: {  	v3 =	vld [tilespmem:s21+$0x20];
	_ =	sdelay $0x4  }
0x38: {  	v58 =	vshll.u32 v3, $0x1  }
0x39: {  	v3 =	vand.u32 $0x7, v3;
	v4 =	vand.u32 $0xFFFFFFF0, v58  }
0x3a: {  	v3 =	vor.u32 v3, v4  }
0x3b: {  	v4 =	vperm.xlane v3, v0;
	_ =	sdelay $0x1  }
0x3c: {  	v3 =	vperm.xlane v3, v2;
	v4 =	vadd.s32 v1, v4;
	_ =	sdelay $0x1  }
0x3d: {  	v3 =	vadd.s32 v1, v3;
	_ =	sdelay $0x1  }
0x3e: {  	s29 =	sor.u32 $0x2100, s20  }
0x3f: {  	[tilespmem:s29], [sflag:$0x5] =	stream.indirect_vreg.gather [hbm4b:s3+s1], $0x80, v4, vm0, $0x2000b8;
	[tilespmem:$0x10100] =	vst v63  }
0x40: {  	s30 =	sor.u32 $0x2900, s20  }
0x41: {  	[tilespmem:s30], [sflag:$0x5] =	stream.indirect_vreg.gather [hbm4b:s3+s1], $0x80, v3, vm0, $0x2000b8;
	[tilespmem:$0x10100] =	vst v63  }
0x42: {  	v3 =	vld [tilespmem:s21+$0x30];
	_ =	sdelay $0x4  }
0x43: {  	v59 =	vshll.u32 v3, $0x1  }
0x44: {  	v3 =	vand.u32 $0x7, v3;
	v4 =	vand.u32 $0xFFFFFFF0, v59  }
0x45: {  	v3 =	vor.u32 v3, v4  }
0x46: {  	v4 =	vperm.xlane v3, v0;
	_ =	sdelay $0x1  }
0x47: {  	v3 =	vperm.xlane v3, v2;
	v4 =	vadd.s32 v1, v4;
	_ =	sdelay $0x1  }
0x48: {  	v3 =	vadd.s32 v1, v3;
	_ =	sdelay $0x1  }
0x49: {  	s31 =	sor.u32 $0x3100, s20  }
0x4a: {  	[tilespmem:s31], [sflag:$0x5] =	stream.indirect_vreg.gather [hbm4b:s3+s1], $0x80, v4, vm0, $0x2000b8;
	[tilespmem:$0x10100] =	vst v63  }
0x4b: {  	s23 =	sor.u32 $0x3900, s20  }
0x4c: {  	[tilespmem:s23], [sflag:$0x5] =	stream.indirect_vreg.gather [hbm4b:s3+s1], $0x80, v3, vm0, $0x2000b8;
	[tilespmem:$0x10100] =	vst v63  }
0x4d: {  	v3 =	vld [tilespmem:s21+$0x40];
	_ =	sdelay $0x4  }
0x4e: {  	v60 =	vshll.u32 v3, $0x1  }
0x4f: {  	v3 =	vand.u32 $0x7, v3;
	v4 =	vand.u32 $0xFFFFFFF0, v60  }
0x50: {  	v3 =	vor.u32 v3, v4  }
0x51: {  	v4 =	vperm.xlane v3, v0;
	_ =	sdelay $0x1  }
0x52: {  	v3 =	vperm.xlane v3, v2;
	v4 =	vadd.s32 v1, v4;
	_ =	sdelay $0x1  }
0x53: {  	v3 =	vadd.s32 v1, v3;
	_ =	sdelay $0x1  }
0x54: {  	s24 =	sor.u32 $0x4100, s20  }
0x55: {  	[tilespmem:s24], [sflag:$0x5] =	stream.indirect_vreg.gather [hbm4b:s3+s1], $0x80, v4, vm0, $0x2000b8;
	[tilespmem:$0x10100] =	vst v63  }
0x56: {  	s25 =	sor.u32 $0x4900, s20  }
0x57: {  	[tilespmem:s25], [sflag:$0x5] =	stream.indirect_vreg.gather [hbm4b:s3+s1], $0x80, v3, vm0, $0x2000b8;
	[tilespmem:$0x10100] =	vst v63  }
0x58: {  	v3 =	vld [tilespmem:s21+$0x50];
	_ =	sdelay $0x4  }
0x59: {  	v61 =	vshll.u32 v3, $0x1  }
0x5a: {  	v3 =	vand.u32 $0x7, v3;
	v4 =	vand.u32 $0xFFFFFFF0, v61  }
0x5b: {  	v3 =	vor.u32 v3, v4  }
0x5c: {  	v4 =	vperm.xlane v3, v0;
	_ =	sdelay $0x1  }
0x5d: {  	v3 =	vperm.xlane v3, v2;
	v4 =	vadd.s32 v1, v4;
	_ =	sdelay $0x1  }
0x5e: {  	v3 =	vadd.s32 v1, v3;
	_ =	sdelay $0x1  }
0x5f: {  	s26 =	sor.u32 $0x5100, s20  }
0x60: {  	[tilespmem:s26], [sflag:$0x5] =	stream.indirect_vreg.gather [hbm4b:s3+s1], $0x80, v4, vm0, $0x2000b8;
	[tilespmem:$0x10100] =	vst v63  }
0x61: {  	s28 =	sor.u32 $0x5900, s20  }
0x62: {  	[tilespmem:s28], [sflag:$0x5] =	stream.indirect_vreg.gather [hbm4b:s3+s1], $0x80, v3, vm0, $0x2000b8;
	[tilespmem:$0x10100] =	vst v63  }
0x63: {  	v3 =	vld [tilespmem:s21+$0x60];
	_ =	sdelay $0x4  }
0x64: {  	v62 =	vshll.u32 v3, $0x1  }
0x65: {  	v3 =	vand.u32 $0x7, v3;
	v4 =	vand.u32 $0xFFFFFFF0, v62  }
0x66: {  	v3 =	vor.u32 v3, v4  }
0x67: {  	v4 =	vperm.xlane v3, v0;
	_ =	sdelay $0x1  }
0x68: {  	v3 =	vperm.xlane v3, v2;
	v4 =	vadd.s32 v1, v4;
	_ =	sdelay $0x1  }
0x69: {  	v3 =	vadd.s32 v1, v3;
	_ =	sdelay $0x1  }
0x6a: {  	s29 =	sor.u32 $0x6100, s20  }
0x6b: {  	[tilespmem:s29], [sflag:$0x5] =	stream.indirect_vreg.gather [hbm4b:s3+s1], $0x80, v4, vm0, $0x2000b8;
	[tilespmem:$0x10100] =	vst v63  }
0x6c: {  	s30 =	sor.u32 $0x6900, s20  }
0x6d: {  	[tilespmem:s30], [sflag:$0x5] =	stream.indirect_vreg.gather [hbm4b:s3+s1], $0x80, v3, vm0, $0x2000b8;
	[tilespmem:$0x10100] =	vst v63  }
0x6e: {  	v3 =	vld [tilespmem:s21+$0x70];
	_ =	sdelay $0x4  }
0x6f: {  	v63 =	vshll.u32 v3, $0x1  }
0x70: {  	v3 =	vand.u32 $0x7, v3;
	v4 =	vand.u32 $0xFFFFFFF0, v63  }
0x71: {  	v3 =	vor.u32 v3, v4  }
0x72: {  	v4 =	vperm.xlane v3, v0;
	_ =	sdelay $0x1  }
0x73: {  	v3 =	vperm.xlane v3, v2;
	v4 =	vadd.s32 v1, v4;
	_ =	sdelay $0x1  }
0x74: {  	v3 =	vadd.s32 v1, v3;
	_ =	sdelay $0x1  }
0x75: {  	s31 =	sor.u32 $0x7100, s20  }
0x76: {  	[tilespmem:s31], [sflag:$0x5] =	stream.indirect_vreg.gather [hbm4b:s3+s1], $0x80, v4, vm0, $0x2000b8;
	[tilespmem:$0x10100] =	vst v63  }
0x77: {  	s20 =	sor.u32 $0x7900, s20  }
0x78: {  	[tilespmem:s20], [sflag:$0x5] =	stream.indirect_vreg.gather [hbm4b:s3+s1], $0x80, v3, vm0, $0x2000b8;
	[tilespmem:$0x10100] =	vst v63  }
0x79: {  	_ =	swait.ge [sflag:s8], $0x8000  }
0x7a: {  	p2 =	seq.s32 s11, $0x1;
	[sflag:s8] =	ssyncset.done $0x0  }
0x7b: {  	s17 =	sadd.s32 s5, s17;
	p1 =	por p2, p1;
	[sflag:s8] =	ssyncadd.s32 $0xFFFF8000  }
0x7c: {  	s17 =	sshll.u32 @p1 s17, $0xC;
	_ =	strace $0x90000061  }
0x7d: {  	s17 =	sand.u32 @p1 $0x1FFFF000, s17;
	s21 =	simm.s32 $0x1;
	_ =	strace @p1 $0x80000062  }
0x7e: {  	s18 =	sadd.s32 @p1 $0x3, s18;
	s21 =	simm.s32 @!p0 $0x0;
	s20 =	rddreg [dreg:$0x2]  }
0x7f: {  	p0 =	seq.s32 s11, $0x10;
	s17 =	sadd.s32 @p1 s20, s17;
	s20 =	simm.s32 @p1 $0x0  }
0x80: {  	[hbm4b:s17+s20] =	stream.linear.scatter @p1 [tilespmem:s19], [sflag:s18], $0x8000, $0x200038;
	[tilespmem:$0x10100] =	vst v63  }
0x81: {  	s17 =	simm.s32 $0x1;
	s19 =	simm.s32 $0x1;
	_ =	strace @p1 $0x90000062  }
0x82: {  	s17 =	simm.s32 @!p1 $0x0;
	p1 =	sne.s32 s11, $0x10;
	s11 =	sadd.s32 $0xFFFFFFFF, s11  }
0x83: {  	s18 =	sand.u32 @!p0 $0x1, s13;
	s19 =	simm.s32 @!p1 $0x0;
	p1 =	sne.s32 s11, $0x0  }
.Ltmp0:
0x84: {  	s18 =	sadd.s32 @!p0 $0x3, s18;
	_ =	strace @!p0 $0x80000063;
	(pc) =	sbr.rel @p1 .LBB2_2-.Ltmp0, $4  }
0x85: {  	_ =	swait.ge @!p0 [sflag:s18], $0x8000  }
0x86: {  	[sflag:s18] =	ssyncset.done @!p0 $0x0  }
0x87: {  	s16 =	sadd.s32 s21, s16;
	s14 =	sadd.s32 s17, s14;
	[sflag:s18] =	ssyncadd.s32 @!p0 $0xFFFF8000  }
0x88: {  	s15 =	sadd.s32 s17, s15;
	s13 =	sadd.s32 s19, s13;
	_ =	strace @!p0 $0x90000063  }
0x89: {  	s10 =	sadd.s32 $0x1, s10  }
0x8a: {  	p0 =	sne.s32 s10, s7  }
.Ltmp1:
0x8b: {  	_ =	strace $0x80000064;
	(pc) =	sbr.rel @p0 .LBB2_1-.Ltmp1, $4  }
0x8c: {  	_ =	swait.ge [sflag:s9], $0x8000  }
0x8d: {  	[sflag:s9] =	ssyncset.done $0x0  }
0x8e: {  	[sflag:s9] =	ssyncadd.s32 $0xFFFF8000  }
0x8f: {  	_ =	strace $0x90000064  }
0x90: {  	_ =	sfence.sel $0x180000  }
0x91: {  	[bflag:$0x0] =	sbarrier.arrive $0xFFFF  }
0x92: {  	p0 =	sne.s32 s2, $0x0;
	_ =	strace $0x9000005D  }
0x93: {  	s0 =	sadd.s32 @!p0 $0x100000, s0;
	[bflag:$0x2] =	sbarrier.arrive $0xFFFF  }
0x94: {  	[sflag:s0] =	ssyncadd.tile.s32 @!p0 $0x1;
	_ =	shalt  }
.Lfunc_end2:
_tile_overlayer_lowered:
.L_overlay_start_2:
0x95: {  	(tag) =	ssettag $0x2  }
0x96: {  	s0 =	rddreg [dreg:$0x0];
	s2 =	stileid.u32  }
0x97: {  	s1 =	rddreg [dreg:$0x1];
	p0 =	sne.s32 s2, $0x0  }
0x98: {  	s3 =	rddreg [dreg:$0x2];
	[bflag:$0x3] =	sbarrier.arrive $0xFFFF;
	s2 =	simm.s32 @!p0 $0x1C01  }
0x99: {  	[timem:s3], [sflag:s2] =	dma.local @!p0 [hbm:s0], s1  }
0x9a: {  	s0 =	simm.s32 @!p0 $0x1  }
0x9b: {  	_ =	swait.ge @!p0 [sflag:s0], s1  }
0x9c: {  	s1 =	ssub.s32 @!p0 $0x0, s1;
	[sflag:s0] =	ssyncset.done @!p0 $0x0  }
0x9d: {  	[sflag:s0] =	ssyncadd.s32 @!p0 s1  }
0x9e: {  	[bflag:$0x3] =	sbarrier.arrive $0xFFFF  }
0x9f: {  	_ =	shalt  }

// kernel: kernel.8.cloned.1.call-start
scs
__scs_entry_jumppad:
0x0: {  	(pc) =	sbr.rel $0x88, $3  }
0x1: {  	(tag) =	ssettag $0x0;
	lr =	simm.s32 $0x1  }
0x2: {  	[smem:$0x3F9C] =	sst lr;
	_ =	strace $0xD0000000  }
0x3: {  	_ = 	snop  }
0x4: {  	_ = 	snop  }
0x5: {  	_ = 	snop  }
0x6: {  	_ = 	snop  }
0x7: {  	_ = 	snop  }
__scs_overlays_trampoline_lowered:
0x8: {  	[smem:$0x3FAB] =	sst s0  }
0x9: {  	[smem:$0x3FAC] =	sst s1  }
0xa: {  	[smem:$0x3FAD] =	sst s2  }
0xb: {  	[smem:$0x3FAE] =	sst s3  }
0xc: {  	[smem:$0x3FAF] =	sst s4  }
0xd: {  	[smem:$0x3FB0] =	sst s5  }
0xe: {  	[smem:$0x3FB1] =	sst s6  }
0xf: {  	[smem:$0x3FB2] =	sst s7  }
0x10: {  	[smem:$0x3FB3] =	sst s8  }
0x11: {  	[smem:$0x3FB4] =	sst s9;
	s0 =	simm.s32 @!p0 $0x0  }
0x12: {  	s1 =	sld [smem:$0x3F9A];
	s0 =	simm.s32 @p0 $0x1  }
0x13: {  	[smem:$0x3FB5] =	sst s0;
	s0 =	simm.s32 @!p1 $0x0  }
0x14: {  	s2 =	sld [smem:$0x3F99];
	s0 =	simm.s32 @p1 $0x1  }
0x15: {  	[smem:$0x3FB6] =	sst s0;
	s0 =	simm.s32 @!p2 $0x0  }
0x16: {  	s3 =	sld [smem:$0x3FDB];
	s0 =	simm.s32 @p2 $0x1  }
0x17: {  	s4 =	simm.s32 $0x1BF5;
	[smem:$0x3FB8] =	sst s0  }
0x18: {  	s0 =	sld [smem:$0x3F9B];
	_ =	swait.ge [sflag:s4], $0x0  }
0x19: {  	s7 =	sld [smem:$0x3F9C]  }
0x1a: {  	s8 =	sadd.s32 $0xFFFFE003, lr  }
0x1b: {  	s9 =	sadd.s32 $0xFFFFFEF7, lr;
	s5 =	simm.s32 $0xFFFFFFFF;
	p2 =	slt.u32 s8, $0xFFFFF086  }
0x1c: {  	p1 =	slt.u32 s9, $0xF7A;
	s5 =	simm.s32 @!p2 $0x0  }
0x1d: {  	s5 =	simm.s32 @p1 $0x1;
	p0 =	seq.s32 s7, s2  }
0x1e: {  	s7 =	smul.u32 @!p0 $0xF7A, s2;
	p2 =	seq.s32 @!p0 s5, $0x0  }
0x1f: {  	s9 =	smul.u32 $0xF7A, s1;
	s8 =	simm.s32 @!p0 $0x1BF5;
	p2 =	por !p2, p0  }
0x20: {  	[sflag:s8] =	ssyncset.s32 @!p0 $0xFFFFF086;
	s6 =	sadd.s32 @!p0 s3, s7;
	s7 =	simm.s32 @!p0 $0x108  }
0x21: {  	s3 =	sadd.s32 s3, s9;
	s6 =	sadd.s32 @!p0 $0x88, s6;
	s7 =	simm.s32 @p2 $0x1082  }
0x22: {  	[simem:s7], [sflag:s8] =	dma.local @!p0 [hbm:s6], $0xF7A  }
0x23: {  	s9 =	sor.u32 $0xD0000000, s2;
	s6 =	simm.s32 $0x108;
	_ =	swait.ge @!p0 [sflag:s8], $0x0  }
0x24: {  	s3 =	sadd.s32 $0x88, s3;
	s6 =	simm.s32 @!p1 $0x1082;
	[sflag:s4] =	ssyncset.s32 $0xFFFFF086  }
0x25: {  	[simem:s6], [sflag:s4] =	dma.local [hbm:s3], $0xF7A  }
0x26: {  	[smem:$0x3F9C] =	sst s1;
	(tag) =	ssettag s2;
	_ =	strace s9  }
0x27: {  	s1 =	sld [smem:$0x3FAC]  }
0x28: {  	s2 =	sld [smem:$0x3FAD]  }
0x29: {  	s4 =	sld [smem:$0x3FAF]  }
0x2a: {  	p0 =	seq.s32 s5, $0x0;
	s5 =	sld [smem:$0x3FB0]  }
0x2b: {  	s6 =	sld [smem:$0x3FB1]  }
0x2c: {  	s7 =	sld [smem:$0x3FB2]  }
0x2d: {  	s3 =	simm.s32 $0x108;
	s8 =	sld [smem:$0x3FB3]  }
0x2e: {  	s3 =	simm.s32 @!p0 $0x1082;
	s9 =	sld [smem:$0x3FB4]  }
0x2f: {  	lr =	sadd.s32 s0, s3;
	s0 =	sld [smem:$0x3FAB]  }
0x30: {  	s3 =	sld [smem:$0x3FAE]  }
0x31: {  	[smem:$0x3FB7] =	sst s10  }
0x32: {  	s10 =	sld [smem:$0x3FB5];
	_ =	sdelay $0x3  }
0x33: {  	p0 =	seq.s32 s10, $0x1;
	s10 =	sld [smem:$0x3FB7];
	_ =	sdelay $0x3  }
0x34: {  	[smem:$0x3FB7] =	sst s10  }
0x35: {  	s10 =	sld [smem:$0x3FB6];
	_ =	sdelay $0x3  }
0x36: {  	p1 =	seq.s32 s10, $0x1;
	s10 =	sld [smem:$0x3FB7];
	_ =	sdelay $0x3  }
0x37: {  	[smem:$0x3FB7] =	sst s10  }
0x38: {  	s10 =	sld [smem:$0x3FB8]  }
0x39: {  	_ = 	snop;
	(pc) =	sbr.ind lr, $3  }
0x3a: {  	_ = 	snop  }
0x3b: {  	_ = 	snop  }
0x3c: {  	p2 =	seq.s32 s10, $0x1;
	s10 =	sld [smem:$0x3FB7]  }
0x3d: {  	_ =	shalt  }
0x3e: {  	_ =	shalt  }
0x3f: {  	_ =	shalt  }
0x40: {  	_ =	shalt  }
0x41: {  	_ =	shalt  }
0x42: {  	_ =	shalt  }
0x43: {  	_ =	shalt  }
0x44: {  	_ =	shalt  }
0x45: {  	_ =	shalt  }
0x46: {  	_ =	shalt  }
0x47: {  	_ =	shalt  }
0x48: {  	_ =	shalt  }
0x49: {  	_ =	shalt  }
0x4a: {  	_ =	shalt  }
0x4b: {  	_ =	shalt  }
0x4c: {  	_ =	shalt  }
0x4d: {  	_ =	shalt  }
0x4e: {  	_ =	shalt  }
0x4f: {  	_ =	shalt  }
0x50: {  	_ =	shalt  }
0x51: {  	_ =	shalt  }
0x52: {  	_ =	shalt  }
0x53: {  	_ =	shalt  }
0x54: {  	_ =	shalt  }
0x55: {  	_ =	shalt  }
0x56: {  	_ =	shalt  }
0x57: {  	_ =	shalt  }
0x58: {  	_ =	shalt  }
0x59: {  	_ =	shalt  }
0x5a: {  	_ =	shalt  }
0x5b: {  	_ =	shalt  }
0x5c: {  	_ =	shalt  }
0x5d: {  	_ =	shalt  }
0x5e: {  	_ =	shalt  }
0x5f: {  	_ =	shalt  }
0x60: {  	_ =	shalt  }
0x61: {  	_ =	shalt  }
0x62: {  	_ =	shalt  }
0x63: {  	_ =	shalt  }
0x64: {  	_ =	shalt  }
0x65: {  	_ =	shalt  }
0x66: {  	_ =	shalt  }
0x67: {  	_ =	shalt  }
0x68: {  	_ =	shalt  }
0x69: {  	_ =	shalt  }
0x6a: {  	_ =	shalt  }
0x6b: {  	_ =	shalt  }
0x6c: {  	_ =	shalt  }
0x6d: {  	_ =	shalt  }
0x6e: {  	_ =	shalt  }
0x6f: {  	_ =	shalt  }
0x70: {  	_ =	shalt  }
0x71: {  	_ =	shalt  }
0x72: {  	_ =	shalt  }
0x73: {  	_ =	shalt  }
0x74: {  	_ =	shalt  }
0x75: {  	_ =	shalt  }
0x76: {  	_ =	shalt  }
0x77: {  	_ =	shalt  }
0x78: {  	_ =	shalt  }
0x79: {  	_ =	shalt  }
0x7a: {  	_ =	shalt  }
0x7b: {  	_ =	shalt  }
0x7c: {  	_ =	shalt  }
0x7d: {  	_ =	shalt  }
0x7e: {  	_ =	shalt  }
0x7f: {  	_ =	shalt  }
0x80: {  	_ =	shalt  }
0x81: {  	_ =	shalt  }
0x82: {  	_ =	shalt  }
0x83: {  	_ =	shalt  }
0x84: {  	_ =	shalt  }
0x85: {  	_ =	shalt  }
0x86: {  	_ =	shalt  }
0x87: {  	_ =	shalt  }
.Lfunc_end0:
.L_simem_size_0:
called_computation.1_lowered:
.L_overlay_start_0:
0x88: {  	s2 =	sld [smem:$0x3FD9]  }
0x89: {  	s3 =	sld [smem:$0x3FFE];
	_ =	sdelay $0x1  }
0x8a: {  	s1 =	srdreg.scid  }
0x8b: {  	s0 =	sand.u32 $0x1, s1  }
0x8c: {  	s16 =	sshll.u32 s0, $0xA;
	s2 =	sadd.s32 s3, s2  }
0x8d: {  	s2 =	sadd.s32 s2, s16  }
0x8e: {  	[smem:$0x3FC3] =	sst s2  }
0x8f: {  	_ = 	snop  }
0x90: {  	(tm) =	ssettm $0x1  }
0x91: {  	s17 =	sld [smem:$0x3FFB];
	_ =	sdelay $0x3  }
0x92: {  	_ =	strace s17  }
0x93: {  	s2 =	sld [smem:$0x3FFC];
	_ =	sdelay $0x3  }
0x94: {  	_ =	strace s2  }
0x95: {  	s2 =	sld [smem:$0x3FFD];
	_ =	sdelay $0x3  }
0x96: {  	_ =	strace s2  }
0x97: {  	_ =	strace $0x8FFFFFFF  }
0x98: {  	s18 =	sld [smem:$0x3FDB];
	_ =	sdelay $0x1  }
0x99: {  	s19 =	simm.s32 $_scs_section_size  }
0x9a: {  	s4 =	simm.s32 $_size__tile_overlayer_lowered;
	s5 =	simm.s32 $_tile_overlayer_lowered  }
0x9b: {  	s22 =	simm.s32 $0x1BFF;
	s21 =	sshll.u32 s5, $0x1;
	s2 =	sadd.s32 s19, s18  }
0x9c: {  	s6 =	simm.s32 $0x0;
	s20 =	sshll.u32 s4, $0x1;
	s4 =	sadd.s32 s21, s2  }
0x9d: {  	[timem:s6], [sflag:s22] =	dma.local [hbm:s4], s20  }
0x9e: {  	_ =	swait.ge [sflag:s22], s20  }
0x9f: {  	s3 =	ssub.s32 $0x0, s20;
	[sflag:s22] =	ssyncset.done $0x0  }
0xa0: {  	[sflag:s22] =	ssyncadd.s32 s3;
	_ =	sdelay $0x1  }
0xa1: {  	s23 =	simm.s32 $0x1B8B  }
0xa2: {  	_ =	swait.ge [sflag:s23], $0x1  }
0xa3: {  	[sflag:s23] =	ssyncset.done $0x0  }
0xa4: {  	s25 =	simm.s32 $0x1B8E;
	s24 =	sld [smem:$0x3FFE];
	[sflag:s23] =	ssyncadd.s32 $0xFFFFFFFF  }
0xa5: {  	s26 =	simm.s32 $execute0_lowered;
	[smem:$0x3FD2] =	sst s25  }
0xa6: {  	s4 =	sshll.u32 s26, $0x1;
	_ =	strace $0x80000046;
	[dreg:$0x1] =	wrdreg $0xFFFFFFFF  }
0xa7: {  	s28 =	simm.s32 $_size_execute0_lowered;
	s2 =	sadd.s32 s2, s4;
	[dreg:$0x0] =	wrdreg $0x0  }
0xa8: {  	s4 =	sshll.u32 s28, $0x1;
	[dreg:$0x2] =	wrdreg s2  }
0xa9: {  	[dreg:$0x3] =	wrdreg s4  }
0xaa: {  	[dreg:$0x4] =	wrdreg $0xC0  }
0xab: {  	_ =	task [dreg:s6], $0x5FFFF  }
0xac: {  	[dreg:$0x1] =	wrdreg $0xFFFFFFFF  }
0xad: {  	[dreg:$0x0] =	wrdreg $0x60  }
0xae: {  	[dreg:$0x2] =	wrdreg s24  }
0xaf: {  	[dreg:$0x3] =	wrdreg $0x9  }
0xb0: {  	_ =	task.clear_ibuf [dreg:s6], $0x4FFFF;
	_ =	strace $0x90000046  }
0xb1: {  	s29 =	simm.s32 $0x9;
	_ =	strace $0x8000004E  }
0xb2: {  	_ =	swait.ge [sflag:s29], $0x1  }
0xb3: {  	[sflag:s29] =	ssyncadd.s32 $0xFFFFFFFF  }
0xb4: {  	_ =	strace $0x9000004E  }
0xb5: {  	_ =	sfence  }
0xb6: {  	s30 =	sld [smem:$0x0];
	_ =	sdelay $0x2  }
0xb7: {  	s31 =	sshll.u32 s1, $0xD;
	s1 =	sshrl.u32 s1, $0x2  }
0xb8: {  	s3 =	sand.u32 $0x4000, s31;
	s1 =	sadd.s32 s1, s30  }
0xb9: {  	s0 =	sor.u32 s3, s0;
	s1 =	sshll.u32 s1, $0x11  }
0xba: {  	s0 =	sor.u32 s1, s0  }
0xbb: {  	s0 =	sadd.s32 $0x8F2B, s0  }
0xbc: {  	[sflag:s0] =	ssyncadd.remote.s32 $0x1  }
0xbd: {  	_ =	sfence.sel $0xFFFF  }
0xbe: {  	[dreg:$0x0] =	wrdreg $0xFFFFFFFF;
	(pc) =	sbr.abs _section_cstart, $3  }
0xbf: {  	[dreg:$0x1] =	wrdreg $0xFFFFFFFF  }
0xc0: {  	_ =	task.clear_ibuf [dreg:s6], $0x2FFFF;
	_ =	strace $0x9FFFFFFF  }
0xc1: {  	(tm) =	ssettm $0x7FFFFFFF  }
tec
execute0_lowered:
.L_overlay_start_1:
0x0: {  	(tag) =	ssettag $0x1  }
0x1: {  	s12 =	rddreg [dreg:$0x0];
	s1 =	srdreg.scid  }
0x2: {  	s0 =	rddreg [dreg:$0x1];
	s2 =	simm.s32 $0x0;
	s21 =	sand.u32 $0x1, s1  }
0x3: {  	[smem:$0x7FF] =	sst s2;
	s1 =	stileid.u32;
	s3 =	sshll.u32 s21, $0x4  }
0x4: {  	s19 =	sadd.s32 $0x8800, s12;
	_ =	strace $0x80000047;
	s22 =	sor.u32 s1, s3  }
0x5: {  	s20 =	sadd.s32 $0x8000, s12;
	_ =	strace $0x80000048;
	s3 =	sshll.u32 s22, $0xD  }
0x6: {  	s15 =	sshll.u32 s22, $0x2;
	s4 =	sshll.u32 s22, $0x6;
	s3 =	sadd.s32 s19, s3  }
0x7: {  	[tilespmem:s2], [sflag:$0x1] =	stream.linear.gather [hbm4b:s3+s2], $0x4000, $0x200038;
	[tilespmem:$0x8100] =	vst v63  }
0x8: {  	s5 =	simm.s32 $0x8000;
	s4 =	sadd.s32 s20, s4;
	s8 =	sor.u32 $0x1, s15  }
0x9: {  	[tilespmem:s5], [sflag:$0x3] =	stream.linear.gather [hbm4b:s4+s2], $0x80, $0x200038;
	[tilespmem:$0x8100] =	vst v63  }
0xa: {  	s6 =	sshll.u32 s8, $0xB;
	_ =	strace $0x90000048  }
0xb: {  	s7 =	simm.s32 $0x4000;
	s6 =	sadd.s32 s19, s6;
	_ =	strace $0x80000049  }
0xc: {  	[tilespmem:s7], [sflag:$0x2] =	stream.linear.gather [hbm4b:s6+s2], $0x4000, $0x200038;
	[tilespmem:$0x8100] =	vst v63  }
0xd: {  	s8 =	sshll.u32 s8, $0x4;
	_ =	strace $0x90000049  }
0xe: {  	s9 =	simm.s32 $0x8080;
	s8 =	sadd.s32 s20, s8;
	_ =	strace $0x8000004A  }
0xf: {  	[tilespmem:s9], [sflag:$0x4] =	stream.linear.gather [hbm4b:s8+s2], $0x80, $0x200038;
	[tilespmem:$0x8100] =	vst v63  }
0x10: {  	_ =	strace $0x9000004A  }
0x11: {  	s10 =	simm.s32 $0x1;
	_ =	strace $0x8000004B  }
0x12: {  	_ =	swait.ge [sflag:s10], $0x4000  }
0x13: {  	[sflag:s10] =	ssyncset.done $0x0  }
0x14: {  	[sflag:s10] =	ssyncadd.s32 $0xFFFFC000  }
0x15: {  	_ =	strace $0x9000004B  }
0x16: {  	s11 =	simm.s32 $0x3;
	_ =	strace $0x8000004C  }
0x17: {  	_ =	swait.ge [sflag:s11], $0x80  }
0x18: {  	[sflag:s11] =	ssyncset.done $0x0  }
0x19: {  	[sflag:s11] =	ssyncadd.s32 $0xFFFFFF80  }
0x1a: {  	s13 =	simm.s32 $0x80;
	_ =	strace $0x9000004C  }
0x1b: {  	s14 =	simm.s32 $0x5;
	s12 =	sadd.s32 $0x48800, s12;
	_ =	strace $0x8000004D  }
0x1c: {  	[hbm4b:s12+s13] =	stream.indirect.scatter [tilespmem:s2], [sflag:$0x5], $0x80, s5, s13, $0x2000b8;
	[tilespmem:$0x8100] =	vst v63  }
0x1d: {  	_ =	swait.ge [sflag:s14], $0x4000  }
0x1e: {  	[sflag:s14] =	ssyncset.done $0x0  }
0x1f: {  	s16 =	sor.u32 $0x2, s15;
	[sflag:s14] =	ssyncadd.s32 $0xFFFFC000  }
0x20: {  	s15 =	sshll.u32 s16, $0xB;
	_ =	strace $0x9000004D  }
0x21: {  	s15 =	sadd.s32 s19, s15;
	_ =	strace $0x80000049  }
0x22: {  	[tilespmem:s2], [sflag:$0x1] =	stream.linear.gather [hbm4b:s15+s2], $0x4000, $0x200038;
	[tilespmem:$0x8100] =	vst v63  }
0x23: {  	s16 =	sshll.u32 s16, $0x4;
	_ =	strace $0x90000049  }
0x24: {  	s16 =	sadd.s32 s20, s16;
	_ =	strace $0x8000004A  }
0x25: {  	[tilespmem:s5], [sflag:$0x3] =	stream.linear.gather [hbm4b:s16+s2], $0x80, $0x200038;
	[tilespmem:$0x8100] =	vst v63  }
0x26: {  	_ =	strace $0x9000004A  }
0x27: {  	s17 =	simm.s32 $0x2;
	_ =	strace $0x8000004B  }
0x28: {  	_ =	swait.ge [sflag:s17], $0x4000  }
0x29: {  	[sflag:s17] =	ssyncset.done $0x0  }
0x2a: {  	[sflag:s17] =	ssyncadd.s32 $0xFFFFC000  }
0x2b: {  	_ =	strace $0x9000004B  }
0x2c: {  	s18 =	simm.s32 $0x4;
	_ =	strace $0x8000004C  }
0x2d: {  	_ =	swait.ge [sflag:s18], $0x80  }
0x2e: {  	[sflag:s18] =	ssyncset.done $0x0  }
0x2f: {  	[sflag:s18] =	ssyncadd.s32 $0xFFFFFF80  }
0x30: {  	_ =	strace $0x9000004C  }
0x31: {  	_ =	strace $0x8000004D  }
0x32: {  	[hbm4b:s12+s13] =	stream.indirect.scatter [tilespmem:s7], [sflag:$0x5], $0x80, s9, s13, $0x2000b8;
	[tilespmem:$0x8100] =	vst v63  }
0x33: {  	_ =	swait.ge [sflag:s14], $0x4000  }
0x34: {  	[sflag:s14] =	ssyncset.done $0x0  }
0x35: {  	s22 =	sshllo.u32 s22, $0x2;
	[sflag:s14] =	ssyncadd.s32 $0xFFFFC000  }
0x36: {  	s23 =	sshll.u32 s22, $0xB;
	_ =	strace $0x9000004D  }
0x37: {  	s19 =	sadd.s32 s19, s23;
	_ =	strace $0x80000049  }
0x38: {  	[tilespmem:s7], [sflag:$0x2] =	stream.linear.gather [hbm4b:s19+s2], $0x4000, $0x200038;
	[tilespmem:$0x8100] =	vst v63  }
0x39: {  	s22 =	sshll.u32 s22, $0x4;
	_ =	strace $0x90000049  }
0x3a: {  	s20 =	sadd.s32 s20, s22;
	_ =	strace $0x8000004A  }
0x3b: {  	[tilespmem:s9], [sflag:$0x4] =	stream.linear.gather [hbm4b:s20+s2], $0x80, $0x200038;
	[tilespmem:$0x8100] =	vst v63  }
0x3c: {  	_ =	strace $0x9000004A  }
0x3d: {  	_ =	strace $0x8000004B  }
0x3e: {  	_ =	swait.ge [sflag:s10], $0x4000  }
0x3f: {  	[sflag:s10] =	ssyncset.done $0x0  }
0x40: {  	[sflag:s10] =	ssyncadd.s32 $0xFFFFC000  }
0x41: {  	_ =	strace $0x9000004B  }
0x42: {  	_ =	strace $0x8000004C  }
0x43: {  	_ =	swait.ge [sflag:s11], $0x80  }
0x44: {  	[sflag:s11] =	ssyncset.done $0x0  }
0x45: {  	[sflag:s11] =	ssyncadd.s32 $0xFFFFFF80  }
0x46: {  	_ =	strace $0x9000004C  }
0x47: {  	_ =	strace $0x8000004D  }
0x48: {  	[hbm4b:s12+s13] =	stream.indirect.scatter [tilespmem:s2], [sflag:$0x5], $0x80, s5, s13, $0x2000b8;
	[tilespmem:$0x8100] =	vst v63  }
0x49: {  	_ =	swait.ge [sflag:s14], $0x4000  }
0x4a: {  	[sflag:s14] =	ssyncset.done $0x0  }
0x4b: {  	[sflag:s14] =	ssyncadd.s32 $0xFFFFC000  }
0x4c: {  	_ =	strace $0x9000004D  }
0x4d: {  	_ =	strace $0x8000004B  }
0x4e: {  	_ =	swait.ge [sflag:s17], $0x4000  }
0x4f: {  	[sflag:s17] =	ssyncset.done $0x0  }
0x50: {  	[sflag:s17] =	ssyncadd.s32 $0xFFFFC000  }
0x51: {  	_ =	strace $0x9000004B  }
0x52: {  	s21 =	ssub.s32 $0x2, s21;
	_ =	strace $0x8000004C  }
0x53: {  	s31 =	sshrl.u32 s21, $0x1;
	_ =	swait.ge [sflag:s18], $0x80  }
0x54: {  	s21 =	ssub.s32 s21, s31;
	[sflag:s18] =	ssyncset.done $0x0  }
0x55: {  	s21 =	smax.u32 s21, $0x1;
	[sflag:s18] =	ssyncadd.s32 $0xFFFFFF80  }
0x56: {  	p0 =	sne.s32 s21, $0x1;
	_ =	strace $0x9000004C  }
.Ltmp0:
0x57: {  	_ =	strace $0x8000004D;
	(pc) =	sbr.rel @!p0 .LBB2_2-.Ltmp0, $4  }
0x58: {  	[hbm4b:s12+s13] =	stream.indirect.scatter [tilespmem:s7], [sflag:$0x5], $0x80, s9, s13, $0x2000b8;
	[tilespmem:$0x8100] =	vst v63  }
0x59: {  	_ =	swait.ge [sflag:s14], $0x4000  }
0x5a: {  	[sflag:s14] =	ssyncset.done $0x0  }
0x5b: {  	s21 =	sadd.s32 $0xFFFFFFFF, s21;
	[sflag:s14] =	ssyncadd.s32 $0xFFFFC000  }
.LBB2_1:
0x5c: {  	p0 =	sne.s32 s21, $0x1;
	s21 =	sadd.s32 $0xFFFFFFFF, s21;
	_ =	strace $0x9000004D  }
0x5d: {  	_ =	strace $0x80000048  }
0x5e: {  	[tilespmem:s2], [sflag:$0x1] =	stream.linear.gather [hbm4b:s3+s2], $0x4000, $0x200038;
	[tilespmem:$0x8100] =	vst v63  }
0x5f: {  	_ = 	snop  }
0x60: {  	[tilespmem:s5], [sflag:$0x3] =	stream.linear.gather [hbm4b:s4+s2], $0x80, $0x200038;
	[tilespmem:$0x8100] =	vst v63  }
0x61: {  	_ =	strace $0x90000048  }
0x62: {  	_ =	strace $0x80000049  }
0x63: {  	[tilespmem:s7], [sflag:$0x2] =	stream.linear.gather [hbm4b:s6+s2], $0x4000, $0x200038;
	[tilespmem:$0x8100] =	vst v63  }
0x64: {  	_ =	strace $0x90000049  }
0x65: {  	_ =	strace $0x8000004A  }
0x66: {  	[tilespmem:s9], [sflag:$0x4] =	stream.linear.gather [hbm4b:s8+s2], $0x80, $0x200038;
	[tilespmem:$0x8100] =	vst v63  }
0x67: {  	_ =	strace $0x9000004A  }
0x68: {  	_ =	strace $0x8000004B  }
0x69: {  	_ =	swait.ge [sflag:s10], $0x4000  }
0x6a: {  	[sflag:s10] =	ssyncset.done $0x0  }
0x6b: {  	[sflag:s10] =	ssyncadd.s32 $0xFFFFC000  }
0x6c: {  	_ =	strace $0x9000004B  }
0x6d: {  	_ =	strace $0x8000004C  }
0x6e: {  	_ =	swait.ge [sflag:s11], $0x80  }
0x6f: {  	[sflag:s11] =	ssyncset.done $0x0  }
0x70: {  	[sflag:s11] =	ssyncadd.s32 $0xFFFFFF80  }
0x71: {  	_ =	strace $0x9000004C  }
0x72: {  	_ =	strace $0x8000004D  }
0x73: {  	[hbm4b:s12+s13] =	stream.indirect.scatter [tilespmem:s2], [sflag:$0x5], $0x80, s5, s13, $0x2000b8;
	[tilespmem:$0x8100] =	vst v63  }
0x74: {  	_ =	swait.ge [sflag:s14], $0x4000  }
0x75: {  	[sflag:s14] =	ssyncset.done $0x0  }
0x76: {  	[sflag:s14] =	ssyncadd.s32 $0xFFFFC000  }
0x77: {  	_ =	strace $0x9000004D  }
0x78: {  	_ =	strace $0x80000049  }
0x79: {  	[tilespmem:s2], [sflag:$0x1] =	stream.linear.gather [hbm4b:s15+s2], $0x4000, $0x200038;
	[tilespmem:$0x8100] =	vst v63  }
0x7a: {  	_ =	strace $0x90000049  }
0x7b: {  	_ =	strace $0x8000004A  }
0x7c: {  	[tilespmem:s5], [sflag:$0x3] =	stream.linear.gather [hbm4b:s16+s2], $0x80, $0x200038;
	[tilespmem:$0x8100] =	vst v63  }
0x7d: {  	_ =	strace $0x9000004A  }
0x7e: {  	_ =	strace $0x8000004B  }
0x7f: {  	_ =	swait.ge [sflag:s17], $0x4000  }
0x80: {  	[sflag:s17] =	ssyncset.done $0x0  }
0x81: {  	[sflag:s17] =	ssyncadd.s32 $0xFFFFC000  }
0x82: {  	_ =	strace $0x9000004B  }
0x83: {  	_ =	strace $0x8000004C  }
0x84: {  	_ =	swait.ge [sflag:s18], $0x80  }
0x85: {  	[sflag:s18] =	ssyncset.done $0x0  }
0x86: {  	[sflag:s18] =	ssyncadd.s32 $0xFFFFFF80  }
0x87: {  	_ =	strace $0x9000004C  }
0x88: {  	_ =	strace $0x8000004D  }
0x89: {  	[hbm4b:s12+s13] =	stream.indirect.scatter [tilespmem:s7], [sflag:$0x5], $0x80, s9, s13, $0x2000b8;
	[tilespmem:$0x8100] =	vst v63  }
0x8a: {  	_ =	swait.ge [sflag:s14], $0x4000  }
0x8b: {  	[sflag:s14] =	ssyncset.done $0x0  }
0x8c: {  	[sflag:s14] =	ssyncadd.s32 $0xFFFFC000  }
0x8d: {  	_ =	strace $0x9000004D  }
0x8e: {  	_ =	strace $0x80000049  }
0x8f: {  	[tilespmem:s7], [sflag:$0x2] =	stream.linear.gather [hbm4b:s19+s2], $0x4000, $0x200038;
	[tilespmem:$0x8100] =	vst v63  }
0x90: {  	_ =	strace $0x90000049  }
0x91: {  	_ =	strace $0x8000004A  }
0x92: {  	[tilespmem:s9], [sflag:$0x4] =	stream.linear.gather [hbm4b:s20+s2], $0x80, $0x200038;
	[tilespmem:$0x8100] =	vst v63  }
0x93: {  	_ =	strace $0x9000004A  }
0x94: {  	_ =	strace $0x8000004B  }
0x95: {  	_ =	swait.ge [sflag:s10], $0x4000  }
0x96: {  	[sflag:s10] =	ssyncset.done $0x0  }
0x97: {  	[sflag:s10] =	ssyncadd.s32 $0xFFFFC000  }
0x98: {  	_ =	strace $0x9000004B  }
0x99: {  	_ =	strace $0x8000004C  }
0x9a: {  	_ =	swait.ge [sflag:s11], $0x80  }
0x9b: {  	[sflag:s11] =	ssyncset.done $0x0  }
0x9c: {  	[sflag:s11] =	ssyncadd.s32 $0xFFFFFF80  }
0x9d: {  	_ =	strace $0x9000004C  }
0x9e: {  	_ =	strace $0x8000004D  }
0x9f: {  	[hbm4b:s12+s13] =	stream.indirect.scatter [tilespmem:s2], [sflag:$0x5], $0x80, s5, s13, $0x2000b8;
	[tilespmem:$0x8100] =	vst v63  }
0xa0: {  	_ =	swait.ge [sflag:s14], $0x4000  }
0xa1: {  	[sflag:s14] =	ssyncset.done $0x0  }
0xa2: {  	[sflag:s14] =	ssyncadd.s32 $0xFFFFC000  }
0xa3: {  	_ =	strace $0x9000004D  }
0xa4: {  	_ =	strace $0x8000004B  }
0xa5: {  	_ =	swait.ge [sflag:s17], $0x4000  }
0xa6: {  	[sflag:s17] =	ssyncset.done $0x0  }
0xa7: {  	[sflag:s17] =	ssyncadd.s32 $0xFFFFC000  }
0xa8: {  	_ =	strace $0x9000004B  }
0xa9: {  	_ =	strace $0x8000004C  }
0xaa: {  	_ =	swait.ge [sflag:s18], $0x80  }
0xab: {  	[sflag:s18] =	ssyncset.done $0x0  }
0xac: {  	[sflag:s18] =	ssyncadd.s32 $0xFFFFFF80  }
0xad: {  	_ =	strace $0x9000004C  }
.Ltmp1:
0xae: {  	_ =	strace $0x8000004D;
	(pc) =	sbr.rel @p0 .LBB2_1-.Ltmp1, $4  }
0xaf: {  	[hbm4b:s12+s13] =	stream.indirect.scatter [tilespmem:s7], [sflag:$0x5], $0x80, s9, s13, $0x2000b8;
	[tilespmem:$0x8100] =	vst v63  }
0xb0: {  	_ =	swait.ge [sflag:s14], $0x4000  }
0xb1: {  	[sflag:s14] =	ssyncset.done $0x0  }
0xb2: {  	[sflag:s14] =	ssyncadd.s32 $0xFFFFC000  }
.LBB2_2:
0xb3: {  	_ =	strace $0x9000004D  }
0xb4: {  	_ =	sfence.sel $0x180000  }
0xb5: {  	[bflag:$0x0] =	sbarrier.arrive $0xFFFF  }
0xb6: {  	p0 =	sne.s32 s1, $0x0;
	_ =	strace $0x90000047  }
0xb7: {  	s0 =	sadd.s32 @!p0 $0x100000, s0;
	[bflag:$0x2] =	sbarrier.arrive $0xFFFF  }
0xb8: {  	[sflag:s0] =	ssyncadd.tile.s32 @!p0 $0x1;
	_ =	shalt  }
.Lfunc_end2:
_tile_overlayer_lowered:
.L_overlay_start_2:
0xb9: {  	(tag) =	ssettag $0x2  }
0xba: {  	s0 =	rddreg [dreg:$0x0];
	s2 =	stileid.u32  }
0xbb: {  	s1 =	rddreg [dreg:$0x1];
	p0 =	sne.s32 s2, $0x0  }
0xbc: {  	s3 =	rddreg [dreg:$0x2];
	[bflag:$0x3] =	sbarrier.arrive $0xFFFF;
	s2 =	simm.s32 @!p0 $0x1C01  }
0xbd: {  	[timem:s3], [sflag:s2] =	dma.local @!p0 [hbm:s0], s1  }
0xbe: {  	s0 =	simm.s32 @!p0 $0x1  }
0xbf: {  	_ =	swait.ge @!p0 [sflag:s0], s1  }
0xc0: {  	s1 =	ssub.s32 @!p0 $0x0, s1;
	[sflag:s0] =	ssyncset.done @!p0 $0x0  }
0xc1: {  	[sflag:s0] =	ssyncadd.s32 @!p0 s1  }
0xc2: {  	[bflag:$0x3] =	sbarrier.arrive $0xFFFF  }
0xc3: {  	_ =	shalt  }

// kernel: scatter_offload_async_start
scs
__scs_entry_jumppad:
0x0: {  	(pc) =	sbr.rel $0x88, $3  }
0x1: {  	(tag) =	ssettag $0x0;
	lr =	simm.s32 $0x1  }
0x2: {  	[smem:$0x3F9C] =	sst lr;
	_ =	strace $0xD0000000  }
0x3: {  	_ = 	snop  }
0x4: {  	_ = 	snop  }
0x5: {  	_ = 	snop  }
0x6: {  	_ = 	snop  }
0x7: {  	_ = 	snop  }
__scs_overlays_trampoline_lowered:
0x8: {  	[smem:$0x3FAB] =	sst s0  }
0x9: {  	[smem:$0x3FAC] =	sst s1  }
0xa: {  	[smem:$0x3FAD] =	sst s2  }
0xb: {  	[smem:$0x3FAE] =	sst s3  }
0xc: {  	[smem:$0x3FAF] =	sst s4  }
0xd: {  	[smem:$0x3FB0] =	sst s5  }
0xe: {  	[smem:$0x3FB1] =	sst s6  }
0xf: {  	[smem:$0x3FB2] =	sst s7  }
0x10: {  	[smem:$0x3FB3] =	sst s8  }
0x11: {  	[smem:$0x3FB4] =	sst s9;
	s0 =	simm.s32 @!p0 $0x0  }
0x12: {  	s1 =	sld [smem:$0x3F9A];
	s0 =	simm.s32 @p0 $0x1  }
0x13: {  	[smem:$0x3FB5] =	sst s0;
	s0 =	simm.s32 @!p1 $0x0  }
0x14: {  	s2 =	sld [smem:$0x3F99];
	s0 =	simm.s32 @p1 $0x1  }
0x15: {  	[smem:$0x3FB6] =	sst s0;
	s0 =	simm.s32 @!p2 $0x0  }
0x16: {  	s3 =	sld [smem:$0x3FDB];
	s0 =	simm.s32 @p2 $0x1  }
0x17: {  	s4 =	simm.s32 $0x1BF5;
	[smem:$0x3FB8] =	sst s0  }
0x18: {  	s0 =	sld [smem:$0x3F9B];
	_ =	swait.ge [sflag:s4], $0x0  }
0x19: {  	s7 =	sld [smem:$0x3F9C]  }
0x1a: {  	s8 =	sadd.s32 $0xFFFFE003, lr  }
0x1b: {  	s9 =	sadd.s32 $0xFFFFFEF7, lr;
	s5 =	simm.s32 $0xFFFFFFFF;
	p2 =	slt.u32 s8, $0xFFFFF086  }
0x1c: {  	p1 =	slt.u32 s9, $0xF7A;
	s5 =	simm.s32 @!p2 $0x0  }
0x1d: {  	s5 =	simm.s32 @p1 $0x1;
	p0 =	seq.s32 s7, s2  }
0x1e: {  	s7 =	smul.u32 @!p0 $0xF7A, s2;
	p2 =	seq.s32 @!p0 s5, $0x0  }
0x1f: {  	s9 =	smul.u32 $0xF7A, s1;
	s8 =	simm.s32 @!p0 $0x1BF5;
	p2 =	por !p2, p0  }
0x20: {  	[sflag:s8] =	ssyncset.s32 @!p0 $0xFFFFF086;
	s6 =	sadd.s32 @!p0 s3, s7;
	s7 =	simm.s32 @!p0 $0x108  }
0x21: {  	s3 =	sadd.s32 s3, s9;
	s6 =	sadd.s32 @!p0 $0x88, s6;
	s7 =	simm.s32 @p2 $0x1082  }
0x22: {  	[simem:s7], [sflag:s8] =	dma.local @!p0 [hbm:s6], $0xF7A  }
0x23: {  	s9 =	sor.u32 $0xD0000000, s2;
	s6 =	simm.s32 $0x108;
	_ =	swait.ge @!p0 [sflag:s8], $0x0  }
0x24: {  	s3 =	sadd.s32 $0x88, s3;
	s6 =	simm.s32 @!p1 $0x1082;
	[sflag:s4] =	ssyncset.s32 $0xFFFFF086  }
0x25: {  	[simem:s6], [sflag:s4] =	dma.local [hbm:s3], $0xF7A  }
0x26: {  	[smem:$0x3F9C] =	sst s1;
	(tag) =	ssettag s2;
	_ =	strace s9  }
0x27: {  	s1 =	sld [smem:$0x3FAC]  }
0x28: {  	s2 =	sld [smem:$0x3FAD]  }
0x29: {  	s4 =	sld [smem:$0x3FAF]  }
0x2a: {  	p0 =	seq.s32 s5, $0x0;
	s5 =	sld [smem:$0x3FB0]  }
0x2b: {  	s6 =	sld [smem:$0x3FB1]  }
0x2c: {  	s7 =	sld [smem:$0x3FB2]  }
0x2d: {  	s3 =	simm.s32 $0x108;
	s8 =	sld [smem:$0x3FB3]  }
0x2e: {  	s3 =	simm.s32 @!p0 $0x1082;
	s9 =	sld [smem:$0x3FB4]  }
0x2f: {  	lr =	sadd.s32 s0, s3;
	s0 =	sld [smem:$0x3FAB]  }
0x30: {  	s3 =	sld [smem:$0x3FAE]  }
0x31: {  	[smem:$0x3FB7] =	sst s10  }
0x32: {  	s10 =	sld [smem:$0x3FB5];
	_ =	sdelay $0x3  }
0x33: {  	p0 =	seq.s32 s10, $0x1;
	s10 =	sld [smem:$0x3FB7];
	_ =	sdelay $0x3  }
0x34: {  	[smem:$0x3FB7] =	sst s10  }
0x35: {  	s10 =	sld [smem:$0x3FB6];
	_ =	sdelay $0x3  }
0x36: {  	p1 =	seq.s32 s10, $0x1;
	s10 =	sld [smem:$0x3FB7];
	_ =	sdelay $0x3  }
0x37: {  	[smem:$0x3FB7] =	sst s10  }
0x38: {  	s10 =	sld [smem:$0x3FB8]  }
0x39: {  	_ = 	snop;
	(pc) =	sbr.ind lr, $3  }
0x3a: {  	_ = 	snop  }
0x3b: {  	_ = 	snop  }
0x3c: {  	p2 =	seq.s32 s10, $0x1;
	s10 =	sld [smem:$0x3FB7]  }
0x3d: {  	_ =	shalt  }
0x3e: {  	_ =	shalt  }
0x3f: {  	_ =	shalt  }
0x40: {  	_ =	shalt  }
0x41: {  	_ =	shalt  }
0x42: {  	_ =	shalt  }
0x43: {  	_ =	shalt  }
0x44: {  	_ =	shalt  }
0x45: {  	_ =	shalt  }
0x46: {  	_ =	shalt  }
0x47: {  	_ =	shalt  }
0x48: {  	_ =	shalt  }
0x49: {  	_ =	shalt  }
0x4a: {  	_ =	shalt  }
0x4b: {  	_ =	shalt  }
0x4c: {  	_ =	shalt  }
0x4d: {  	_ =	shalt  }
0x4e: {  	_ =	shalt  }
0x4f: {  	_ =	shalt  }
0x50: {  	_ =	shalt  }
0x51: {  	_ =	shalt  }
0x52: {  	_ =	shalt  }
0x53: {  	_ =	shalt  }
0x54: {  	_ =	shalt  }
0x55: {  	_ =	shalt  }
0x56: {  	_ =	shalt  }
0x57: {  	_ =	shalt  }
0x58: {  	_ =	shalt  }
0x59: {  	_ =	shalt  }
0x5a: {  	_ =	shalt  }
0x5b: {  	_ =	shalt  }
0x5c: {  	_ =	shalt  }
0x5d: {  	_ =	shalt  }
0x5e: {  	_ =	shalt  }
0x5f: {  	_ =	shalt  }
0x60: {  	_ =	shalt  }
0x61: {  	_ =	shalt  }
0x62: {  	_ =	shalt  }
0x63: {  	_ =	shalt  }
0x64: {  	_ =	shalt  }
0x65: {  	_ =	shalt  }
0x66: {  	_ =	shalt  }
0x67: {  	_ =	shalt  }
0x68: {  	_ =	shalt  }
0x69: {  	_ =	shalt  }
0x6a: {  	_ =	shalt  }
0x6b: {  	_ =	shalt  }
0x6c: {  	_ =	shalt  }
0x6d: {  	_ =	shalt  }
0x6e: {  	_ =	shalt  }
0x6f: {  	_ =	shalt  }
0x70: {  	_ =	shalt  }
0x71: {  	_ =	shalt  }
0x72: {  	_ =	shalt  }
0x73: {  	_ =	shalt  }
0x74: {  	_ =	shalt  }
0x75: {  	_ =	shalt  }
0x76: {  	_ =	shalt  }
0x77: {  	_ =	shalt  }
0x78: {  	_ =	shalt  }
0x79: {  	_ =	shalt  }
0x7a: {  	_ =	shalt  }
0x7b: {  	_ =	shalt  }
0x7c: {  	_ =	shalt  }
0x7d: {  	_ =	shalt  }
0x7e: {  	_ =	shalt  }
0x7f: {  	_ =	shalt  }
0x80: {  	_ =	shalt  }
0x81: {  	_ =	shalt  }
0x82: {  	_ =	shalt  }
0x83: {  	_ =	shalt  }
0x84: {  	_ =	shalt  }
0x85: {  	_ =	shalt  }
0x86: {  	_ =	shalt  }
0x87: {  	_ =	shalt  }
.Lfunc_end0:
.L_simem_size_0:
called_computation_lowered:
.L_overlay_start_0:
0x88: {  	s0 =	sld [smem:$0x3FD9]  }
0x89: {  	s1 =	sld [smem:$0x3FFE];
	_ =	sdelay $0x3  }
0x8a: {  	s0 =	sadd.s32 s1, s0  }
0x8b: {  	[smem:$0x3FC3] =	sst s0  }
0x8c: {  	_ = 	snop  }
0x8d: {  	(tm) =	ssettm $0x1  }
0x8e: {  	s15 =	sld [smem:$0x3FFB];
	_ =	sdelay $0x3  }
0x8f: {  	_ =	strace s15  }
0x90: {  	s0 =	sld [smem:$0x3FFC];
	_ =	sdelay $0x3  }
0x91: {  	_ =	strace s0  }
0x92: {  	s0 =	sld [smem:$0x3FFD];
	_ =	sdelay $0x3  }
0x93: {  	_ =	strace s0  }
0x94: {  	_ =	strace $0x8FFFFFFF  }
0x95: {  	s16 =	sld [smem:$0x3FDB];
	_ =	sdelay $0x1  }
0x96: {  	s17 =	simm.s32 $_scs_section_size  }
0x97: {  	s2 =	simm.s32 $_size__tile_overlayer_lowered;
	s3 =	simm.s32 $_tile_overlayer_lowered  }
0x98: {  	s20 =	simm.s32 $0x1BFF;
	s19 =	sshll.u32 s3, $0x1;
	s0 =	sadd.s32 s17, s16  }
0x99: {  	s4 =	simm.s32 $0x0;
	s18 =	sshll.u32 s2, $0x1;
	s2 =	sadd.s32 s19, s0  }
0x9a: {  	[timem:s4], [sflag:s20] =	dma.local [hbm:s2], s18  }
0x9b: {  	_ =	swait.ge [sflag:s20], s18  }
0x9c: {  	s1 =	ssub.s32 $0x0, s18;
	[sflag:s20] =	ssyncset.done $0x0  }
0x9d: {  	[sflag:s20] =	ssyncadd.s32 s1;
	_ =	sdelay $0x1  }
0x9e: {  	s21 =	simm.s32 $0x1B8B  }
0x9f: {  	_ =	swait.ge [sflag:s21], $0x1  }
0xa0: {  	[sflag:s21] =	ssyncset.done $0x0  }
0xa1: {  	s23 =	simm.s32 $0x1B8E;
	s22 =	sld [smem:$0x3FFE];
	[sflag:s21] =	ssyncadd.s32 $0xFFFFFFFF  }
0xa2: {  	s24 =	simm.s32 $execute0_lowered;
	[smem:$0x3FD2] =	sst s23  }
0xa3: {  	s2 =	sshll.u32 s24, $0x1;
	_ =	strace $0x8000004F;
	[dreg:$0x1] =	wrdreg $0xFFFFFFFF  }
0xa4: {  	s25 =	simm.s32 $_size_execute0_lowered;
	s0 =	sadd.s32 s0, s2;
	[dreg:$0x0] =	wrdreg $0x0  }
0xa5: {  	s2 =	sshll.u32 s25, $0x1;
	[dreg:$0x2] =	wrdreg s0  }
0xa6: {  	[dreg:$0x3] =	wrdreg s2  }
0xa7: {  	[dreg:$0x4] =	wrdreg $0xC0  }
0xa8: {  	_ =	task [dreg:s4], $0x5FFFF  }
0xa9: {  	[dreg:$0x1] =	wrdreg $0xFFFFFFFF  }
0xaa: {  	[dreg:$0x0] =	wrdreg $0x60  }
0xab: {  	[dreg:$0x2] =	wrdreg s22  }
0xac: {  	[dreg:$0x3] =	wrdreg $0x9  }
0xad: {  	_ =	task.clear_ibuf [dreg:s4], $0x4FFFF;
	_ =	strace $0x9000004F  }
0xae: {  	s26 =	simm.s32 $0x9;
	_ =	strace $0x80000051  }
0xaf: {  	_ =	swait.ge [sflag:s26], $0x1  }
0xb0: {  	[sflag:s26] =	ssyncadd.s32 $0xFFFFFFFF  }
0xb1: {  	_ =	strace $0x90000051  }
0xb2: {  	_ =	sfence  }
0xb3: {  	s28 =	sld [smem:$0x0];
	_ =	sdelay $0x1  }
0xb4: {  	s29 =	srdreg.scid  }
0xb5: {  	s30 =	sshll.u32 s29, $0xD;
	s31 =	sshrl.u32 s29, $0x2  }
0xb6: {  	s1 =	sand.u32 $0x1, s29;
	s2 =	sand.u32 $0x4000, s30;
	s0 =	sadd.s32 s31, s28  }
0xb7: {  	s1 =	sor.u32 s2, s1;
	s0 =	sshll.u32 s0, $0x11  }
0xb8: {  	s0 =	sor.u32 s0, s1  }
0xb9: {  	s0 =	sadd.s32 $0x8F2B, s0  }
0xba: {  	[sflag:s0] =	ssyncadd.remote.s32 $0x1  }
0xbb: {  	_ =	sfence.sel $0xFFFF  }
0xbc: {  	[dreg:$0x0] =	wrdreg $0xFFFFFFFF;
	(pc) =	sbr.abs _section_cstart, $3  }
0xbd: {  	[dreg:$0x1] =	wrdreg $0xFFFFFFFF  }
0xbe: {  	_ =	task.clear_ibuf [dreg:s4], $0x2FFFF;
	_ =	strace $0x9FFFFFFF  }
0xbf: {  	(tm) =	ssettm $0x7FFFFFFF  }
tec
execute0_lowered:
.L_overlay_start_1:
0x0: {  	(tag) =	ssettag $0x1  }
0x1: {  	s4 =	rddreg [dreg:$0x0]  }
0x2: {  	s0 =	rddreg [dreg:$0x1];
	_ =	strace $0x80000050;
	s3 =	stileid.u32  }
0x3: {  	s6 =	simm.s32 $0x3E;
	s1 =	sadd.s32 $0x8200, s4;
	p0 =	sne.s32 s3, $0x0  }
0x4: {  	[sflag:s6] =	ssyncpa.u1 $0x0;
	s31 =	smin.u32 s3, $0x4;
	p1 =	slt.u32 s3, $0x4  }
0x5: {  	s3 =	simm.s32 $0x10;
	s5 =	simm.s32 @!p0 $0x1C3E;
	s2 =	simm.s32 @!p0 $0x0  }
0x6: {  	[spmem:s2], [sflag:s5] =	dma.local @!p0 [hbm:s1], $0x10  }
0x7: {  	s3 =	simm.s32 @!p1 $0x0;
	s5 =	sshll.u32 s31, $0x4  }
0x8: {  	s3 =	sadd.s32 s3, s5  }
0x9: {  	s9 =	smin.u32 s3, $0x40  }
0xa: {  	s8 =	ssub.s32 s9, s5  }
0xb: {  	p1 =	sgt.s32 s8, $0x0  }
0xc: {  	s7 =	simm.s32 @!p0 $0x3E;
	s8 =	simm.s32 @!p1 $0x0  }
0xd: {  	_ =	swait.ge @!p0 [sflag:s7], $0x10;
	s10 =	sshrl.u32 s8, $0x4  }
0xe: {  	[sflag:s7] =	ssyncset.done @!p0 $0x0;
	s11 =	sadd.s32 $0x1, s10  }
0xf: {  	p3 =	por $0x0, $0x0;
	[sflag:s7] =	ssyncadd.s32 @!p0 $0xFFFFFFF0;
	p1 =	sne.s32 s11, $0x1  }
.Ltmp0:
0x10: {  	s3 =	simm.s32 $0x1;
	[bflag:$0x0] =	sbarrier.arrive $0xFFFF;
	(pc) =	sbr.rel @!p1 .LBB2_1-.Ltmp0, $4  }
0x11: {  	s7 =	sadd.s32 $0x88A00, s4;
	[sflag:s6] =	ssyncpa.u1 $0x1;
	s6 =	sadd.s32 $0x8000, s4  }
0x12: {  	s4 =	simm.s32 $0x2;
	s8 =	simm.s32 $0x0;
	p2 =	sle.u32 s10, $0x0  }
0x13: {  	[sflag:s3] =	ssyncpa.u1 $0x0;
	(ifvalue) =	ssetifvalue $0x80;
	s12 =	sxor.u32 @!p2 $0xFFFFFFFF, s8  }
0x14: {  	[sflag:s4] =	ssyncpa.u1 $0x0;
	s15 =	sshrl.u32 @!p2 s5, $0x3;
	s16 =	sand.u32 @!p2 $0x10, s12  }
0x15: {  	s12 =	sadd.s32 @!p2 s7, s15  }
0x16: {  	s13 =	sor.u32 @!p2 $0x8, s16;
	s14 =	sand.u32 @!p2 $0x7, s5;
	p1 =	por $0x1, $0x1  }
0x17: {  	[tilespmem:s13], [sflag:$0x2] =	stream.linear.gather @!p2 [hbm4b:s12+s14], $0x10, $0x38;
	[tilespmem:$0x48] =	vst v63  }
0x18: {  	s15 =	sadd.s32 @!p2 s6, s15;
	s12 =	sor.u32 @!p2 $0x28, s16;
	s13 =	simm.s32 @!p1 $0x2  }
0x19: {  	[tilespmem:s12], [sflag:$0x2] =	stream.linear.gather @!p2 [hbm4b:s15+s14], $0x10, $0x38;
	[tilespmem:$0x48] =	vst v63  }
0x1a: {  	_ =	swait.ge @!p1 [sflag:s13], $0x20  }
0x1b: {  	s8 =	sand.u32 @!p1 $0x10, s8;
	[sflag:s13] =	ssyncset.done @!p1 $0x0  }
0x1c: {  	s12 =	sor.u32 @!p1 $0x8, s8;
	[sflag:s13] =	ssyncadd.s32 @!p1 $0xFFFFFFE0  }
0x1d: {  	v0 =	vld.msk @!p1 [tilespmem:s12+$0x0 ss:$0x1], $0xffff;
	_ =	sdelay $0x3  }
0x1e: {  	p4 =	sne.s32 s11, $0x2  }
.Ltmp1:
0x1f: {  	s18 =	simm.s32 @!p1 $0x0;
	s17 =	simm.s32 @!p1 $0x1;
	v0 =	vmin.u32 @!p1 v0, $0x80;
	(pc) =	sbr.rel @!p4 .LBB2_3-.Ltmp1, $4  }
0x20: {  	s15 =	sadd.s32 $0x10, s5;
	p2 =	sle.u32 s10, $0x1;
	s14 =	smov.u32 s5  }
0x21: {  	p3 =	slt.s32 s15, s9;
	s13 =	sor.u32 @!p1 $0x28, s8;
	s8 =	simm.s32 $0x10  }
0x22: {  	s14 =	smov.u32 @p3 s15;
	p3 =	por $0x1, $0x1;
	s16 =	sxor.u32 @!p2 $0xFFFFFFFF, s8  }
0x23: {  	vm0 =	vmmov @!p1 $0xffff;
	s15 =	sshrl.u32 @!p2 s14, $0x3;
	s12 =	simm.s32 $0x2;
	s16 =	sand.u32 @!p2 $0x10, s16  }
.LBB2_4:
0x24: {  	[spmem:s18] =	stream.indirect_vreg.scatter.add.s32 @!p1 [tilespmem:s13], [sflag:$0x1], $0x1, v0, vm0, $0x4038;
	[tilespmem:$0x48] =	vst v63  }
0x25: {  	s13 =	sadd.s32 @!p2 s7, s15;
	s18 =	sor.u32 @!p2 $0x8, s16;
	_ =	swait.ge @!p1 [sflag:s17], $0x10  }
0x26: {  	s19 =	smov.u32 s12;
	s12 =	sadd.s32 $0x1, s12;
	[sflag:s17] =	ssyncset.done @!p1 $0x0  }
0x27: {  	s20 =	sand.u32 @!p2 $0x7, s14;
	[sflag:s17] =	ssyncadd.s32 @!p1 $0xFFFFFFF0;
	p1 =	seq.s32 s8, $0x0  }
0x28: {  	[tilespmem:s18], [sflag:$0x2] =	stream.linear.gather @!p2 [hbm4b:s13+s20], $0x10, $0x38;
	[tilespmem:$0x48] =	vst v63  }
0x29: {  	s16 =	sor.u32 @!p2 $0x28, s16;
	s17 =	simm.s32 @!p1 $0x2;
	s13 =	sand.u32 @!p1 $0x10, s8  }
0x2a: {  	s15 =	sadd.s32 @!p2 s6, s15;
	s18 =	sor.u32 @!p1 $0x8, s13;
	s13 =	sor.u32 @!p1 $0x28, s13  }
0x2b: {  	[tilespmem:s16], [sflag:$0x2] =	stream.linear.gather @!p2 [hbm4b:s15+s20], $0x10, $0x38;
	[tilespmem:$0x48] =	vst v63  }
0x2c: {  	p4 =	sne.s32 s11, s12;
	_ =	swait.ge @!p1 [sflag:s17], $0x20  }
0x2d: {  	[sflag:s17] =	ssyncset.done @!p1 $0x0  }
0x2e: {  	[sflag:s17] =	ssyncadd.s32 @!p1 $0xFFFFFFE0  }
0x2f: {  	v0 =	vld.msk @!p1 [tilespmem:s18+$0x0 ss:$0x1], $0xffff;
	_ =	sdelay $0x5  }
.Ltmp2:
0x30: {  	s8 =	sadd.s32 $0x10, s8;
	v0 =	vmin.u32 @!p1 v0, $0x80;
	(pc) =	sbr.rel @p4 .LBB2_4-.Ltmp2, $4  }
0x31: {  	vm0 =	vmmov @!p1 $0xffff;
	s15 =	sadd.s32 $0x10, s14;
	p2 =	sge.u32 s19, s10;
	s18 =	simm.s32 @!p1 $0x0  }
0x32: {  	s14 =	smov.u32 s5;
	p5 =	slt.s32 s15, s9;
	s17 =	simm.s32 @!p1 $0x1  }
0x33: {  	s16 =	sxor.u32 @!p2 $0xFFFFFFFF, s8;
	s14 =	smov.u32 @p5 s15  }
0x34: {  	s16 =	sand.u32 @!p2 $0x10, s16;
	s15 =	sshrl.u32 @!p2 s14, $0x3  }
0x35: {  	s5 =	smov.u32 s14  }
.LBB2_6:
0x36: {  	_ =	sdelay $0x2  }
0x37: {  	p3 =	por p1, !p3  }
0x38: {  	[spmem:s18] =	stream.indirect_vreg.scatter.add.s32 @!p3 [tilespmem:s13], [sflag:$0x1], $0x1, v0, vm0, $0x4038;
	[tilespmem:$0x48] =	vst v63  }
0x39: {  	_ =	swait.ge @!p3 [sflag:s17], $0x10  }
0x3a: {  	s7 =	sadd.s32 @!p2 s7, s15;
	s9 =	sor.u32 @!p2 $0x8, s16;
	[sflag:s17] =	ssyncset.done @!p3 $0x0  }
0x3b: {  	s5 =	sand.u32 @!p2 $0x7, s5;
	p1 =	seq.s32 s8, $0x0;
	[sflag:s17] =	ssyncadd.s32 @!p3 $0xFFFFFFF0  }
0x3c: {  	[tilespmem:s9], [sflag:$0x2] =	stream.linear.gather @!p2 [hbm4b:s7+s5], $0x10, $0x38;
	[tilespmem:$0x48] =	vst v63  }
0x3d: {  	s6 =	sadd.s32 @!p2 s6, s15;
	s7 =	sor.u32 @!p2 $0x28, s16;
	s9 =	simm.s32 @!p1 $0x2  }
0x3e: {  	[tilespmem:s7], [sflag:$0x2] =	stream.linear.gather @!p2 [hbm4b:s6+s5], $0x10, $0x38;
	[tilespmem:$0x48] =	vst v63  }
0x3f: {  	_ =	swait.ge @!p1 [sflag:s9], $0x20  }
0x40: {  	s5 =	sand.u32 @!p1 $0x10, s8;
	[sflag:s9] =	ssyncset.done @!p1 $0x0  }
0x41: {  	s6 =	sor.u32 @!p1 $0x8, s5;
	[sflag:s9] =	ssyncadd.s32 @!p1 $0xFFFFFFE0  }
0x42: {  	v0 =	vld.msk @!p1 [tilespmem:s6+$0x0 ss:$0x1], $0xffff;
	_ =	sdelay $0x4  }
0x43: {  	v0 =	vmin.u32 @!p1 v0, $0x80;
	_ =	sdelay $0x3  }
0x44: {  	vm0 =	vmmov @!p1 $0xffff;
	s7 =	simm.s32 @!p1 $0x1;
	s5 =	sor.u32 @!p1 $0x28, s5;
	s6 =	simm.s32 @!p1 $0x0  }
0x45: {  	[spmem:s6] =	stream.indirect_vreg.scatter.add.s32 @!p1 [tilespmem:s5], [sflag:$0x1], $0x1, v0, vm0, $0x4038;
	[tilespmem:$0x48] =	vst v63  }
0x46: {  	_ =	swait.ge @!p1 [sflag:s7], $0x10  }
0x47: {  	[sflag:s7] =	ssyncset.done @!p1 $0x0  }
0x48: {  	[sflag:s7] =	ssyncadd.s32 @!p1 $0xFFFFFFF0  }
0x49: {  	_ =	sfence.sel $0x180000  }
0x4a: {  	[bflag:$0x0] =	sbarrier.arrive $0xFFFF  }
0x4b: {  	[sflag:s4] =	ssyncpa.u1 $0x1  }
0x4c: {  	[sflag:s3] =	ssyncpa.u1 $0x1  }
0x4d: {  	_ =	sfence.stream.spmem  }
0x4e: {  	s31 =	simm.s32 $0x3D;
	[bflag:$0x0] =	sbarrier.arrive $0xFFFF  }
0x4f: {  	s3 =	simm.s32 @p0 $0x3D;
	[sflag:s31] =	ssyncpa.u1 $0x0  }
0x50: {  	[sflag:s3] =	ssyncpa.u1 @p0 $0x1  }
0x51: {  	[bflag:$0x0] =	sbarrier.arrive @p0 $0xFFFF  }
0x52: {  	_ =	strace @p0 $0x90000050  }
0x53: {  	s3 =	simm.s32 @!p0 $0x1C3D;
	[bflag:$0x2] =	sbarrier.arrive @p0 $0xFFFF  }
0x54: {  	[hbm:s1], [sflag:s3] =	dma.local @!p0 [spmem:s2], $0x10  }
0x55: {  	s1 =	simm.s32 @!p0 $0x3D  }
0x56: {  	_ =	swait.ge @!p0 [sflag:s1], $0x10  }
0x57: {  	[sflag:s1] =	ssyncset.done @!p0 $0x0  }
0x58: {  	[sflag:s1] =	ssyncadd.s32 @!p0 $0xFFFFFFF0  }
0x59: {  	[sflag:s1] =	ssyncpa.u1 @!p0 $0x1  }
0x5a: {  	[bflag:$0x0] =	sbarrier.arrive @!p0 $0xFFFF  }
0x5b: {  	_ =	strace @!p0 $0x90000050  }
0x5c: {  	s0 =	sadd.s32 @!p0 $0x100000, s0;
	[bflag:$0x2] =	sbarrier.arrive @!p0 $0xFFFF  }
0x5d: {  	[sflag:s0] =	ssyncadd.tile.s32 @!p0 $0x1;
	_ =	shalt  }
.LBB2_1:
.Ltmp3:
0x5e: {  	(pc) =	sbr.rel .LBB2_6-.Ltmp3, $2  }
0x5f: {  	_ =	sdelay $0x2  }
0x60: {  	_ = 	snop  }
.LBB2_3:
.Ltmp4:
0x61: {  	(pc) =	sbr.rel .LBB2_6-.Ltmp4, $2  }
0x62: {  	_ =	sdelay $0x2  }
0x63: {  	s5 =	smov.u32 s14  }
.Lfunc_end2:
_tile_overlayer_lowered:
.L_overlay_start_2:
0x64: {  	(tag) =	ssettag $0x2  }
0x65: {  	s0 =	rddreg [dreg:$0x0];
	s2 =	stileid.u32  }
0x66: {  	s1 =	rddreg [dreg:$0x1];
	p0 =	sne.s32 s2, $0x0  }
0x67: {  	s3 =	rddreg [dreg:$0x2];
	[bflag:$0x3] =	sbarrier.arrive $0xFFFF;
	s2 =	simm.s32 @!p0 $0x1C01  }
0x68: {  	[timem:s3], [sflag:s2] =	dma.local @!p0 [hbm:s0], s1  }
0x69: {  	s0 =	simm.s32 @!p0 $0x1  }
0x6a: {  	_ =	swait.ge @!p0 [sflag:s0], s1  }
0x6b: {  	s1 =	ssub.s32 @!p0 $0x0, s1;
	[sflag:s0] =	ssyncset.done @!p0 $0x0  }
0x6c: {  	[sflag:s0] =	ssyncadd.s32 @!p0 s1  }
0x6d: {  	[bflag:$0x3] =	sbarrier.arrive $0xFFFF  }
0x6e: {  	_ =	shalt  }

</sc_bundles>
